<compile_context>
chip_gen: v7x
topology: tpu7x:2x2x1
jax: 0.10.2.dev20260603
libtpu: 0.0.44.dev20260713+nightly
codegen_flags: <defaults>
</compile_context>

<pallas_src>
import functools

import jax
import jax.numpy as jnp
from jax import lax
from jax.experimental import pallas as pl
from jax.experimental.pallas import tpu as pltpu
from jax.experimental.pallas import tpu_sc as plsc

ZCH = 1000000
EMB = 64
N = 16384 * 20
NS = 16
LANES = 16
NROW = N // 128
RPT = NROW // NS
HSL = 62504
HSL_LAST = ZCH - 15 * HSL
HPAD = 16 * HSL

_mesh = plsc.VectorSubcoreMesh(core_axis_name="c", subcore_axis_name="s")


@functools.partial(
    pl.kernel,
    out_type=[
        jax.ShapeDtypeStruct((NROW, 128), jnp.int32),
        jax.ShapeDtypeStruct((NROW, 128), jnp.int32),
        jax.ShapeDtypeStruct((ZCH,), jnp.float32),
        jax.ShapeDtypeStruct((ZCH,), jnp.float32),
    ],
    mesh=_mesh,
    compiler_params=pltpu.CompilerParams(use_tc_tiling_on_sc=False),
    scratch_types=[
        pltpu.VMEM((RPT, 128), jnp.int32),
        pltpu.VMEM((128,), jnp.float32),
        pltpu.VMEM_SHARED((HPAD,), jnp.float32),
        pltpu.SemaphoreType.DMA,
        pltpu.SemaphoreType.DMA,
        pltpu.SemaphoreType.DMA,
    ],
)
def _sc_hist(v0_hbm, v1_hbm, zeros_hbm, r0_hbm, r1_hbm, h0_hbm, h1_hbm,
             idx_v, ones_v, hist_s, zsem, wsem, ssem):
    cid = lax.axis_index("c")
    tid = lax.axis_index("s")
    hoff = tid * HSL

    for k in range(128 // LANES):
        ones_v[pl.ds(k * LANES, LANES)] = jnp.full((LANES,), 1.0, jnp.float32)

    pltpu.async_copy(zeros_hbm.at[pl.ds(0, HSL)],
                     hist_s.at[pl.ds(hoff, HSL)], zsem)

    base = tid * RPT

    @pl.when(cid == 0)
    def _():
        pltpu.sync_copy(v0_hbm.at[pl.ds(base, RPT)], idx_v)

    @pl.when(cid == 1)
    def _():
        pltpu.sync_copy(v1_hbm.at[pl.ds(base, RPT)], idx_v)

    zmod = jnp.full((LANES,), ZCH, jnp.int32)

    def rem_row(i, _):
        for k in range(128 // LANES):
            sl = pl.ds(k * LANES, LANES)
            idx_v[i, sl] = lax.rem(idx_v[i, sl], zmod)
        return 0
    lax.fori_loop(0, RPT, rem_row, 0)

    @pl.when(cid == 0)
    def _():
        pltpu.async_copy(idx_v, r0_hbm.at[pl.ds(base, RPT)], wsem)

    @pl.when(cid == 1)
    def _():
        pltpu.async_copy(idx_v, r1_hbm.at[pl.ds(base, RPT)], wsem)

    pltpu.make_async_copy(zeros_hbm.at[pl.ds(0, HSL)],
                          hist_s.at[pl.ds(hoff, HSL)], zsem).wait()
    plsc.subcore_barrier()

    def blk(b, _):
        def fire(j, _):
            pltpu.async_copy(ones_v, hist_s.at[idx_v.at[b * 20 + j]],
                             ssem, add=True)
            return 0
        lax.fori_loop(0, 20, fire, 0)

        def drain(j, _):
            pltpu.make_async_copy(ones_v, hist_s.at[idx_v.at[0]],
                                  ssem).wait()
            return 0
        lax.fori_loop(0, 20, drain, 0)
        return 0
    lax.fori_loop(0, RPT // 20, blk, 0)
    plsc.subcore_barrier()

    hlen_last = HSL_LAST

    @pl.when((cid == 0) & (tid < NS - 1))
    def _():
        pltpu.sync_copy(hist_s.at[pl.ds(hoff, HSL)],
                        h0_hbm.at[pl.ds(hoff, HSL)])

    @pl.when((cid == 0) & (tid == NS - 1))
    def _():
        pltpu.sync_copy(hist_s.at[pl.ds(hoff, hlen_last)],
                        h0_hbm.at[pl.ds(hoff, hlen_last)])

    @pl.when((cid == 1) & (tid < NS - 1))
    def _():
        pltpu.sync_copy(hist_s.at[pl.ds(hoff, HSL)],
                        h1_hbm.at[pl.ds(hoff, HSL)])

    @pl.when((cid == 1) & (tid == NS - 1))
    def _():
        pltpu.sync_copy(hist_s.at[pl.ds(hoff, hlen_last)],
                        h1_hbm.at[pl.ds(hoff, hlen_last)])

    pltpu.make_async_copy(idx_v, r0_hbm.at[pl.ds(base, RPT)], wsem).wait()


BLK = 20480
NBLK = (ZCH + BLK - 1) // BLK


def _rowsum_body(t0_ref, t1_ref, o0_ref, o1_ref):
    o0_ref[...] = jnp.sum(t0_ref[...], axis=0)
    o1_ref[...] = jnp.sum(t1_ref[...], axis=0)


_rowsum = pl.pallas_call(
    _rowsum_body,
    grid=(NBLK,),
    in_specs=[pl.BlockSpec((EMB, BLK), lambda i: (0, i)),
              pl.BlockSpec((EMB, BLK), lambda i: (0, i))],
    out_specs=[pl.BlockSpec((BLK,), lambda i: (i,)),
               pl.BlockSpec((BLK,), lambda i: (i,))],
    out_shape=[jax.ShapeDtypeStruct((ZCH,), jnp.float32)] * 2,
)

DBLK = 131072
DNBLK = (ZCH + DBLK - 1) // DBLK


def _dot_body(h0_ref, r0_ref, h1_ref, r1_ref, out_ref, acc_ref):
    i = pl.program_id(0)

    @pl.when(i == 0)
    def _():
        acc_ref[...] = jnp.zeros_like(acc_ref)

    prod = h0_ref[...] * r0_ref[...] + h1_ref[...] * r1_ref[...]
    p2 = prod.reshape(DBLK // 128, 128)

    def tree_sum(x):
        s = x[0:8]
        for k in range(1, DBLK // 1024):
            s = s + x[k * 8:(k + 1) * 8]
        return s

    @pl.when(i < DNBLK - 1)
    def _():
        acc_ref[...] += tree_sum(p2)

    @pl.when(i == DNBLK - 1)
    def _():
        flat = (lax.broadcasted_iota(jnp.int32, (DBLK // 128, 128), 0) * 128
                + lax.broadcasted_iota(jnp.int32, (DBLK // 128, 128), 1))
        acc_ref[...] += tree_sum(jnp.where(flat < ZCH - i * DBLK, p2, 0.0))
        out_ref[0, 0] = jnp.sum(acc_ref[...])


_dot = pl.pallas_call(
    _dot_body,
    grid=(DNBLK,),
    in_specs=[pl.BlockSpec((DBLK,), lambda i: (i,))] * 4,
    out_specs=pl.BlockSpec(memory_space=pltpu.SMEM),
    out_shape=jax.ShapeDtypeStruct((1, 1), jnp.float32),
    scratch_shapes=[pltpu.VMEM((8, 128), jnp.float32)],
)


def kernel(values_0, values_1, table_0, table_1):
    v0 = values_0.reshape(NROW, 128)
    v1 = values_1.reshape(NROW, 128)
    zeros = jnp.zeros((HSL,), jnp.float32)
    r0, r1, h0, h1 = _sc_hist(v0, v1, zeros)
    rs0, rs1 = _rowsum(table_0.T, table_1.T)
    acc = _dot(h0, rs0, h1, rs1)
    loss = acc[0, 0] / jnp.float32(2 * N * EMB)
    return (loss, r0.reshape(N), r1.reshape(N))

# --- scband reference (transcript-rebuilt; emitter-appended) ---
"""Pipeline reference for scband-sparse-arch-66941360275484 (READ-ONLY COPY).

The authoritative reference and input builder live on the scoring server;
editing this copy changes nothing except your own understanding.
"""

import jax, jax.numpy as jnp
import numpy as np

ZCH0 = 1000000  # table_0 num_embeddings (zch_size)
ZCH1 = 1000000  # table_1 num_embeddings (zch_size)
EMB = 64
B = 16384
L = 20
INPUT_HASH_SIZE = 1000000


def setup_inputs(seed: int = 0) -> dict:
    key = jax.random.key(seed)
    k1, k2, k3, k4 = jax.random.split(key, 4)
    values_0 = jax.random.randint(k1, (B * L,), 0, INPUT_HASH_SIZE, dtype=jnp.int32)
    values_1 = jax.random.randint(k2, (B * L,), 0, INPUT_HASH_SIZE, dtype=jnp.int32)
    table_0 = jax.random.normal(k3, (ZCH0, EMB), dtype=jnp.float32) * 0.01
    table_1 = jax.random.normal(k4, (ZCH1, EMB), dtype=jnp.float32) * 0.01
    return {"values_0": values_0, "values_1": values_1, "table_0": table_0, "table_1": table_1}


def _mch_remap(ids, zch_size):
    # MCHManagedCollisionModule: deterministic remap of raw id space -> zch slots.
    # Modeled as a stateless hash (modulo) remapping for the reference.
    return jnp.mod(ids, zch_size)


def reference(values_0, values_1, table_0, table_1):
    # managed collision remapping per feature
    remapped_0 = _mch_remap(values_0, ZCH0)
    remapped_1 = _mch_remap(values_1, ZCH1)
    # EmbeddingCollection lookup (jagged values -> per-id embeddings)
    e0 = jnp.take(table_0, remapped_0, axis=0)
    e1 = jnp.take(table_1, remapped_1, axis=0)
    # pred = cat of JaggedTensor values for feature_0, feature_1
    pred = jnp.concatenate([e0, e1], axis=0)
    loss = pred.mean()
    return (loss, remapped_0, remapped_1)

if __name__ == "__main__":
    import jax
    _d = setup_inputs()
    print(jax.jit(kernel)(*tuple(_d.values())))

</pallas_src>

<mosaic_0001>
#map = affine_map<(d0, d1) -> (0, 0)>
#map1 = affine_map<(d0, d1) -> (0)>
module attributes {stable_mosaic.version = 14 : i64} {
  func.func @_sc_hist(%arg0: i32, %arg1: i32, %arg2: memref<2560x128xi32, #tpu.memory_space<hbm>>, %arg3: memref<2560x128xi32, #tpu.memory_space<hbm>>, %arg4: memref<62504xf32, #tpu.memory_space<hbm>>, %arg5: memref<2560x128xi32, #tpu.memory_space<hbm>>, %arg6: memref<2560x128xi32, #tpu.memory_space<hbm>>, %arg7: memref<1000000xf32, #tpu.memory_space<hbm>>, %arg8: memref<1000000xf32, #tpu.memory_space<hbm>>, %arg9: memref<160x128xi32, #tpu.memory_space<vmem>>, %arg10: memref<128xf32, #tpu.memory_space<vmem>>, %arg11: memref<1000064xf32, #tpu.memory_space<vmem_shared>>, %arg12: memref<!tpu.dma_semaphore, #tpu.memory_space<semaphore_mem>>, %arg13: memref<!tpu.dma_semaphore, #tpu.memory_space<semaphore_mem>>, %arg14: memref<!tpu.dma_semaphore, #tpu.memory_space<semaphore_mem>>) attributes {dimension_semantics = [#tpu.dimension_semantics<core_parallel>, #tpu.dimension_semantics<subcore_parallel>], iteration_bounds = array<i64: 2, 16>, scalar_prefetch = 0 : i64, scratch_operands = 6 : i64, tpu.core_type = #tpu.core_type<sc_vector_subcore>, window_params = [{transform_indices = #map}, {transform_indices = #map}, {transform_indices = #map1}, {transform_indices = #map}, {transform_indices = #map}, {transform_indices = #map1}, {transform_indices = #map1}]} {
    %mul3A = arith.constant 62504 : i32
    %mul3A_0 = arith.muli %arg1, %mul3A : i32
    %broadcast_in_dim3A = arith.constant 1.000000e+00 : f32
    %broadcast_in_dim3A_1 = vector.broadcast %broadcast_in_dim3A : f32 to vector<16xf32>
    %swap3A = arith.constant 0 : index
    %swap3A_2 = tpu.vector_load %arg10[%swap3A] {strides = array<i32>} : memref<128xf32, #tpu.memory_space<vmem>>, vector<16xf32>,
    %swap3A_3 = vector.shape_cast %swap3A_2 : vector<16xf32> to vector<16xf32>
    %swap3A_4 = vector.shape_cast %broadcast_in_dim3A_1 : vector<16xf32> to vector<16xf32>
    tpu.vector_store %arg10[%swap3A], %swap3A_4 {strides = array<i32>} : memref<128xf32, #tpu.memory_space<vmem>>, vector<16xf32>,
    %broadcast_in_dim3A_5 = arith.constant 1.000000e+00 : f32
    %broadcast_in_dim3A_6 = vector.broadcast %broadcast_in_dim3A_5 : f32 to vector<16xf32>
    %swap3A_7 = arith.constant 16 : index
    %swap3A_8 = tpu.vector_load %arg10[%swap3A_7] {strides = array<i32>} : memref<128xf32, #tpu.memory_space<vmem>>, vector<16xf32>,
    %swap3A_9 = vector.shape_cast %swap3A_8 : vector<16xf32> to vector<16xf32>
    %swap3A_10 = vector.shape_cast %broadcast_in_dim3A_6 : vector<16xf32> to vector<16xf32>
    tpu.vector_store %arg10[%swap3A_7], %swap3A_10 {strides = array<i32>} : memref<128xf32, #tpu.memory_space<vmem>>, vector<16xf32>,
    %broadcast_in_dim3A_11 = arith.constant 1.000000e+00 : f32
    %broadcast_in_dim3A_12 = vector.broadcast %broadcast_in_dim3A_11 : f32 to vector<16xf32>
    %swap3A_13 = arith.constant 32 : index
    %swap3A_14 = tpu.vector_load %arg10[%swap3A_13] {strides = array<i32>} : memref<128xf32, #tpu.memory_space<vmem>>, vector<16xf32>,
    %swap3A_15 = vector.shape_cast %swap3A_14 : vector<16xf32> to vector<16xf32>
    %swap3A_16 = vector.shape_cast %broadcast_in_dim3A_12 : vector<16xf32> to vector<16xf32>
    tpu.vector_store %arg10[%swap3A_13], %swap3A_16 {strides = array<i32>} : memref<128xf32, #tpu.memory_space<vmem>>, vector<16xf32>,
    %broadcast_in_dim3A_17 = arith.constant 1.000000e+00 : f32
    %broadcast_in_dim3A_18 = vector.broadcast %broadcast_in_dim3A_17 : f32 to vector<16xf32>
    %swap3A_19 = arith.constant 48 : index
    %swap3A_20 = tpu.vector_load %arg10[%swap3A_19] {strides = array<i32>} : memref<128xf32, #tpu.memory_space<vmem>>, vector<16xf32>,
    %swap3A_21 = vector.shape_cast %swap3A_20 : vector<16xf32> to vector<16xf32>
    %swap3A_22 = vector.shape_cast %broadcast_in_dim3A_18 : vector<16xf32> to vector<16xf32>
    tpu.vector_store %arg10[%swap3A_19], %swap3A_22 {strides = array<i32>} : memref<128xf32, #tpu.memory_space<vmem>>, vector<16xf32>,
    %broadcast_in_dim3A_23 = arith.constant 1.000000e+00 : f32
    %broadcast_in_dim3A_24 = vector.broadcast %broadcast_in_dim3A_23 : f32 to vector<16xf32>
    %swap3A_25 = arith.constant 64 : index
    %swap3A_26 = tpu.vector_load %arg10[%swap3A_25] {strides = array<i32>} : memref<128xf32, #tpu.memory_space<vmem>>, vector<16xf32>,
    %swap3A_27 = vector.shape_cast %swap3A_26 : vector<16xf32> to vector<16xf32>
    %swap3A_28 = vector.shape_cast %broadcast_in_dim3A_24 : vector<16xf32> to vector<16xf32>
    tpu.vector_store %arg10[%swap3A_25], %swap3A_28 {strides = array<i32>} : memref<128xf32, #tpu.memory_space<vmem>>, vector<16xf32>,
    %broadcast_in_dim3A_29 = arith.constant 1.000000e+00 : f32
    %broadcast_in_dim3A_30 = vector.broadcast %broadcast_in_dim3A_29 : f32 to vector<16xf32>
    %swap3A_31 = arith.constant 80 : index
    %swap3A_32 = tpu.vector_load %arg10[%swap3A_31] {strides = array<i32>} : memref<128xf32, #tpu.memory_space<vmem>>, vector<16xf32>,
    %swap3A_33 = vector.shape_cast %swap3A_32 : vector<16xf32> to vector<16xf32>
    %swap3A_34 = vector.shape_cast %broadcast_in_dim3A_30 : vector<16xf32> to vector<16xf32>
    tpu.vector_store %arg10[%swap3A_31], %swap3A_34 {strides = array<i32>} : memref<128xf32, #tpu.memory_space<vmem>>, vector<16xf32>,
    %broadcast_in_dim3A_35 = arith.constant 1.000000e+00 : f32
    %broadcast_in_dim3A_36 = vector.broadcast %broadcast_in_dim3A_35 : f32 to vector<16xf32>
    %swap3A_37 = arith.constant 96 : index
    %swap3A_38 = tpu.vector_load %arg10[%swap3A_37] {strides = array<i32>} : memref<128xf32, #tpu.memory_space<vmem>>, vector<16xf32>,
    %swap3A_39 = vector.shape_cast %swap3A_38 : vector<16xf32> to vector<16xf32>
    %swap3A_40 = vector.shape_cast %broadcast_in_dim3A_36 : vector<16xf32> to vector<16xf32>
    tpu.vector_store %arg10[%swap3A_37], %swap3A_40 {strides = array<i32>} : memref<128xf32, #tpu.memory_space<vmem>>, vector<16xf32>,
    %broadcast_in_dim3A_41 = arith.constant 1.000000e+00 : f32
    %broadcast_in_dim3A_42 = vector.broadcast %broadcast_in_dim3A_41 : f32 to vector<16xf32>
    %swap3A_43 = arith.constant 112 : index
    %swap3A_44 = tpu.vector_load %arg10[%swap3A_43] {strides = array<i32>} : memref<128xf32, #tpu.memory_space<vmem>>, vector<16xf32>,
    %swap3A_45 = vector.shape_cast %swap3A_44 : vector<16xf32> to vector<16xf32>
    %swap3A_46 = vector.shape_cast %broadcast_in_dim3A_42 : vector<16xf32> to vector<16xf32>
    tpu.vector_store %arg10[%swap3A_43], %swap3A_46 {strides = array<i32>} : memref<128xf32, #tpu.memory_space<vmem>>, vector<16xf32>,
    %dma_start3A = tpu.memref_slice %arg11[%mul3A_0] : memref<1000064xf32, #tpu.memory_space<vmem_shared>> -> memref<62504xf32, #tpu.memory_space<vmem_shared>>
    %dma_start3A_47 = arith.constant 0 : i32
    %dma_start3A_48 = tpu.memref_slice %arg4[%dma_start3A_47] : memref<62504xf32, #tpu.memory_space<hbm>> -> memref<62504xf32, #tpu.memory_space<hbm>>
    tpu.enqueue_dma source(%dma_start3A_48 : memref<62504xf32, #tpu.memory_space<hbm>>) target(%dma_start3A : memref<62504xf32, #tpu.memory_space<vmem_shared>>) target_semaphore(%arg12 : memref<!tpu.dma_semaphore, #tpu.memory_space<semaphore_mem>>)
    %mul3A_49 = arith.constant 160 : i32
    %mul3A_50 = arith.muli %arg1, %mul3A_49 : i32
    %eq3A = arith.constant 0 : i32
    %eq3A_51 = arith.cmpi eq, %arg0, %eq3A : i32
    %convert_element_type3A = arith.extui %eq3A_51 : i1 to i32
    %cond3A = arith.constant 0 : i32
    %cond3A_52 = arith.cmpi ne, %convert_element_type3A, %cond3A : i32
    scf.if %cond3A_52 {
      "tpu.region"() ({
        %run_scoped3A = tpu.sem_alloc : memref<!tpu.dma_semaphore, #tpu.memory_space<semaphore_mem>>
        %dma_start3A_120 = arith.constant 0 : i32
        %dma_start3A_121 = tpu.memref_slice %arg2[%mul3A_50, %dma_start3A_120] : memref<2560x128xi32, #tpu.memory_space<hbm>> -> memref<160x128xi32, #tpu.memory_space<hbm>>
        %dma_start3A_122 = arith.constant 0 : i32
        %dma_start3A_123 = tpu.memref_slice %arg2[%mul3A_50, %dma_start3A_122] : memref<2560x128xi32, #tpu.memory_space<hbm>> -> memref<160x128xi32, #tpu.memory_space<hbm>>
        tpu.enqueue_dma source(%dma_start3A_123 : memref<160x128xi32, #tpu.memory_space<hbm>>) target(%arg9 : memref<160x128xi32, #tpu.memory_space<vmem>>) target_semaphore(%run_scoped3A : memref<!tpu.dma_semaphore, #tpu.memory_space<semaphore_mem>>)
        %dma_wait3A_124 = arith.constant 0 : i32
        %dma_wait3A_125 = tpu.memref_slice %arg2[%mul3A_50, %dma_wait3A_124] : memref<2560x128xi32, #tpu.memory_space<hbm>> -> memref<160x128xi32, #tpu.memory_space<hbm>>
        %dma_wait3A_126 = arith.constant 0 : i32
        %dma_wait3A_127 = tpu.memref_slice %arg2[%mul3A_50, %dma_wait3A_126] : memref<2560x128xi32, #tpu.memory_space<hbm>> -> memref<160x128xi32, #tpu.memory_space<hbm>>
        tpu.wait_dma2 semaphore(%run_scoped3A : memref<!tpu.dma_semaphore, #tpu.memory_space<semaphore_mem>>) src(%dma_wait3A_127 : memref<160x128xi32, #tpu.memory_space<hbm>>) dst(%arg9 : memref<160x128xi32, #tpu.memory_space<vmem>>)
        tpu.yield
      }) : () -> ()
    } else {
    }
    %eq3A_53 = arith.constant 1 : i32
    %eq3A_54 = arith.cmpi eq, %arg0, %eq3A_53 : i32
    %convert_element_type3A_55 = arith.extui %eq3A_54 : i1 to i32
    %cond3A_56 = arith.constant 0 : i32
    %cond3A_57 = arith.cmpi ne, %convert_element_type3A_55, %cond3A_56 : i32
    scf.if %cond3A_57 {
      "tpu.region"() ({
        %run_scoped3A = tpu.sem_alloc : memref<!tpu.dma_semaphore, #tpu.memory_space<semaphore_mem>>
        %dma_start3A_120 = arith.constant 0 : i32
        %dma_start3A_121 = tpu.memref_slice %arg3[%mul3A_50, %dma_start3A_120] : memref<2560x128xi32, #tpu.memory_space<hbm>> -> memref<160x128xi32, #tpu.memory_space<hbm>>
        %dma_start3A_122 = arith.constant 0 : i32
        %dma_start3A_123 = tpu.memref_slice %arg3[%mul3A_50, %dma_start3A_122] : memref<2560x128xi32, #tpu.memory_space<hbm>> -> memref<160x128xi32, #tpu.memory_space<hbm>>
        tpu.enqueue_dma source(%dma_start3A_123 : memref<160x128xi32, #tpu.memory_space<hbm>>) target(%arg9 : memref<160x128xi32, #tpu.memory_space<vmem>>) target_semaphore(%run_scoped3A : memref<!tpu.dma_semaphore, #tpu.memory_space<semaphore_mem>>)
        %dma_wait3A_124 = arith.constant 0 : i32
        %dma_wait3A_125 = tpu.memref_slice %arg3[%mul3A_50, %dma_wait3A_124] : memref<2560x128xi32, #tpu.memory_space<hbm>> -> memref<160x128xi32, #tpu.memory_space<hbm>>
        %dma_wait3A_126 = arith.constant 0 : i32
        %dma_wait3A_127 = tpu.memref_slice %arg3[%mul3A_50, %dma_wait3A_126] : memref<2560x128xi32, #tpu.memory_space<hbm>> -> memref<160x128xi32, #tpu.memory_space<hbm>>
        tpu.wait_dma2 semaphore(%run_scoped3A : memref<!tpu.dma_semaphore, #tpu.memory_space<semaphore_mem>>) src(%dma_wait3A_127 : memref<160x128xi32, #tpu.memory_space<hbm>>) dst(%arg9 : memref<160x128xi32, #tpu.memory_space<vmem>>)
        tpu.yield
      }) : () -> ()
    } else {
    }
    %broadcast_in_dim3A_58 = arith.constant 1000000 : i32
    %broadcast_in_dim3A_59 = vector.broadcast %broadcast_in_dim3A_58 : i32 to vector<16xi32>
    %scan3A = arith.constant 0 : i32
    %scan3A_60 = arith.constant 0 : i32
    %scan3A_61 = arith.constant 160 : i32
    %scan3A_62 = arith.addi %scan3A_60, %scan3A_61 : i32
    %scan3A_63 = arith.constant 1 : i32
    %scan3A_64 = scf.for %scan3A_120 = %scan3A_60 to %scan3A_62 step %scan3A_63 iter_args(%scan3A_121 = %scan3A) -> (i32)  : i32 {
      %get3A = arith.index_cast %scan3A_120 : i32 to index
      %get3A_122 = arith.constant 0 : index
      %get3A_123 = tpu.vector_load %arg9[%get3A, %get3A_122] {strides = array<i32>} : memref<160x128xi32, #tpu.memory_space<vmem>>, vector<1x16xi32>,
      %get3A_124 = vector.shape_cast %get3A_123 : vector<1x16xi32> to vector<16xi32>
      %rem3A = arith.remsi %get3A_124, %broadcast_in_dim3A_59 : vector<16xi32>
      %swap3A_125 = arith.index_cast %scan3A_120 : i32 to index
      %swap3A_126 = arith.constant 0 : index
      %swap3A_127 = tpu.vector_load %arg9[%swap3A_125, %swap3A_126] {strides = array<i32>} : memref<160x128xi32, #tpu.memory_space<vmem>>, vector<1x16xi32>,
      %swap3A_128 = vector.shape_cast %swap3A_127 : vector<1x16xi32> to vector<16xi32>
      %swap3A_129 = vector.shape_cast %rem3A : vector<16xi32> to vector<1x16xi32>
      tpu.vector_store %arg9[%swap3A_125, %swap3A_126], %swap3A_129 {strides = array<i32>} : memref<160x128xi32, #tpu.memory_space<vmem>>, vector<1x16xi32>,
      %get3A_130 = arith.index_cast %scan3A_120 : i32 to index
      %get3A_131 = arith.constant 16 : index
      %get3A_132 = tpu.vector_load %arg9[%get3A_130, %get3A_131] {strides = array<i32>} : memref<160x128xi32, #tpu.memory_space<vmem>>, vector<1x16xi32>,
      %get3A_133 = vector.shape_cast %get3A_132 : vector<1x16xi32> to vector<16xi32>
      %rem3A_134 = arith.remsi %get3A_133, %broadcast_in_dim3A_59 : vector<16xi32>
      %swap3A_135 = arith.index_cast %scan3A_120 : i32 to index
      %swap3A_136 = arith.constant 16 : index
      %swap3A_137 = tpu.vector_load %arg9[%swap3A_135, %swap3A_136] {strides = array<i32>} : memref<160x128xi32, #tpu.memory_space<vmem>>, vector<1x16xi32>,
      %swap3A_138 = vector.shape_cast %swap3A_137 : vector<1x16xi32> to vector<16xi32>
      %swap3A_139 = vector.shape_cast %rem3A_134 : vector<16xi32> to vector<1x16xi32>
      tpu.vector_store %arg9[%swap3A_135, %swap3A_136], %swap3A_139 {strides = array<i32>} : memref<160x128xi32, #tpu.memory_space<vmem>>, vector<1x16xi32>,
      %get3A_140 = arith.index_cast %scan3A_120 : i32 to index
      %get3A_141 = arith.constant 32 : index
      %get3A_142 = tpu.vector_load %arg9[%get3A_140, %get3A_141] {strides = array<i32>} : memref<160x128xi32, #tpu.memory_space<vmem>>, vector<1x16xi32>,
      %get3A_143 = vector.shape_cast %get3A_142 : vector<1x16xi32> to vector<16xi32>
      %rem3A_144 = arith.remsi %get3A_143, %broadcast_in_dim3A_59 : vector<16xi32>
      %swap3A_145 = arith.index_cast %scan3A_120 : i32 to index
      %swap3A_146 = arith.constant 32 : index
      %swap3A_147 = tpu.vector_load %arg9[%swap3A_145, %swap3A_146] {strides = array<i32>} : memref<160x128xi32, #tpu.memory_space<vmem>>, vector<1x16xi32>,
      %swap3A_148 = vector.shape_cast %swap3A_147 : vector<1x16xi32> to vector<16xi32>
      %swap3A_149 = vector.shape_cast %rem3A_144 : vector<16xi32> to vector<1x16xi32>
      tpu.vector_store %arg9[%swap3A_145, %swap3A_146], %swap3A_149 {strides = array<i32>} : memref<160x128xi32, #tpu.memory_space<vmem>>, vector<1x16xi32>,
      %get3A_150 = arith.index_cast %scan3A_120 : i32 to index
      %get3A_151 = arith.constant 48 : index
      %get3A_152 = tpu.vector_load %arg9[%get3A_150, %get3A_151] {strides = array<i32>} : memref<160x128xi32, #tpu.memory_space<vmem>>, vector<1x16xi32>,
      %get3A_153 = vector.shape_cast %get3A_152 : vector<1x16xi32> to vector<16xi32>
      %rem3A_154 = arith.remsi %get3A_153, %broadcast_in_dim3A_59 : vector<16xi32>
      %swap3A_155 = arith.index_cast %scan3A_120 : i32 to index
      %swap3A_156 = arith.constant 48 : index
      %swap3A_157 = tpu.vector_load %arg9[%swap3A_155, %swap3A_156] {strides = array<i32>} : memref<160x128xi32, #tpu.memory_space<vmem>>, vector<1x16xi32>,
      %swap3A_158 = vector.shape_cast %swap3A_157 : vector<1x16xi32> to vector<16xi32>
      %swap3A_159 = vector.shape_cast %rem3A_154 : vector<16xi32> to vector<1x16xi32>
      tpu.vector_store %arg9[%swap3A_155, %swap3A_156], %swap3A_159 {strides = array<i32>} : memref<160x128xi32, #tpu.memory_space<vmem>>, vector<1x16xi32>,
      %get3A_160 = arith.index_cast %scan3A_120 : i32 to index
      %get3A_161 = arith.constant 64 : index
      %get3A_162 = tpu.vector_load %arg9[%get3A_160, %get3A_161] {strides = array<i32>} : memref<160x128xi32, #tpu.memory_space<vmem>>, vector<1x16xi32>,
      %get3A_163 = vector.shape_cast %get3A_162 : vector<1x16xi32> to vector<16xi32>
      %rem3A_164 = arith.remsi %get3A_163, %broadcast_in_dim3A_59 : vector<16xi32>
      %swap3A_165 = arith.index_cast %scan3A_120 : i32 to index
      %swap3A_166 = arith.constant 64 : index
      %swap3A_167 = tpu.vector_load %arg9[%swap3A_165, %swap3A_166] {strides = array<i32>} : memref<160x128xi32, #tpu.memory_space<vmem>>, vector<1x16xi32>,
      %swap3A_168 = vector.shape_cast %swap3A_167 : vector<1x16xi32> to vector<16xi32>
      %swap3A_169 = vector.shape_cast %rem3A_164 : vector<16xi32> to vector<1x16xi32>
      tpu.vector_store %arg9[%swap3A_165, %swap3A_166], %swap3A_169 {strides = array<i32>} : memref<160x128xi32, #tpu.memory_space<vmem>>, vector<1x16xi32>,
      %get3A_170 = arith.index_cast %scan3A_120 : i32 to index
      %get3A_171 = arith.constant 80 : index
      %get3A_172 = tpu.vector_load %arg9[%get3A_170, %get3A_171] {strides = array<i32>} : memref<160x128xi32, #tpu.memory_space<vmem>>, vector<1x16xi32>,
      %get3A_173 = vector.shape_cast %get3A_172 : vector<1x16xi32> to vector<16xi32>
      %rem3A_174 = arith.remsi %get3A_173, %broadcast_in_dim3A_59 : vector<16xi32>
      %swap3A_175 = arith.index_cast %scan3A_120 : i32 to index
      %swap3A_176 = arith.constant 80 : index
      %swap3A_177 = tpu.vector_load %arg9[%swap3A_175, %swap3A_176] {strides = array<i32>} : memref<160x128xi32, #tpu.memory_space<vmem>>, vector<1x16xi32>,
      %swap3A_178 = vector.shape_cast %swap3A_177 : vector<1x16xi32> to vector<16xi32>
      %swap3A_179 = vector.shape_cast %rem3A_174 : vector<16xi32> to vector<1x16xi32>
      tpu.vector_store %arg9[%swap3A_175, %swap3A_176], %swap3A_179 {strides = array<i32>} : memref<160x128xi32, #tpu.memory_space<vmem>>, vector<1x16xi32>,
      %get3A_180 = arith.index_cast %scan3A_120 : i32 to index
      %get3A_181 = arith.constant 96 : index
      %get3A_182 = tpu.vector_load %arg9[%get3A_180, %get3A_181] {strides = array<i32>} : memref<160x128xi32, #tpu.memory_space<vmem>>, vector<1x16xi32>,
      %get3A_183 = vector.shape_cast %get3A_182 : vector<1x16xi32> to vector<16xi32>
      %rem3A_184 = arith.remsi %get3A_183, %broadcast_in_dim3A_59 : vector<16xi32>
      %swap3A_185 = arith.index_cast %scan3A_120 : i32 to index
      %swap3A_186 = arith.constant 96 : index
      %swap3A_187 = tpu.vector_load %arg9[%swap3A_185, %swap3A_186] {strides = array<i32>} : memref<160x128xi32, #tpu.memory_space<vmem>>, vector<1x16xi32>,
      %swap3A_188 = vector.shape_cast %swap3A_187 : vector<1x16xi32> to vector<16xi32>
      %swap3A_189 = vector.shape_cast %rem3A_184 : vector<16xi32> to vector<1x16xi32>
      tpu.vector_store %arg9[%swap3A_185, %swap3A_186], %swap3A_189 {strides = array<i32>} : memref<160x128xi32, #tpu.memory_space<vmem>>, vector<1x16xi32>,
      %get3A_190 = arith.index_cast %scan3A_120 : i32 to index
      %get3A_191 = arith.constant 112 : index
      %get3A_192 = tpu.vector_load %arg9[%get3A_190, %get3A_191] {strides = array<i32>} : memref<160x128xi32, #tpu.memory_space<vmem>>, vector<1x16xi32>,
      %get3A_193 = vector.shape_cast %get3A_192 : vector<1x16xi32> to vector<16xi32>
      %rem3A_194 = arith.remsi %get3A_193, %broadcast_in_dim3A_59 : vector<16xi32>
      %swap3A_195 = arith.index_cast %scan3A_120 : i32 to index
      %swap3A_196 = arith.constant 112 : index
      %swap3A_197 = tpu.vector_load %arg9[%swap3A_195, %swap3A_196] {strides = array<i32>} : memref<160x128xi32, #tpu.memory_space<vmem>>, vector<1x16xi32>,
      %swap3A_198 = vector.shape_cast %swap3A_197 : vector<1x16xi32> to vector<16xi32>
      %swap3A_199 = vector.shape_cast %rem3A_194 : vector<16xi32> to vector<1x16xi32>
      tpu.vector_store %arg9[%swap3A_195, %swap3A_196], %swap3A_199 {strides = array<i32>} : memref<160x128xi32, #tpu.memory_space<vmem>>, vector<1x16xi32>,
      %scan3A_200 = arith.constant 0 : i32
      scf.yield %scan3A_200 : i32
    }
    %scan3A_65 = arith.constant 160 : i32
    %eq3A_66 = arith.constant 0 : i32
    %eq3A_67 = arith.cmpi eq, %arg0, %eq3A_66 : i32
    %convert_element_type3A_68 = arith.extui %eq3A_67 : i1 to i32
    %cond3A_69 = arith.constant 0 : i32
    %cond3A_70 = arith.cmpi ne, %convert_element_type3A_68, %cond3A_69 : i32
    scf.if %cond3A_70 {
      %dma_start3A_120 = arith.constant 0 : i32
      %dma_start3A_121 = tpu.memref_slice %arg5[%mul3A_50, %dma_start3A_120] : memref<2560x128xi32, #tpu.memory_space<hbm>> -> memref<160x128xi32, #tpu.memory_space<hbm>>
      %dma_start3A_122 = arith.constant 0 : i32
      %dma_start3A_123 = tpu.memref_slice %arg5[%mul3A_50, %dma_start3A_122] : memref<2560x128xi32, #tpu.memory_space<hbm>> -> memref<160x128xi32, #tpu.memory_space<hbm>>
      tpu.enqueue_dma source(%arg9 : memref<160x128xi32, #tpu.memory_space<vmem>>) target(%dma_start3A_123 : memref<160x128xi32, #tpu.memory_space<hbm>>) target_semaphore(%arg13 : memref<!tpu.dma_semaphore, #tpu.memory_space<semaphore_mem>>)
    } else {
    }
    %eq3A_71 = arith.constant 1 : i32
    %eq3A_72 = arith.cmpi eq, %arg0, %eq3A_71 : i32
    %convert_element_type3A_73 = arith.extui %eq3A_72 : i1 to i32
    %cond3A_74 = arith.constant 0 : i32
    %cond3A_75 = arith.cmpi ne, %convert_element_type3A_73, %cond3A_74 : i32
    scf.if %cond3A_75 {
      %dma_start3A_120 = arith.constant 0 : i32
      %dma_start3A_121 = tpu.memref_slice %arg6[%mul3A_50, %dma_start3A_120] : memref<2560x128xi32, #tpu.memory_space<hbm>> -> memref<160x128xi32, #tpu.memory_space<hbm>>
      %dma_start3A_122 = arith.constant 0 : i32
      %dma_start3A_123 = tpu.memref_slice %arg6[%mul3A_50, %dma_start3A_122] : memref<2560x128xi32, #tpu.memory_space<hbm>> -> memref<160x128xi32, #tpu.memory_space<hbm>>
      tpu.enqueue_dma source(%arg9 : memref<160x128xi32, #tpu.memory_space<vmem>>) target(%dma_start3A_123 : memref<160x128xi32, #tpu.memory_space<hbm>>) target_semaphore(%arg13 : memref<!tpu.dma_semaphore, #tpu.memory_space<semaphore_mem>>)
    } else {
    }
    %dma_wait3A = tpu.memref_slice %arg11[%mul3A_0] : memref<1000064xf32, #tpu.memory_space<vmem_shared>> -> memref<62504xf32, #tpu.memory_space<vmem_shared>>
    %dma_wait3A_76 = arith.constant 0 : i32
    %dma_wait3A_77 = tpu.memref_slice %arg4[%dma_wait3A_76] : memref<62504xf32, #tpu.memory_space<hbm>> -> memref<62504xf32, #tpu.memory_space<hbm>>
    tpu.wait_dma2 semaphore(%arg12 : memref<!tpu.dma_semaphore, #tpu.memory_space<semaphore_mem>>) src(%dma_wait3A_77 : memref<62504xf32, #tpu.memory_space<hbm>>) dst(%dma_wait3A : memref<62504xf32, #tpu.memory_space<vmem_shared>>)
    %barrier3A = arith.constant 0 : index
    tpu.barrier barrier_id(%barrier3A)
    %scan3A_78 = arith.constant 0 : i32
    %scan3A_79 = arith.constant 0 : i32
    %scan3A_80 = arith.constant 8 : i32
    %scan3A_81 = arith.addi %scan3A_79, %scan3A_80 : i32
    %scan3A_82 = arith.constant 1 : i32
    %scan3A_83 = scf.for %scan3A_120 = %scan3A_79 to %scan3A_81 step %scan3A_82 iter_args(%scan3A_121 = %scan3A_78) -> (i32)  : i32 {
      %scan3A_122 = arith.constant 0 : i32
      %scan3A_123 = arith.constant 0 : i32
      %scan3A_124 = arith.constant 20 : i32
      %scan3A_125 = arith.addi %scan3A_123, %scan3A_124 : i32
      %scan3A_126 = arith.constant 1 : i32
      %scan3A_127 = scf.for %scan3A_137 = %scan3A_123 to %scan3A_125 step %scan3A_126 iter_args(%scan3A_138 = %scan3A_122) -> (i32)  : i32 {
        %mul3A_139 = arith.constant 20 : i32
        %mul3A_140 = arith.muli %scan3A_120, %mul3A_139 : i32
        %add3A = arith.addi %mul3A_140, %scan3A_137 : i32
        %dma_start3A_141 = arith.constant 0 : i32
        %dma_start3A_142 = tpu.memref_slice %arg9[%add3A, %dma_start3A_141] : memref<160x128xi32, #tpu.memory_space<vmem>> -> memref<1x128xi32, #tpu.memory_space<vmem>>
        %dma_start3A_143 = tpu.memref_squeeze %dma_start3A_142 : memref<1x128xi32, #tpu.memory_space<vmem>> -> memref<128xi32, #tpu.memory_space<vmem>>
        %dma_start3A_144 = arith.constant 0 : i32
        %dma_start3A_145 = tpu.memref_slice %arg11[%dma_start3A_144] : memref<1000064xf32, #tpu.memory_space<vmem_shared>> -> memref<1000064xf32, #tpu.memory_space<vmem_shared>>
        tpu.enqueue_indirect_dma source(%arg10 : memref<128xf32, #tpu.memory_space<vmem>>) target(%dma_start3A_145 : memref<1000064xf32, #tpu.memory_space<vmem_shared>>) offsets(%dma_start3A_143 : memref<128xi32, #tpu.memory_space<vmem>>) semaphore(%arg14 : memref<!tpu.dma_semaphore, #tpu.memory_space<semaphore_mem>>) {add = true}
        %scan3A_146 = arith.constant 0 : i32
        scf.yield %scan3A_146 : i32
      }
      %scan3A_128 = arith.constant 20 : i32
      %scan3A_129 = arith.constant 0 : i32
      %scan3A_130 = arith.constant 0 : i32
      %scan3A_131 = arith.constant 20 : i32
      %scan3A_132 = arith.addi %scan3A_130, %scan3A_131 : i32
      %scan3A_133 = arith.constant 1 : i32
      %scan3A_134 = scf.for %scan3A_137 = %scan3A_130 to %scan3A_132 step %scan3A_133 iter_args(%scan3A_138 = %scan3A_129) -> (i32)  : i32 {
        %dma_wait3A_139 = arith.constant 0 : i32
        %dma_wait3A_140 = arith.constant 0 : i32
        %dma_wait3A_141 = tpu.memref_slice %arg9[%dma_wait3A_139, %dma_wait3A_140] : memref<160x128xi32, #tpu.memory_space<vmem>> -> memref<1x128xi32, #tpu.memory_space<vmem>>
        %dma_wait3A_142 = tpu.memref_squeeze %dma_wait3A_141 : memref<1x128xi32, #tpu.memory_space<vmem>> -> memref<128xi32, #tpu.memory_space<vmem>>
        %dma_wait3A_143 = arith.constant 0 : i32
        %dma_wait3A_144 = tpu.memref_slice %arg11[%dma_wait3A_143] : memref<1000064xf32, #tpu.memory_space<vmem_shared>> -> memref<1000064xf32, #tpu.memory_space<vmem_shared>>
        tpu.wait_indirect_dma semaphore(%arg14 : memref<!tpu.dma_semaphore, #tpu.memory_space<semaphore_mem>>) src(%arg10 : memref<128xf32, #tpu.memory_space<vmem>>) dst(%dma_wait3A_144 : memref<1000064xf32, #tpu.memory_space<vmem_shared>>)
        %scan3A_145 = arith.constant 0 : i32
        scf.yield %scan3A_145 : i32
      }
      %scan3A_135 = arith.constant 20 : i32
      %scan3A_136 = arith.constant 0 : i32
      scf.yield %scan3A_136 : i32
    }
    %scan3A_84 = arith.constant 8 : i32
    %barrier3A_85 = arith.constant 0 : index
    tpu.barrier barrier_id(%barrier3A_85)
    %eq3A_86 = arith.constant 0 : i32
    %eq3A_87 = arith.cmpi eq, %arg0, %eq3A_86 : i32
    %lt3A = arith.constant 15 : i32
    %lt3A_88 = arith.cmpi slt, %arg1, %lt3A : i32
    %and3A = arith.andi %eq3A_87, %lt3A_88 : i1
    %convert_element_type3A_89 = arith.extui %and3A : i1 to i32
    %cond3A_90 = arith.constant 0 : i32
    %cond3A_91 = arith.cmpi ne, %convert_element_type3A_89, %cond3A_90 : i32
    scf.if %cond3A_91 {
      "tpu.region"() ({
        %run_scoped3A = tpu.sem_alloc : memref<!tpu.dma_semaphore, #tpu.memory_space<semaphore_mem>>
        %dma_start3A_120 = tpu.memref_slice %arg7[%mul3A_0] : memref<1000000xf32, #tpu.memory_space<hbm>> -> memref<62504xf32, #tpu.memory_space<hbm>>
        %dma_start3A_121 = tpu.memref_slice %arg11[%mul3A_0] : memref<1000064xf32, #tpu.memory_space<vmem_shared>> -> memref<62504xf32, #tpu.memory_space<vmem_shared>>
        tpu.enqueue_dma source(%dma_start3A_121 : memref<62504xf32, #tpu.memory_space<vmem_shared>>) target(%dma_start3A_120 : memref<62504xf32, #tpu.memory_space<hbm>>) target_semaphore(%run_scoped3A : memref<!tpu.dma_semaphore, #tpu.memory_space<semaphore_mem>>)
        %dma_wait3A_122 = tpu.memref_slice %arg7[%mul3A_0] : memref<1000000xf32, #tpu.memory_space<hbm>> -> memref<62504xf32, #tpu.memory_space<hbm>>
        %dma_wait3A_123 = tpu.memref_slice %arg11[%mul3A_0] : memref<1000064xf32, #tpu.memory_space<vmem_shared>> -> memref<62504xf32, #tpu.memory_space<vmem_shared>>
        tpu.wait_dma2 semaphore(%run_scoped3A : memref<!tpu.dma_semaphore, #tpu.memory_space<semaphore_mem>>) src(%dma_wait3A_123 : memref<62504xf32, #tpu.memory_space<vmem_shared>>) dst(%dma_wait3A_122 : memref<62504xf32, #tpu.memory_space<hbm>>)
        tpu.yield
      }) : () -> ()
    } else {
    }
    %eq3A_92 = arith.constant 0 : i32
    %eq3A_93 = arith.cmpi eq, %arg0, %eq3A_92 : i32
    %eq3A_94 = arith.constant 15 : i32
    %eq3A_95 = arith.cmpi eq, %arg1, %eq3A_94 : i32
    %and3A_96 = arith.andi %eq3A_93, %eq3A_95 : i1
    %convert_element_type3A_97 = arith.extui %and3A_96 : i1 to i32
    %cond3A_98 = arith.constant 0 : i32
    %cond3A_99 = arith.cmpi ne, %convert_element_type3A_97, %cond3A_98 : i32
    scf.if %cond3A_99 {
      "tpu.region"() ({
        %run_scoped3A = tpu.sem_alloc : memref<!tpu.dma_semaphore, #tpu.memory_space<semaphore_mem>>
        %dma_start3A_120 = tpu.memref_slice %arg7[%mul3A_0] : memref<1000000xf32, #tpu.memory_space<hbm>> -> memref<62440xf32, #tpu.memory_space<hbm>>
        %dma_start3A_121 = tpu.memref_slice %arg11[%mul3A_0] : memref<1000064xf32, #tpu.memory_space<vmem_shared>> -> memref<62440xf32, #tpu.memory_space<vmem_shared>>
        tpu.enqueue_dma source(%dma_start3A_121 : memref<62440xf32, #tpu.memory_space<vmem_shared>>) target(%dma_start3A_120 : memref<62440xf32, #tpu.memory_space<hbm>>) target_semaphore(%run_scoped3A : memref<!tpu.dma_semaphore, #tpu.memory_space<semaphore_mem>>)
        %dma_wait3A_122 = tpu.memref_slice %arg7[%mul3A_0] : memref<1000000xf32, #tpu.memory_space<hbm>> -> memref<62440xf32, #tpu.memory_space<hbm>>
        %dma_wait3A_123 = tpu.memref_slice %arg11[%mul3A_0] : memref<1000064xf32, #tpu.memory_space<vmem_shared>> -> memref<62440xf32, #tpu.memory_space<vmem_shared>>
        tpu.wait_dma2 semaphore(%run_scoped3A : memref<!tpu.dma_semaphore, #tpu.memory_space<semaphore_mem>>) src(%dma_wait3A_123 : memref<62440xf32, #tpu.memory_space<vmem_shared>>) dst(%dma_wait3A_122 : memref<62440xf32, #tpu.memory_space<hbm>>)
        tpu.yield
      }) : () -> ()
    } else {
    }
    %eq3A_100 = arith.constant 1 : i32
    %eq3A_101 = arith.cmpi eq, %arg0, %eq3A_100 : i32
    %lt3A_102 = arith.constant 15 : i32
    %lt3A_103 = arith.cmpi slt, %arg1, %lt3A_102 : i32
    %and3A_104 = arith.andi %eq3A_101, %lt3A_103 : i1
    %convert_element_type3A_105 = arith.extui %and3A_104 : i1 to i32
    %cond3A_106 = arith.constant 0 : i32
    %cond3A_107 = arith.cmpi ne, %convert_element_type3A_105, %cond3A_106 : i32
    scf.if %cond3A_107 {
      "tpu.region"() ({
        %run_scoped3A = tpu.sem_alloc : memref<!tpu.dma_semaphore, #tpu.memory_space<semaphore_mem>>
        %dma_start3A_120 = tpu.memref_slice %arg8[%mul3A_0] : memref<1000000xf32, #tpu.memory_space<hbm>> -> memref<62504xf32, #tpu.memory_space<hbm>>
        %dma_start3A_121 = tpu.memref_slice %arg11[%mul3A_0] : memref<1000064xf32, #tpu.memory_space<vmem_shared>> -> memref<62504xf32, #tpu.memory_space<vmem_shared>>
        tpu.enqueue_dma source(%dma_start3A_121 : memref<62504xf32, #tpu.memory_space<vmem_shared>>) target(%dma_start3A_120 : memref<62504xf32, #tpu.memory_space<hbm>>) target_semaphore(%run_scoped3A : memref<!tpu.dma_semaphore, #tpu.memory_space<semaphore_mem>>)
        %dma_wait3A_122 = tpu.memref_slice %arg8[%mul3A_0] : memref<1000000xf32, #tpu.memory_space<hbm>> -> memref<62504xf32, #tpu.memory_space<hbm>>
        %dma_wait3A_123 = tpu.memref_slice %arg11[%mul3A_0] : memref<1000064xf32, #tpu.memory_space<vmem_shared>> -> memref<62504xf32, #tpu.memory_space<vmem_shared>>
        tpu.wait_dma2 semaphore(%run_scoped3A : memref<!tpu.dma_semaphore, #tpu.memory_space<semaphore_mem>>) src(%dma_wait3A_123 : memref<62504xf32, #tpu.memory_space<vmem_shared>>) dst(%dma_wait3A_122 : memref<62504xf32, #tpu.memory_space<hbm>>)
        tpu.yield
      }) : () -> ()
    } else {
    }
    %eq3A_108 = arith.constant 1 : i32
    %eq3A_109 = arith.cmpi eq, %arg0, %eq3A_108 : i32
    %eq3A_110 = arith.constant 15 : i32
    %eq3A_111 = arith.cmpi eq, %arg1, %eq3A_110 : i32
    %and3A_112 = arith.andi %eq3A_109, %eq3A_111 : i1
    %convert_element_type3A_113 = arith.extui %and3A_112 : i1 to i32
    %cond3A_114 = arith.constant 0 : i32
    %cond3A_115 = arith.cmpi ne, %convert_element_type3A_113, %cond3A_114 : i32
    scf.if %cond3A_115 {
      "tpu.region"() ({
        %run_scoped3A = tpu.sem_alloc : memref<!tpu.dma_semaphore, #tpu.memory_space<semaphore_mem>>
        %dma_start3A_120 = tpu.memref_slice %arg8[%mul3A_0] : memref<1000000xf32, #tpu.memory_space<hbm>> -> memref<62440xf32, #tpu.memory_space<hbm>>
        %dma_start3A_121 = tpu.memref_slice %arg11[%mul3A_0] : memref<1000064xf32, #tpu.memory_space<vmem_shared>> -> memref<62440xf32, #tpu.memory_space<vmem_shared>>
        tpu.enqueue_dma source(%dma_start3A_121 : memref<62440xf32, #tpu.memory_space<vmem_shared>>) target(%dma_start3A_120 : memref<62440xf32, #tpu.memory_space<hbm>>) target_semaphore(%run_scoped3A : memref<!tpu.dma_semaphore, #tpu.memory_space<semaphore_mem>>)
        %dma_wait3A_122 = tpu.memref_slice %arg8[%mul3A_0] : memref<1000000xf32, #tpu.memory_space<hbm>> -> memref<62440xf32, #tpu.memory_space<hbm>>
        %dma_wait3A_123 = tpu.memref_slice %arg11[%mul3A_0] : memref<1000064xf32, #tpu.memory_space<vmem_shared>> -> memref<62440xf32, #tpu.memory_space<vmem_shared>>
        tpu.wait_dma2 semaphore(%run_scoped3A : memref<!tpu.dma_semaphore, #tpu.memory_space<semaphore_mem>>) src(%dma_wait3A_123 : memref<62440xf32, #tpu.memory_space<vmem_shared>>) dst(%dma_wait3A_122 : memref<62440xf32, #tpu.memory_space<hbm>>)
        tpu.yield
      }) : () -> ()
    } else {
    }
    %dma_wait3A_116 = arith.constant 0 : i32
    %dma_wait3A_117 = tpu.memref_slice %arg5[%mul3A_50, %dma_wait3A_116] : memref<2560x128xi32, #tpu.memory_space<hbm>> -> memref<160x128xi32, #tpu.memory_space<hbm>>
    %dma_wait3A_118 = arith.constant 0 : i32
    %dma_wait3A_119 = tpu.memref_slice %arg5[%mul3A_50, %dma_wait3A_118] : memref<2560x128xi32, #tpu.memory_space<hbm>> -> memref<160x128xi32, #tpu.memory_space<hbm>>
    tpu.wait_dma2 semaphore(%arg13 : memref<!tpu.dma_semaphore, #tpu.memory_space<semaphore_mem>>) src(%arg9 : memref<160x128xi32, #tpu.memory_space<vmem>>) dst(%dma_wait3A_119 : memref<160x128xi32, #tpu.memory_space<hbm>>)
    return
  }
}

module attributes {stable_mosaic.version = 14 : i64} {
  func.func @_dot_body(%arg0: i32, %arg1: memref<131072xf32, #tpu.memory_space<vmem>>, %arg2: memref<131072xf32, #tpu.memory_space<vmem>>, %arg3: memref<131072xf32, #tpu.memory_space<vmem>>, %arg4: memref<131072xf32, #tpu.memory_space<vmem>>, %arg5: memref<1x1xf32, #tpu.memory_space<smem>>, %arg6: memref<8x128xf32, #tpu.memory_space<vmem>>) attributes {dimension_semantics = [#tpu.dimension_semantics<arbitrary>], iteration_bounds = array<i64: 8>, scalar_prefetch = 0 : i64, scratch_operands = 1 : i64, tpu.core_type = #tpu.core_type<tc>, window_params = [{transform_indices = @transform_0, window_bounds = array<i64: 131072>}, {transform_indices = @transform_1, window_bounds = array<i64: 131072>}, {transform_indices = @transform_2, window_bounds = array<i64: 131072>}, {transform_indices = @transform_3, window_bounds = array<i64: 131072>}, {transform_indices = @transform_4, window_bounds = array<i64: 1, 1>}]} {
    %eq3A = arith.constant 0 : i32
    %eq3A_0 = arith.cmpi eq, %arg0, %eq3A : i32
    %convert_element_type3A = arith.extui %eq3A_0 : i1 to i32
    %cond3A = arith.constant 0 : i32
    %cond3A_1 = arith.cmpi ne, %convert_element_type3A, %cond3A : i32
    scf.if %cond3A_1 {
      %broadcast_in_dim3A = arith.constant 0.000000e+00 : f32
      %broadcast_in_dim3A_19 = vector.broadcast %broadcast_in_dim3A : f32 to vector<8x128xf32>
      %swap3A = arith.constant 0 : index
      %swap3A_20 = arith.constant 0 : index
      %swap3A_21 = vector.load %arg6[%swap3A, %swap3A_20] : memref<8x128xf32, #tpu.memory_space<vmem>>, vector<8x128xf32>
      tpu.vector_store %arg6[%swap3A, %swap3A_20], %broadcast_in_dim3A_19 {strides = array<i32>} : memref<8x128xf32, #tpu.memory_space<vmem>>, vector<8x128xf32>,
    } else {
    }
    %get3A = arith.constant 0 : index
    %get3A_2 = vector.load %arg1[%get3A] : memref<131072xf32, #tpu.memory_space<vmem>>, vector<131072xf32>
    %get3A_3 = arith.constant 0 : index
    %get3A_4 = vector.load %arg2[%get3A_3] : memref<131072xf32, #tpu.memory_space<vmem>>, vector<131072xf32>
    %mul3A = arith.mulf %get3A_2, %get3A_4 : vector<131072xf32>
    %get3A_5 = arith.constant 0 : index
    %get3A_6 = vector.load %arg3[%get3A_5] : memref<131072xf32, #tpu.memory_space<vmem>>, vector<131072xf32>
    %get3A_7 = arith.constant 0 : index
    %get3A_8 = vector.load %arg4[%get3A_7] : memref<131072xf32, #tpu.memory_space<vmem>>, vector<131072xf32>
    %mul3A_9 = arith.mulf %get3A_6, %get3A_8 : vector<131072xf32>
    %add3A = arith.addf %mul3A, %mul3A_9 : vector<131072xf32>
    %reshape3A = vector.shape_cast %add3A : vector<131072xf32> to vector<1024x128xf32>
    %lt3A = arith.constant 7 : i32
    %lt3A_10 = arith.cmpi slt, %arg0, %lt3A : i32
    %convert_element_type3A_11 = arith.extui %lt3A_10 : i1 to i32
    %cond3A_12 = arith.constant 0 : i32
    %cond3A_13 = arith.cmpi ne, %convert_element_type3A_11, %cond3A_12 : i32
    scf.if %cond3A_13 {
      %get3A_19 = arith.constant 0 : index
      %get3A_20 = arith.constant 0 : index
      %get3A_21 = vector.load %arg6[%get3A_19, %get3A_20] : memref<8x128xf32, #tpu.memory_space<vmem>>, vector<8x128xf32>
      %slice3A = vector.extract_strided_slice %reshape3A {offsets = [0, 0], sizes = [8, 128], strides = [1, 1]} : vector<1024x128xf32> to vector<8x128xf32>
      %slice3A_22 = vector.extract_strided_slice %reshape3A {offsets = [8, 0], sizes = [8, 128], strides = [1, 1]} : vector<1024x128xf32> to vector<8x128xf32>
      %add3A_23 = arith.addf %slice3A, %slice3A_22 : vector<8x128xf32>
      %slice3A_24 = vector.extract_strided_slice %reshape3A {offsets = [16, 0], sizes = [8, 128], strides = [1, 1]} : vector<1024x128xf32> to vector<8x128xf32>
      %add3A_25 = arith.addf %add3A_23, %slice3A_24 : vector<8x128xf32>
      %slice3A_26 = vector.extract_strided_slice %reshape3A {offsets = [24, 0], sizes = [8, 128], strides = [1, 1]} : vector<1024x128xf32> to vector<8x128xf32>
      %add3A_27 = arith.addf %add3A_25, %slice3A_26 : vector<8x128xf32>
      %slice3A_28 = vector.extract_strided_slice %reshape3A {offsets = [32, 0], sizes = [8, 128], strides = [1, 1]} : vector<1024x128xf32> to vector<8x128xf32>
      %add3A_29 = arith.addf %add3A_27, %slice3A_28 : vector<8x128xf32>
      %slice3A_30 = vector.extract_strided_slice %reshape3A {offsets = [40, 0], sizes = [8, 128], strides = [1, 1]} : vector<1024x128xf32> to vector<8x128xf32>
      %add3A_31 = arith.addf %add3A_29, %slice3A_30 : vector<8x128xf32>
      %slice3A_32 = vector.extract_strided_slice %reshape3A {offsets = [48, 0], sizes = [8, 128], strides = [1, 1]} : vector<1024x128xf32> to vector<8x128xf32>
      %add3A_33 = arith.addf %add3A_31, %slice3A_32 : vector<8x128xf32>
      %slice3A_34 = vector.extract_strided_slice %reshape3A {offsets = [56, 0], sizes = [8, 128], strides = [1, 1]} : vector<1024x128xf32> to vector<8x128xf32>
      %add3A_35 = arith.addf %add3A_33, %slice3A_34 : vector<8x128xf32>
      %slice3A_36 = vector.extract_strided_slice %reshape3A {offsets = [64, 0], sizes = [8, 128], strides = [1, 1]} : vector<1024x128xf32> to vector<8x128xf32>
      %add3A_37 = arith.addf %add3A_35, %slice3A_36 : vector<8x128xf32>
      %slice3A_38 = vector.extract_strided_slice %reshape3A {offsets = [72, 0], sizes = [8, 128], strides = [1, 1]} : vector<1024x128xf32> to vector<8x128xf32>
      %add3A_39 = arith.addf %add3A_37, %slice3A_38 : vector<8x128xf32>
      %slice3A_40 = vector.extract_strided_slice %reshape3A {offsets = [80, 0], sizes = [8, 128], strides = [1, 1]} : vector<1024x128xf32> to vector<8x128xf32>
      %add3A_41 = arith.addf %add3A_39, %slice3A_40 : vector<8x128xf32>
      %slice3A_42 = vector.extract_strided_slice %reshape3A {offsets = [88, 0], sizes = [8, 128], strides = [1, 1]} : vector<1024x128xf32> to vector<8x128xf32>
      %add3A_43 = arith.addf %add3A_41, %slice3A_42 : vector<8x128xf32>
      %slice3A_44 = vector.extract_strided_slice %reshape3A {offsets = [96, 0], sizes = [8, 128], strides = [1, 1]} : vector<1024x128xf32> to vector<8x128xf32>
      %add3A_45 = arith.addf %add3A_43, %slice3A_44 : vector<8x128xf32>
      %slice3A_46 = vector.extract_strided_slice %reshape3A {offsets = [104, 0], sizes = [8, 128], strides = [1, 1]} : vector<1024x128xf32> to vector<8x128xf32>
      %add3A_47 = arith.addf %add3A_45, %slice3A_46 : vector<8x128xf32>
      %slice3A_48 = vector.extract_strided_slice %reshape3A {offsets = [112, 0], sizes = [8, 128], strides = [1, 1]} : vector<1024x128xf32> to vector<8x128xf32>
      %add3A_49 = arith.addf %add3A_47, %slice3A_48 : vector<8x128xf32>
      %slice3A_50 = vector.extract_strided_slice %reshape3A {offsets = [120, 0], sizes = [8, 128], strides = [1, 1]} : vector<1024x128xf32> to vector<8x128xf32>
      %add3A_51 = arith.addf %add3A_49, %slice3A_50 : vector<8x128xf32>
      %slice3A_52 = vector.extract_strided_slice %reshape3A {offsets = [128, 0], sizes = [8, 128], strides = [1, 1]} : vector<1024x128xf32> to vector<8x128xf32>
      %add3A_53 = arith.addf %add3A_51, %slice3A_52 : vector<8x128xf32>
      %slice3A_54 = vector.extract_strided_slice %reshape3A {offsets = [136, 0], sizes = [8, 128], strides = [1, 1]} : vector<1024x128xf32> to vector<8x128xf32>
      %add3A_55 = arith.addf %add3A_53, %slice3A_54 : vector<8x128xf32>
      %slice3A_56 = vector.extract_strided_slice %reshape3A {offsets = [144, 0], sizes = [8, 128], strides = [1, 1]} : vector<1024x128xf32> to vector<8x128xf32>
      %add3A_57 = arith.addf %add3A_55, %slice3A_56 : vector<8x128xf32>
      %slice3A_58 = vector.extract_strided_slice %reshape3A {offsets = [152, 0], sizes = [8, 128], strides = [1, 1]} : vector<1024x128xf32> to vector<8x128xf32>
      %add3A_59 = arith.addf %add3A_57, %slice3A_58 : vector<8x128xf32>
      %slice3A_60 = vector.extract_strided_slice %reshape3A {offsets = [160, 0], sizes = [8, 128], strides = [1, 1]} : vector<1024x128xf32> to vector<8x128xf32>
      %add3A_61 = arith.addf %add3A_59, %slice3A_60 : vector<8x128xf32>
      %slice3A_62 = vector.extract_strided_slice %reshape3A {offsets = [168, 0], sizes = [8, 128], strides = [1, 1]} : vector<1024x128xf32> to vector<8x128xf32>
      %add3A_63 = arith.addf %add3A_61, %slice3A_62 : vector<8x128xf32>
      %slice3A_64 = vector.extract_strided_slice %reshape3A {offsets = [176, 0], sizes = [8, 128], strides = [1, 1]} : vector<1024x128xf32> to vector<8x128xf32>
      %add3A_65 = arith.addf %add3A_63, %slice3A_64 : vector<8x128xf32>
      %slice3A_66 = vector.extract_strided_slice %reshape3A {offsets = [184, 0], sizes = [8, 128], strides = [1, 1]} : vector<1024x128xf32> to vector<8x128xf32>
      %add3A_67 = arith.addf %add3A_65, %slice3A_66 : vector<8x128xf32>
      %slice3A_68 = vector.extract_strided_slice %reshape3A {offsets = [192, 0], sizes = [8, 128], strides = [1, 1]} : vector<1024x128xf32> to vector<8x128xf32>
      %add3A_69 = arith.addf %add3A_67, %slice3A_68 : vector<8x128xf32>
      %slice3A_70 = vector.extract_strided_slice %reshape3A {offsets = [200, 0], sizes = [8, 128], strides = [1, 1]} : vector<1024x128xf32> to vector<8x128xf32>
      %add3A_71 = arith.addf %add3A_69, %slice3A_70 : vector<8x128xf32>
      %slice3A_72 = vector.extract_strided_slice %reshape3A {offsets = [208, 0], sizes = [8, 128], strides = [1, 1]} : vector<1024x128xf32> to vector<8x128xf32>
      %add3A_73 = arith.addf %add3A_71, %slice3A_72 : vector<8x128xf32>
      %slice3A_74 = vector.extract_strided_slice %reshape3A {offsets = [216, 0], sizes = [8, 128], strides = [1, 1]} : vector<1024x128xf32> to vector<8x128xf32>
      %add3A_75 = arith.addf %add3A_73, %slice3A_74 : vector<8x128xf32>
      %slice3A_76 = vector.extract_strided_slice %reshape3A {offsets = [224, 0], sizes = [8, 128], strides = [1, 1]} : vector<1024x128xf32> to vector<8x128xf32>
      %add3A_77 = arith.addf %add3A_75, %slice3A_76 : vector<8x128xf32>
      %slice3A_78 = vector.extract_strided_slice %reshape3A {offsets = [232, 0], sizes = [8, 128], strides = [1, 1]} : vector<1024x128xf32> to vector<8x128xf32>
      %add3A_79 = arith.addf %add3A_77, %slice3A_78 : vector<8x128xf32>
      %slice3A_80 = vector.extract_strided_slice %reshape3A {offsets = [240, 0], sizes = [8, 128], strides = [1, 1]} : vector<1024x128xf32> to vector<8x128xf32>
      %add3A_81 = arith.addf %add3A_79, %slice3A_80 : vector<8x128xf32>
      %slice3A_82 = vector.extract_strided_slice %reshape3A {offsets = [248, 0], sizes = [8, 128], strides = [1, 1]} : vector<1024x128xf32> to vector<8x128xf32>
      %add3A_83 = arith.addf %add3A_81, %slice3A_82 : vector<8x128xf32>
      %slice3A_84 = vector.extract_strided_slice %reshape3A {offsets = [256, 0], sizes = [8, 128], strides = [1, 1]} : vector<1024x128xf32> to vector<8x128xf32>
      %add3A_85 = arith.addf %add3A_83, %slice3A_84 : vector<8x128xf32>
      %slice3A_86 = vector.extract_strided_slice %reshape3A {offsets = [264, 0], sizes = [8, 128], strides = [1, 1]} : vector<1024x128xf32> to vector<8x128xf32>
      %add3A_87 = arith.addf %add3A_85, %slice3A_86 : vector<8x128xf32>
      %slice3A_88 = vector.extract_strided_slice %reshape3A {offsets = [272, 0], sizes = [8, 128], strides = [1, 1]} : vector<1024x128xf32> to vector<8x128xf32>
      %add3A_89 = arith.addf %add3A_87, %slice3A_88 : vector<8x128xf32>
      %slice3A_90 = vector.extract_strided_slice %reshape3A {offsets = [280, 0], sizes = [8, 128], strides = [1, 1]} : vector<1024x128xf32> to vector<8x128xf32>
      %add3A_91 = arith.addf %add3A_89, %slice3A_90 : vector<8x128xf32>
      %slice3A_92 = vector.extract_strided_slice %reshape3A {offsets = [288, 0], sizes = [8, 128], strides = [1, 1]} : vector<1024x128xf32> to vector<8x128xf32>
      %add3A_93 = arith.addf %add3A_91, %slice3A_92 : vector<8x128xf32>
      %slice3A_94 = vector.extract_strided_slice %reshape3A {offsets = [296, 0], sizes = [8, 128], strides = [1, 1]} : vector<1024x128xf32> to vector<8x128xf32>
      %add3A_95 = arith.addf %add3A_93, %slice3A_94 : vector<8x128xf32>
      %slice3A_96 = vector.extract_strided_slice %reshape3A {offsets = [304, 0], sizes = [8, 128], strides = [1, 1]} : vector<1024x128xf32> to vector<8x128xf32>
      %add3A_97 = arith.addf %add3A_95, %slice3A_96 : vector<8x128xf32>
      %slice3A_98 = vector.extract_strided_slice %reshape3A {offsets = [312, 0], sizes = [8, 128], strides = [1, 1]} : vector<1024x128xf32> to vector<8x128xf32>
      %add3A_99 = arith.addf %add3A_97, %slice3A_98 : vector<8x128xf32>
      %slice3A_100 = vector.extract_strided_slice %reshape3A {offsets = [320, 0], sizes = [8, 128], strides = [1, 1]} : vector<1024x128xf32> to vector<8x128xf32>
      %add3A_101 = arith.addf %add3A_99, %slice3A_100 : vector<8x128xf32>
      %slice3A_102 = vector.extract_strided_slice %reshape3A {offsets = [328, 0], sizes = [8, 128], strides = [1, 1]} : vector<1024x128xf32> to vector<8x128xf32>
      %add3A_103 = arith.addf %add3A_101, %slice3A_102 : vector<8x128xf32>
      %slice3A_104 = vector.extract_strided_slice %reshape3A {offsets = [336, 0], sizes = [8, 128], strides = [1, 1]} : vector<1024x128xf32> to vector<8x128xf32>
      %add3A_105 = arith.addf %add3A_103, %slice3A_104 : vector<8x128xf32>
      %slice3A_106 = vector.extract_strided_slice %reshape3A {offsets = [344, 0], sizes = [8, 128], strides = [1, 1]} : vector<1024x128xf32> to vector<8x128xf32>
      %add3A_107 = arith.addf %add3A_105, %slice3A_106 : vector<8x128xf32>
      %slice3A_108 = vector.extract_strided_slice %reshape3A {offsets = [352, 0], sizes = [8, 128], strides = [1, 1]} : vector<1024x128xf32> to vector<8x128xf32>
      %add3A_109 = arith.addf %add3A_107, %slice3A_108 : vector<8x128xf32>
      %slice3A_110 = vector.extract_strided_slice %reshape3A {offsets = [360, 0], sizes = [8, 128], strides = [1, 1]} : vector<1024x128xf32> to vector<8x128xf32>
      %add3A_111 = arith.addf %add3A_109, %slice3A_110 : vector<8x128xf32>
      %slice3A_112 = vector.extract_strided_slice %reshape3A {offsets = [368, 0], sizes = [8, 128], strides = [1, 1]} : vector<1024x128xf32> to vector<8x128xf32>
      %add3A_113 = arith.addf %add3A_111, %slice3A_112 : vector<8x128xf32>
      %slice3A_114 = vector.extract_strided_slice %reshape3A {offsets = [376, 0], sizes = [8, 128], strides = [1, 1]} : vector<1024x128xf32> to vector<8x128xf32>
      %add3A_115 = arith.addf %add3A_113, %slice3A_114 : vector<8x128xf32>
      %slice3A_116 = vector.extract_strided_slice %reshape3A {offsets = [384, 0], sizes = [8, 128], strides = [1, 1]} : vector<1024x128xf32> to vector<8x128xf32>
      %add3A_117 = arith.addf %add3A_115, %slice3A_116 : vector<8x128xf32>
      %slice3A_118 = vector.extract_strided_slice %reshape3A {offsets = [392, 0], sizes = [8, 128], strides = [1, 1]} : vector<1024x128xf32> to vector<8x128xf32>
      %add3A_119 = arith.addf %add3A_117, %slice3A_118 : vector<8x128xf32>
      %slice3A_120 = vector.extract_strided_slice %reshape3A {offsets = [400, 0], sizes = [8, 128], strides = [1, 1]} : vector<1024x128xf32> to vector<8x128xf32>
      %add3A_121 = arith.addf %add3A_119, %slice3A_120 : vector<8x128xf32>
      %slice3A_122 = vector.extract_strided_slice %reshape3A {offsets = [408, 0], sizes = [8, 128], strides = [1, 1]} : vector<1024x128xf32> to vector<8x128xf32>
      %add3A_123 = arith.addf %add3A_121, %slice3A_122 : vector<8x128xf32>
      %slice3A_124 = vector.extract_strided_slice %reshape3A {offsets = [416, 0], sizes = [8, 128], strides = [1, 1]} : vector<1024x128xf32> to vector<8x128xf32>
      %add3A_125 = arith.addf %add3A_123, %slice3A_124 : vector<8x128xf32>
      %slice3A_126 = vector.extract_strided_slice %reshape3A {offsets = [424, 0], sizes = [8, 128], strides = [1, 1]} : vector<1024x128xf32> to vector<8x128xf32>
      %add3A_127 = arith.addf %add3A_125, %slice3A_126 : vector<8x128xf32>
      %slice3A_128 = vector.extract_strided_slice %reshape3A {offsets = [432, 0], sizes = [8, 128], strides = [1, 1]} : vector<1024x128xf32> to vector<8x128xf32>
      %add3A_129 = arith.addf %add3A_127, %slice3A_128 : vector<8x128xf32>
      %slice3A_130 = vector.extract_strided_slice %reshape3A {offsets = [440, 0], sizes = [8, 128], strides = [1, 1]} : vector<1024x128xf32> to vector<8x128xf32>
      %add3A_131 = arith.addf %add3A_129, %slice3A_130 : vector<8x128xf32>
      %slice3A_132 = vector.extract_strided_slice %reshape3A {offsets = [448, 0], sizes = [8, 128], strides = [1, 1]} : vector<1024x128xf32> to vector<8x128xf32>
      %add3A_133 = arith.addf %add3A_131, %slice3A_132 : vector<8x128xf32>
      %slice3A_134 = vector.extract_strided_slice %reshape3A {offsets = [456, 0], sizes = [8, 128], strides = [1, 1]} : vector<1024x128xf32> to vector<8x128xf32>
      %add3A_135 = arith.addf %add3A_133, %slice3A_134 : vector<8x128xf32>
      %slice3A_136 = vector.extract_strided_slice %reshape3A {offsets = [464, 0], sizes = [8, 128], strides = [1, 1]} : vector<1024x128xf32> to vector<8x128xf32>
      %add3A_137 = arith.addf %add3A_135, %slice3A_136 : vector<8x128xf32>
      %slice3A_138 = vector.extract_strided_slice %reshape3A {offsets = [472, 0], sizes = [8, 128], strides = [1, 1]} : vector<1024x128xf32> to vector<8x128xf32>
      %add3A_139 = arith.addf %add3A_137, %slice3A_138 : vector<8x128xf32>
      %slice3A_140 = vector.extract_strided_slice %reshape3A {offsets = [480, 0], sizes = [8, 128], strides = [1, 1]} : vector<1024x128xf32> to vector<8x128xf32>
      %add3A_141 = arith.addf %add3A_139, %slice3A_140 : vector<8x128xf32>
      %slice3A_142 = vector.extract_strided_slice %reshape3A {offsets = [488, 0], sizes = [8, 128], strides = [1, 1]} : vector<1024x128xf32> to vector<8x128xf32>
      %add3A_143 = arith.addf %add3A_141, %slice3A_142 : vector<8x128xf32>
      %slice3A_144 = vector.extract_strided_slice %reshape3A {offsets = [496, 0], sizes = [8, 128], strides = [1, 1]} : vector<1024x128xf32> to vector<8x128xf32>
      %add3A_145 = arith.addf %add3A_143, %slice3A_144 : vector<8x128xf32>
      %slice3A_146 = vector.extract_strided_slice %reshape3A {offsets = [504, 0], sizes = [8, 128], strides = [1, 1]} : vector<1024x128xf32> to vector<8x128xf32>
      %add3A_147 = arith.addf %add3A_145, %slice3A_146 : vector<8x128xf32>
      %slice3A_148 = vector.extract_strided_slice %reshape3A {offsets = [512, 0], sizes = [8, 128], strides = [1, 1]} : vector<1024x128xf32> to vector<8x128xf32>
      %add3A_149 = arith.addf %add3A_147, %slice3A_148 : vector<8x128xf32>
      %slice3A_150 = vector.extract_strided_slice %reshape3A {offsets = [520, 0], sizes = [8, 128], strides = [1, 1]} : vector<1024x128xf32> to vector<8x128xf32>
      %add3A_151 = arith.addf %add3A_149, %slice3A_150 : vector<8x128xf32>
      %slice3A_152 = vector.extract_strided_slice %reshape3A {offsets = [528, 0], sizes = [8, 128], strides = [1, 1]} : vector<1024x128xf32> to vector<8x128xf32>
      %add3A_153 = arith.addf %add3A_151, %slice3A_152 : vector<8x128xf32>
      %slice3A_154 = vector.extract_strided_slice %reshape3A {offsets = [536, 0], sizes = [8, 128], strides = [1, 1]} : vector<1024x128xf32> to vector<8x128xf32>
      %add3A_155 = arith.addf %add3A_153, %slice3A_154 : vector<8x128xf32>
      %slice3A_156 = vector.extract_strided_slice %reshape3A {offsets = [544, 0], sizes = [8, 128], strides = [1, 1]} : vector<1024x128xf32> to vector<8x128xf32>
      %add3A_157 = arith.addf %add3A_155, %slice3A_156 : vector<8x128xf32>
      %slice3A_158 = vector.extract_strided_slice %reshape3A {offsets = [552, 0], sizes = [8, 128], strides = [1, 1]} : vector<1024x128xf32> to vector<8x128xf32>
      %add3A_159 = arith.addf %add3A_157, %slice3A_158 : vector<8x128xf32>
      %slice3A_160 = vector.extract_strided_slice %reshape3A {offsets = [560, 0], sizes = [8, 128], strides = [1, 1]} : vector<1024x128xf32> to vector<8x128xf32>
      %add3A_161 = arith.addf %add3A_159, %slice3A_160 : vector<8x128xf32>
      %slice3A_162 = vector.extract_strided_slice %reshape3A {offsets = [568, 0], sizes = [8, 128], strides = [1, 1]} : vector<1024x128xf32> to vector<8x128xf32>
      %add3A_163 = arith.addf %add3A_161, %slice3A_162 : vector<8x128xf32>
      %slice3A_164 = vector.extract_strided_slice %reshape3A {offsets = [576, 0], sizes = [8, 128], strides = [1, 1]} : vector<1024x128xf32> to vector<8x128xf32>
      %add3A_165 = arith.addf %add3A_163, %slice3A_164 : vector<8x128xf32>
      %slice3A_166 = vector.extract_strided_slice %reshape3A {offsets = [584, 0], sizes = [8, 128], strides = [1, 1]} : vector<1024x128xf32> to vector<8x128xf32>
      %add3A_167 = arith.addf %add3A_165, %slice3A_166 : vector<8x128xf32>
      %slice3A_168 = vector.extract_strided_slice %reshape3A {offsets = [592, 0], sizes = [8, 128], strides = [1, 1]} : vector<1024x128xf32> to vector<8x128xf32>
      %add3A_169 = arith.addf %add3A_167, %slice3A_168 : vector<8x128xf32>
      %slice3A_170 = vector.extract_strided_slice %reshape3A {offsets = [600, 0], sizes = [8, 128], strides = [1, 1]} : vector<1024x128xf32> to vector<8x128xf32>
      %add3A_171 = arith.addf %add3A_169, %slice3A_170 : vector<8x128xf32>
      %slice3A_172 = vector.extract_strided_slice %reshape3A {offsets = [608, 0], sizes = [8, 128], strides = [1, 1]} : vector<1024x128xf32> to vector<8x128xf32>
      %add3A_173 = arith.addf %add3A_171, %slice3A_172 : vector<8x128xf32>
      %slice3A_174 = vector.extract_strided_slice %reshape3A {offsets = [616, 0], sizes = [8, 128], strides = [1, 1]} : vector<1024x128xf32> to vector<8x128xf32>
      %add3A_175 = arith.addf %add3A_173, %slice3A_174 : vector<8x128xf32>
      %slice3A_176 = vector.extract_strided_slice %reshape3A {offsets = [624, 0], sizes = [8, 128], strides = [1, 1]} : vector<1024x128xf32> to vector<8x128xf32>
      %add3A_177 = arith.addf %add3A_175, %slice3A_176 : vector<8x128xf32>
      %slice3A_178 = vector.extract_strided_slice %reshape3A {offsets = [632, 0], sizes = [8, 128], strides = [1, 1]} : vector<1024x128xf32> to vector<8x128xf32>
      %add3A_179 = arith.addf %add3A_177, %slice3A_178 : vector<8x128xf32>
      %slice3A_180 = vector.extract_strided_slice %reshape3A {offsets = [640, 0], sizes = [8, 128], strides = [1, 1]} : vector<1024x128xf32> to vector<8x128xf32>
      %add3A_181 = arith.addf %add3A_179, %slice3A_180 : vector<8x128xf32>
      %slice3A_182 = vector.extract_strided_slice %reshape3A {offsets = [648, 0], sizes = [8, 128], strides = [1, 1]} : vector<1024x128xf32> to vector<8x128xf32>
      %add3A_183 = arith.addf %add3A_181, %slice3A_182 : vector<8x128xf32>
      %slice3A_184 = vector.extract_strided_slice %reshape3A {offsets = [656, 0], sizes = [8, 128], strides = [1, 1]} : vector<1024x128xf32> to vector<8x128xf32>
      %add3A_185 = arith.addf %add3A_183, %slice3A_184 : vector<8x128xf32>
      %slice3A_186 = vector.extract_strided_slice %reshape3A {offsets = [664, 0], sizes = [8, 128], strides = [1, 1]} : vector<1024x128xf32> to vector<8x128xf32>
      %add3A_187 = arith.addf %add3A_185, %slice3A_186 : vector<8x128xf32>
      %slice3A_188 = vector.extract_strided_slice %reshape3A {offsets = [672, 0], sizes = [8, 128], strides = [1, 1]} : vector<1024x128xf32> to vector<8x128xf32>
      %add3A_189 = arith.addf %add3A_187, %slice3A_188 : vector<8x128xf32>
      %slice3A_190 = vector.extract_strided_slice %reshape3A {offsets = [680, 0], sizes = [8, 128], strides = [1, 1]} : vector<1024x128xf32> to vector<8x128xf32>
      %add3A_191 = arith.addf %add3A_189, %slice3A_190 : vector<8x128xf32>
      %slice3A_192 = vector.extract_strided_slice %reshape3A {offsets = [688, 0], sizes = [8, 128], strides = [1, 1]} : vector<1024x128xf32> to vector<8x128xf32>
      %add3A_193 = arith.addf %add3A_191, %slice3A_192 : vector<8x128xf32>
      %slice3A_194 = vector.extract_strided_slice %reshape3A {offsets = [696, 0], sizes = [8, 128], strides = [1, 1]} : vector<1024x128xf32> to vector<8x128xf32>
      %add3A_195 = arith.addf %add3A_193, %slice3A_194 : vector<8x128xf32>
      %slice3A_196 = vector.extract_strided_slice %reshape3A {offsets = [704, 0], sizes = [8, 128], strides = [1, 1]} : vector<1024x128xf32> to vector<8x128xf32>
      %add3A_197 = arith.addf %add3A_195, %slice3A_196 : vector<8x128xf32>
      %slice3A_198 = vector.extract_strided_slice %reshape3A {offsets = [712, 0], sizes = [8, 128], strides = [1, 1]} : vector<1024x128xf32> to vector<8x128xf32>
      %add3A_199 = arith.addf %add3A_197, %slice3A_198 : vector<8x128xf32>
      %slice3A_200 = vector.extract_strided_slice %reshape3A {offsets = [720, 0], sizes = [8, 128], strides = [1, 1]} : vector<1024x128xf32> to vector<8x128xf32>
      %add3A_201 = arith.addf %add3A_199, %slice3A_200 : vector<8x128xf32>
      %slice3A_202 = vector.extract_strided_slice %reshape3A {offsets = [728, 0], sizes = [8, 128], strides = [1, 1]} : vector<1024x128xf32> to vector<8x128xf32>
      %add3A_203 = arith.addf %add3A_201, %slice3A_202 : vector<8x128xf32>
      %slice3A_204 = vector.extract_strided_slice %reshape3A {offsets = [736, 0], sizes = [8, 128], strides = [1, 1]} : vector<1024x128xf32> to vector<8x128xf32>
      %add3A_205 = arith.addf %add3A_203, %slice3A_204 : vector<8x128xf32>
      %slice3A_206 = vector.extract_strided_slice %reshape3A {offsets = [744, 0], sizes = [8, 128], strides = [1, 1]} : vector<1024x128xf32> to vector<8x128xf32>
      %add3A_207 = arith.addf %add3A_205, %slice3A_206 : vector<8x128xf32>
      %slice3A_208 = vector.extract_strided_slice %reshape3A {offsets = [752, 0], sizes = [8, 128], strides = [1, 1]} : vector<1024x128xf32> to vector<8x128xf32>
      %add3A_209 = arith.addf %add3A_207, %slice3A_208 : vector<8x128xf32>
      %slice3A_210 = vector.extract_strided_slice %reshape3A {offsets = [760, 0], sizes = [8, 128], strides = [1, 1]} : vector<1024x128xf32> to vector<8x128xf32>
      %add3A_211 = arith.addf %add3A_209, %slice3A_210 : vector<8x128xf32>
      %slice3A_212 = vector.extract_strided_slice %reshape3A {offsets = [768, 0], sizes = [8, 128], strides = [1, 1]} : vector<1024x128xf32> to vector<8x128xf32>
      %add3A_213 = arith.addf %add3A_211, %slice3A_212 : vector<8x128xf32>
      %slice3A_214 = vector.extract_strided_slice %reshape3A {offsets = [776, 0], sizes = [8, 128], strides = [1, 1]} : vector<1024x128xf32> to vector<8x128xf32>
      %add3A_215 = arith.addf %add3A_213, %slice3A_214 : vector<8x128xf32>
      %slice3A_216 = vector.extract_strided_slice %reshape3A {offsets = [784, 0], sizes = [8, 128], strides = [1, 1]} : vector<1024x128xf32> to vector<8x128xf32>
      %add3A_217 = arith.addf %add3A_215, %slice3A_216 : vector<8x128xf32>
      %slice3A_218 = vector.extract_strided_slice %reshape3A {offsets = [792, 0], sizes = [8, 128], strides = [1, 1]} : vector<1024x128xf32> to vector<8x128xf32>
      %add3A_219 = arith.addf %add3A_217, %slice3A_218 : vector<8x128xf32>
      %slice3A_220 = vector.extract_strided_slice %reshape3A {offsets = [800, 0], sizes = [8, 128], strides = [1, 1]} : vector<1024x128xf32> to vector<8x128xf32>
      %add3A_221 = arith.addf %add3A_219, %slice3A_220 : vector<8x128xf32>
      %slice3A_222 = vector.extract_strided_slice %reshape3A {offsets = [808, 0], sizes = [8, 128], strides = [1, 1]} : vector<1024x128xf32> to vector<8x128xf32>
      %add3A_223 = arith.addf %add3A_221, %slice3A_222 : vector<8x128xf32>
      %slice3A_224 = vector.extract_strided_slice %reshape3A {offsets = [816, 0], sizes = [8, 128], strides = [1, 1]} : vector<1024x128xf32> to vector<8x128xf32>
      %add3A_225 = arith.addf %add3A_223, %slice3A_224 : vector<8x128xf32>
      %slice3A_226 = vector.extract_strided_slice %reshape3A {offsets = [824, 0], sizes = [8, 128], strides = [1, 1]} : vector<1024x128xf32> to vector<8x128xf32>
      %add3A_227 = arith.addf %add3A_225, %slice3A_226 : vector<8x128xf32>
      %slice3A_228 = vector.extract_strided_slice %reshape3A {offsets = [832, 0], sizes = [8, 128], strides = [1, 1]} : vector<1024x128xf32> to vector<8x128xf32>
      %add3A_229 = arith.addf %add3A_227, %slice3A_228 : vector<8x128xf32>
      %slice3A_230 = vector.extract_strided_slice %reshape3A {offsets = [840, 0], sizes = [8, 128], strides = [1, 1]} : vector<1024x128xf32> to vector<8x128xf32>
      %add3A_231 = arith.addf %add3A_229, %slice3A_230 : vector<8x128xf32>
      %slice3A_232 = vector.extract_strided_slice %reshape3A {offsets = [848, 0], sizes = [8, 128], strides = [1, 1]} : vector<1024x128xf32> to vector<8x128xf32>
      %add3A_233 = arith.addf %add3A_231, %slice3A_232 : vector<8x128xf32>
      %slice3A_234 = vector.extract_strided_slice %reshape3A {offsets = [856, 0], sizes = [8, 128], strides = [1, 1]} : vector<1024x128xf32> to vector<8x128xf32>
      %add3A_235 = arith.addf %add3A_233, %slice3A_234 : vector<8x128xf32>
      %slice3A_236 = vector.extract_strided_slice %reshape3A {offsets = [864, 0], sizes = [8, 128], strides = [1, 1]} : vector<1024x128xf32> to vector<8x128xf32>
      %add3A_237 = arith.addf %add3A_235, %slice3A_236 : vector<8x128xf32>
      %slice3A_238 = vector.extract_strided_slice %reshape3A {offsets = [872, 0], sizes = [8, 128], strides = [1, 1]} : vector<1024x128xf32> to vector<8x128xf32>
      %add3A_239 = arith.addf %add3A_237, %slice3A_238 : vector<8x128xf32>
      %slice3A_240 = vector.extract_strided_slice %reshape3A {offsets = [880, 0], sizes = [8, 128], strides = [1, 1]} : vector<1024x128xf32> to vector<8x128xf32>
      %add3A_241 = arith.addf %add3A_239, %slice3A_240 : vector<8x128xf32>
      %slice3A_242 = vector.extract_strided_slice %reshape3A {offsets = [888, 0], sizes = [8, 128], strides = [1, 1]} : vector<1024x128xf32> to vector<8x128xf32>
      %add3A_243 = arith.addf %add3A_241, %slice3A_242 : vector<8x128xf32>
      %slice3A_244 = vector.extract_strided_slice %reshape3A {offsets = [896, 0], sizes = [8, 128], strides = [1, 1]} : vector<1024x128xf32> to vector<8x128xf32>
      %add3A_245 = arith.addf %add3A_243, %slice3A_244 : vector<8x128xf32>
      %slice3A_246 = vector.extract_strided_slice %reshape3A {offsets = [904, 0], sizes = [8, 128], strides = [1, 1]} : vector<1024x128xf32> to vector<8x128xf32>
      %add3A_247 = arith.addf %add3A_245, %slice3A_246 : vector<8x128xf32>
      %slice3A_248 = vector.extract_strided_slice %reshape3A {offsets = [912, 0], sizes = [8, 128], strides = [1, 1]} : vector<1024x128xf32> to vector<8x128xf32>
      %add3A_249 = arith.addf %add3A_247, %slice3A_248 : vector<8x128xf32>
      %slice3A_250 = vector.extract_strided_slice %reshape3A {offsets = [920, 0], sizes = [8, 128], strides = [1, 1]} : vector<1024x128xf32> to vector<8x128xf32>
      %add3A_251 = arith.addf %add3A_249, %slice3A_250 : vector<8x128xf32>
      %slice3A_252 = vector.extract_strided_slice %reshape3A {offsets = [928, 0], sizes = [8, 128], strides = [1, 1]} : vector<1024x128xf32> to vector<8x128xf32>
      %add3A_253 = arith.addf %add3A_251, %slice3A_252 : vector<8x128xf32>
      %slice3A_254 = vector.extract_strided_slice %reshape3A {offsets = [936, 0], sizes = [8, 128], strides = [1, 1]} : vector<1024x128xf32> to vector<8x128xf32>
      %add3A_255 = arith.addf %add3A_253, %slice3A_254 : vector<8x128xf32>
      %slice3A_256 = vector.extract_strided_slice %reshape3A {offsets = [944, 0], sizes = [8, 128], strides = [1, 1]} : vector<1024x128xf32> to vector<8x128xf32>
      %add3A_257 = arith.addf %add3A_255, %slice3A_256 : vector<8x128xf32>
      %slice3A_258 = vector.extract_strided_slice %reshape3A {offsets = [952, 0], sizes = [8, 128], strides = [1, 1]} : vector<1024x128xf32> to vector<8x128xf32>
      %add3A_259 = arith.addf %add3A_257, %slice3A_258 : vector<8x128xf32>
      %slice3A_260 = vector.extract_strided_slice %reshape3A {offsets = [960, 0], sizes = [8, 128], strides = [1, 1]} : vector<1024x128xf32> to vector<8x128xf32>
      %add3A_261 = arith.addf %add3A_259, %slice3A_260 : vector<8x128xf32>
      %slice3A_262 = vector.extract_strided_slice %reshape3A {offsets = [968, 0], sizes = [8, 128], strides = [1, 1]} : vector<1024x128xf32> to vector<8x128xf32>
      %add3A_263 = arith.addf %add3A_261, %slice3A_262 : vector<8x128xf32>
      %slice3A_264 = vector.extract_strided_slice %reshape3A {offsets = [976, 0], sizes = [8, 128], strides = [1, 1]} : vector<1024x128xf32> to vector<8x128xf32>
      %add3A_265 = arith.addf %add3A_263, %slice3A_264 : vector<8x128xf32>
      %slice3A_266 = vector.extract_strided_slice %reshape3A {offsets = [984, 0], sizes = [8, 128], strides = [1, 1]} : vector<1024x128xf32> to vector<8x128xf32>
      %add3A_267 = arith.addf %add3A_265, %slice3A_266 : vector<8x128xf32>
      %slice3A_268 = vector.extract_strided_slice %reshape3A {offsets = [992, 0], sizes = [8, 128], strides = [1, 1]} : vector<1024x128xf32> to vector<8x128xf32>
      %add3A_269 = arith.addf %add3A_267, %slice3A_268 : vector<8x128xf32>
      %slice3A_270 = vector.extract_strided_slice %reshape3A {offsets = [1000, 0], sizes = [8, 128], strides = [1, 1]} : vector<1024x128xf32> to vector<8x128xf32>
      %add3A_271 = arith.addf %add3A_269, %slice3A_270 : vector<8x128xf32>
      %slice3A_272 = vector.extract_strided_slice %reshape3A {offsets = [1008, 0], sizes = [8, 128], strides = [1, 1]} : vector<1024x128xf32> to vector<8x128xf32>
      %add3A_273 = arith.addf %add3A_271, %slice3A_272 : vector<8x128xf32>
      %slice3A_274 = vector.extract_strided_slice %reshape3A {offsets = [1016, 0], sizes = [8, 128], strides = [1, 1]} : vector<1024x128xf32> to vector<8x128xf32>
      %add3A_275 = arith.addf %add3A_273, %slice3A_274 : vector<8x128xf32>
      %add3A_276 = arith.addf %get3A_21, %add3A_275 : vector<8x128xf32>
      %swap3A = arith.constant 0 : index
      %swap3A_277 = arith.constant 0 : index
      %swap3A_278 = vector.load %arg6[%swap3A, %swap3A_277] : memref<8x128xf32, #tpu.memory_space<vmem>>, vector<8x128xf32>
      tpu.vector_store %arg6[%swap3A, %swap3A_277], %add3A_276 {strides = array<i32>} : memref<8x128xf32, #tpu.memory_space<vmem>>, vector<8x128xf32>,
    } else {
    }
    %eq3A_14 = arith.constant 7 : i32
    %eq3A_15 = arith.cmpi eq, %arg0, %eq3A_14 : i32
    %convert_element_type3A_16 = arith.extui %eq3A_15 : i1 to i32
    %cond3A_17 = arith.constant 0 : i32
    %cond3A_18 = arith.cmpi ne, %convert_element_type3A_16, %cond3A_17 : i32
    scf.if %cond3A_18 {
      %iota3A = tpu.iota {dimensions = array<i32: 0>} : vector<1024x128xi32>
      %mul3A_19 = arith.constant 128 : i32
      %mul3A_20 = vector.broadcast %mul3A_19 : i32 to vector<1024x128xi32>
      %mul3A_21 = arith.muli %iota3A, %mul3A_20 : vector<1024x128xi32>
      %iota3A_22 = tpu.iota {dimensions = array<i32: 1>} : vector<1024x128xi32>
      %add3A_23 = arith.addi %mul3A_21, %iota3A_22 : vector<1024x128xi32>
      %get3A_24 = arith.constant 0 : index
      %get3A_25 = arith.constant 0 : index
      %get3A_26 = vector.load %arg6[%get3A_24, %get3A_25] : memref<8x128xf32, #tpu.memory_space<vmem>>, vector<8x128xf32>
      %mul3A_27 = arith.constant 131072 : i32
      %mul3A_28 = arith.muli %arg0, %mul3A_27 : i32
      %sub3A = arith.constant 1000000 : i32
      %sub3A_29 = arith.subi %sub3A, %mul3A_28 : i32
      %lt3A_30 = vector.broadcast %sub3A_29 : i32 to vector<1024x128xi32>
      %lt3A_31 = arith.cmpi slt, %add3A_23, %lt3A_30 : vector<1024x128xi32>
      %jit3A = arith.constant 0.000000e+00 : f32
      %broadcast_in_dim3A = vector.broadcast %jit3A : f32 to vector<1024x128xf32>
      %select_n3A = arith.select %lt3A_31, %reshape3A, %broadcast_in_dim3A : vector<1024x128xi1>, vector<1024x128xf32>
      %slice3A = vector.extract_strided_slice %select_n3A {offsets = [0, 0], sizes = [8, 128], strides = [1, 1]} : vector<1024x128xf32> to vector<8x128xf32>
      %slice3A_32 = vector.extract_strided_slice %select_n3A {offsets = [8, 0], sizes = [8, 128], strides = [1, 1]} : vector<1024x128xf32> to vector<8x128xf32>
      %add3A_33 = arith.addf %slice3A, %slice3A_32 : vector<8x128xf32>
      %slice3A_34 = vector.extract_strided_slice %select_n3A {offsets = [16, 0], sizes = [8, 128], strides = [1, 1]} : vector<1024x128xf32> to vector<8x128xf32>
      %add3A_35 = arith.addf %add3A_33, %slice3A_34 : vector<8x128xf32>
      %slice3A_36 = vector.extract_strided_slice %select_n3A {offsets = [24, 0], sizes = [8, 128], strides = [1, 1]} : vector<1024x128xf32> to vector<8x128xf32>
      %add3A_37 = arith.addf %add3A_35, %slice3A_36 : vector<8x128xf32>
      %slice3A_38 = vector.extract_strided_slice %select_n3A {offsets = [32, 0], sizes = [8, 128], strides = [1, 1]} : vector<1024x128xf32> to vector<8x128xf32>
      %add3A_39 = arith.addf %add3A_37, %slice3A_38 : vector<8x128xf32>
      %slice3A_40 = vector.extract_strided_slice %select_n3A {offsets = [40, 0], sizes = [8, 128], strides = [1, 1]} : vector<1024x128xf32> to vector<8x128xf32>
      %add3A_41 = arith.addf %add3A_39, %slice3A_40 : vector<8x128xf32>
      %slice3A_42 = vector.extract_strided_slice %select_n3A {offsets = [48, 0], sizes = [8, 128], strides = [1, 1]} : vector<1024x128xf32> to vector<8x128xf32>
      %add3A_43 = arith.addf %add3A_41, %slice3A_42 : vector<8x128xf32>
      %slice3A_44 = vector.extract_strided_slice %select_n3A {offsets = [56, 0], sizes = [8, 128], strides = [1, 1]} : vector<1024x128xf32> to vector<8x128xf32>
      %add3A_45 = arith.addf %add3A_43, %slice3A_44 : vector<8x128xf32>
      %slice3A_46 = vector.extract_strided_slice %select_n3A {offsets = [64, 0], sizes = [8, 128], strides = [1, 1]} : vector<1024x128xf32> to vector<8x128xf32>
      %add3A_47 = arith.addf %add3A_45, %slice3A_46 : vector<8x128xf32>
      %slice3A_48 = vector.extract_strided_slice %select_n3A {offsets = [72, 0], sizes = [8, 128], strides = [1, 1]} : vector<1024x128xf32> to vector<8x128xf32>
      %add3A_49 = arith.addf %add3A_47, %slice3A_48 : vector<8x128xf32>
      %slice3A_50 = vector.extract_strided_slice %select_n3A {offsets = [80, 0], sizes = [8, 128], strides = [1, 1]} : vector<1024x128xf32> to vector<8x128xf32>
      %add3A_51 = arith.addf %add3A_49, %slice3A_50 : vector<8x128xf32>
      %slice3A_52 = vector.extract_strided_slice %select_n3A {offsets = [88, 0], sizes = [8, 128], strides = [1, 1]} : vector<1024x128xf32> to vector<8x128xf32>
      %add3A_53 = arith.addf %add3A_51, %slice3A_52 : vector<8x128xf32>
      %slice3A_54 = vector.extract_strided_slice %select_n3A {offsets = [96, 0], sizes = [8, 128], strides = [1, 1]} : vector<1024x128xf32> to vector<8x128xf32>
      %add3A_55 = arith.addf %add3A_53, %slice3A_54 : vector<8x128xf32>
      %slice3A_56 = vector.extract_strided_slice %select_n3A {offsets = [104, 0], sizes = [8, 128], strides = [1, 1]} : vector<1024x128xf32> to vector<8x128xf32>
      %add3A_57 = arith.addf %add3A_55, %slice3A_56 : vector<8x128xf32>
      %slice3A_58 = vector.extract_strided_slice %select_n3A {offsets = [112, 0], sizes = [8, 128], strides = [1, 1]} : vector<1024x128xf32> to vector<8x128xf32>
      %add3A_59 = arith.addf %add3A_57, %slice3A_58 : vector<8x128xf32>
      %slice3A_60 = vector.extract_strided_slice %select_n3A {offsets = [120, 0], sizes = [8, 128], strides = [1, 1]} : vector<1024x128xf32> to vector<8x128xf32>
      %add3A_61 = arith.addf %add3A_59, %slice3A_60 : vector<8x128xf32>
      %slice3A_62 = vector.extract_strided_slice %select_n3A {offsets = [128, 0], sizes = [8, 128], strides = [1, 1]} : vector<1024x128xf32> to vector<8x128xf32>
      %add3A_63 = arith.addf %add3A_61, %slice3A_62 : vector<8x128xf32>
      %slice3A_64 = vector.extract_strided_slice %select_n3A {offsets = [136, 0], sizes = [8, 128], strides = [1, 1]} : vector<1024x128xf32> to vector<8x128xf32>
      %add3A_65 = arith.addf %add3A_63, %slice3A_64 : vector<8x128xf32>
      %slice3A_66 = vector.extract_strided_slice %select_n3A {offsets = [144, 0], sizes = [8, 128], strides = [1, 1]} : vector<1024x128xf32> to vector<8x128xf32>
      %add3A_67 = arith.addf %add3A_65, %slice3A_66 : vector<8x128xf32>
      %slice3A_68 = vector.extract_strided_slice %select_n3A {offsets = [152, 0], sizes = [8, 128], strides = [1, 1]} : vector<1024x128xf32> to vector<8x128xf32>
      %add3A_69 = arith.addf %add3A_67, %slice3A_68 : vector<8x128xf32>
      %slice3A_70 = vector.extract_strided_slice %select_n3A {offsets = [160, 0], sizes = [8, 128], strides = [1, 1]} : vector<1024x128xf32> to vector<8x128xf32>
      %add3A_71 = arith.addf %add3A_69, %slice3A_70 : vector<8x128xf32>
      %slice3A_72 = vector.extract_strided_slice %select_n3A {offsets = [168, 0], sizes = [8, 128], strides = [1, 1]} : vector<1024x128xf32> to vector<8x128xf32>
      %add3A_73 = arith.addf %add3A_71, %slice3A_72 : vector<8x128xf32>
      %slice3A_74 = vector.extract_strided_slice %select_n3A {offsets = [176, 0], sizes = [8, 128], strides = [1, 1]} : vector<1024x128xf32> to vector<8x128xf32>
      %add3A_75 = arith.addf %add3A_73, %slice3A_74 : vector<8x128xf32>
      %slice3A_76 = vector.extract_strided_slice %select_n3A {offsets = [184, 0], sizes = [8, 128], strides = [1, 1]} : vector<1024x128xf32> to vector<8x128xf32>
      %add3A_77 = arith.addf %add3A_75, %slice3A_76 : vector<8x128xf32>
      %slice3A_78 = vector.extract_strided_slice %select_n3A {offsets = [192, 0], sizes = [8, 128], strides = [1, 1]} : vector<1024x128xf32> to vector<8x128xf32>
      %add3A_79 = arith.addf %add3A_77, %slice3A_78 : vector<8x128xf32>
      %slice3A_80 = vector.extract_strided_slice %select_n3A {offsets = [200, 0], sizes = [8, 128], strides = [1, 1]} : vector<1024x128xf32> to vector<8x128xf32>
      %add3A_81 = arith.addf %add3A_79, %slice3A_80 : vector<8x128xf32>
      %slice3A_82 = vector.extract_strided_slice %select_n3A {offsets = [208, 0], sizes = [8, 128], strides = [1, 1]} : vector<1024x128xf32> to vector<8x128xf32>
      %add3A_83 = arith.addf %add3A_81, %slice3A_82 : vector<8x128xf32>
      %slice3A_84 = vector.extract_strided_slice %select_n3A {offsets = [216, 0], sizes = [8, 128], strides = [1, 1]} : vector<1024x128xf32> to vector<8x128xf32>
      %add3A_85 = arith.addf %add3A_83, %slice3A_84 : vector<8x128xf32>
      %slice3A_86 = vector.extract_strided_slice %select_n3A {offsets = [224, 0], sizes = [8, 128], strides = [1, 1]} : vector<1024x128xf32> to vector<8x128xf32>
      %add3A_87 = arith.addf %add3A_85, %slice3A_86 : vector<8x128xf32>
      %slice3A_88 = vector.extract_strided_slice %select_n3A {offsets = [232, 0], sizes = [8, 128], strides = [1, 1]} : vector<1024x128xf32> to vector<8x128xf32>
      %add3A_89 = arith.addf %add3A_87, %slice3A_88 : vector<8x128xf32>
      %slice3A_90 = vector.extract_strided_slice %select_n3A {offsets = [240, 0], sizes = [8, 128], strides = [1, 1]} : vector<1024x128xf32> to vector<8x128xf32>
      %add3A_91 = arith.addf %add3A_89, %slice3A_90 : vector<8x128xf32>
      %slice3A_92 = vector.extract_strided_slice %select_n3A {offsets = [248, 0], sizes = [8, 128], strides = [1, 1]} : vector<1024x128xf32> to vector<8x128xf32>
      %add3A_93 = arith.addf %add3A_91, %slice3A_92 : vector<8x128xf32>
      %slice3A_94 = vector.extract_strided_slice %select_n3A {offsets = [256, 0], sizes = [8, 128], strides = [1, 1]} : vector<1024x128xf32> to vector<8x128xf32>
      %add3A_95 = arith.addf %add3A_93, %slice3A_94 : vector<8x128xf32>
      %slice3A_96 = vector.extract_strided_slice %select_n3A {offsets = [264, 0], sizes = [8, 128], strides = [1, 1]} : vector<1024x128xf32> to vector<8x128xf32>
      %add3A_97 = arith.addf %add3A_95, %slice3A_96 : vector<8x128xf32>
      %slice3A_98 = vector.extract_strided_slice %select_n3A {offsets = [272, 0], sizes = [8, 128], strides = [1, 1]} : vector<1024x128xf32> to vector<8x128xf32>
      %add3A_99 = arith.addf %add3A_97, %slice3A_98 : vector<8x128xf32>
      %slice3A_100 = vector.extract_strided_slice %select_n3A {offsets = [280, 0], sizes = [8, 128], strides = [1, 1]} : vector<1024x128xf32> to vector<8x128xf32>
      %add3A_101 = arith.addf %add3A_99, %slice3A_100 : vector<8x128xf32>
      %slice3A_102 = vector.extract_strided_slice %select_n3A {offsets = [288, 0], sizes = [8, 128], strides = [1, 1]} : vector<1024x128xf32> to vector<8x128xf32>
      %add3A_103 = arith.addf %add3A_101, %slice3A_102 : vector<8x128xf32>
      %slice3A_104 = vector.extract_strided_slice %select_n3A {offsets = [296, 0], sizes = [8, 128], strides = [1, 1]} : vector<1024x128xf32> to vector<8x128xf32>
      %add3A_105 = arith.addf %add3A_103, %slice3A_104 : vector<8x128xf32>
      %slice3A_106 = vector.extract_strided_slice %select_n3A {offsets = [304, 0], sizes = [8, 128], strides = [1, 1]} : vector<1024x128xf32> to vector<8x128xf32>
      %add3A_107 = arith.addf %add3A_105, %slice3A_106 : vector<8x128xf32>
      %slice3A_108 = vector.extract_strided_slice %select_n3A {offsets = [312, 0], sizes = [8, 128], strides = [1, 1]} : vector<1024x128xf32> to vector<8x128xf32>
      %add3A_109 = arith.addf %add3A_107, %slice3A_108 : vector<8x128xf32>
      %slice3A_110 = vector.extract_strided_slice %select_n3A {offsets = [320, 0], sizes = [8, 128], strides = [1, 1]} : vector<1024x128xf32> to vector<8x128xf32>
      %add3A_111 = arith.addf %add3A_109, %slice3A_110 : vector<8x128xf32>
      %slice3A_112 = vector.extract_strided_slice %select_n3A {offsets = [328, 0], sizes = [8, 128], strides = [1, 1]} : vector<1024x128xf32> to vector<8x128xf32>
      %add3A_113 = arith.addf %add3A_111, %slice3A_112 : vector<8x128xf32>
      %slice3A_114 = vector.extract_strided_slice %select_n3A {offsets = [336, 0], sizes = [8, 128], strides = [1, 1]} : vector<1024x128xf32> to vector<8x128xf32>
      %add3A_115 = arith.addf %add3A_113, %slice3A_114 : vector<8x128xf32>
      %slice3A_116 = vector.extract_strided_slice %select_n3A {offsets = [344, 0], sizes = [8, 128], strides = [1, 1]} : vector<1024x128xf32> to vector<8x128xf32>
      %add3A_117 = arith.addf %add3A_115, %slice3A_116 : vector<8x128xf32>
      %slice3A_118 = vector.extract_strided_slice %select_n3A {offsets = [352, 0], sizes = [8, 128], strides = [1, 1]} : vector<1024x128xf32> to vector<8x128xf32>
      %add3A_119 = arith.addf %add3A_117, %slice3A_118 : vector<8x128xf32>
      %slice3A_120 = vector.extract_strided_slice %select_n3A {offsets = [360, 0], sizes = [8, 128], strides = [1, 1]} : vector<1024x128xf32> to vector<8x128xf32>
      %add3A_121 = arith.addf %add3A_119, %slice3A_120 : vector<8x128xf32>
      %slice3A_122 = vector.extract_strided_slice %select_n3A {offsets = [368, 0], sizes = [8, 128], strides = [1, 1]} : vector<1024x128xf32> to vector<8x128xf32>
      %add3A_123 = arith.addf %add3A_121, %slice3A_122 : vector<8x128xf32>
      %slice3A_124 = vector.extract_strided_slice %select_n3A {offsets = [376, 0], sizes = [8, 128], strides = [1, 1]} : vector<1024x128xf32> to vector<8x128xf32>
      %add3A_125 = arith.addf %add3A_123, %slice3A_124 : vector<8x128xf32>
      %slice3A_126 = vector.extract_strided_slice %select_n3A {offsets = [384, 0], sizes = [8, 128], strides = [1, 1]} : vector<1024x128xf32> to vector<8x128xf32>
      %add3A_127 = arith.addf %add3A_125, %slice3A_126 : vector<8x128xf32>
      %slice3A_128 = vector.extract_strided_slice %select_n3A {offsets = [392, 0], sizes = [8, 128], strides = [1, 1]} : vector<1024x128xf32> to vector<8x128xf32>
      %add3A_129 = arith.addf %add3A_127, %slice3A_128 : vector<8x128xf32>
      %slice3A_130 = vector.extract_strided_slice %select_n3A {offsets = [400, 0], sizes = [8, 128], strides = [1, 1]} : vector<1024x128xf32> to vector<8x128xf32>
      %add3A_131 = arith.addf %add3A_129, %slice3A_130 : vector<8x128xf32>
      %slice3A_132 = vector.extract_strided_slice %select_n3A {offsets = [408, 0], sizes = [8, 128], strides = [1, 1]} : vector<1024x128xf32> to vector<8x128xf32>
      %add3A_133 = arith.addf %add3A_131, %slice3A_132 : vector<8x128xf32>
      %slice3A_134 = vector.extract_strided_slice %select_n3A {offsets = [416, 0], sizes = [8, 128], strides = [1, 1]} : vector<1024x128xf32> to vector<8x128xf32>
      %add3A_135 = arith.addf %add3A_133, %slice3A_134 : vector<8x128xf32>
      %slice3A_136 = vector.extract_strided_slice %select_n3A {offsets = [424, 0], sizes = [8, 128], strides = [1, 1]} : vector<1024x128xf32> to vector<8x128xf32>
      %add3A_137 = arith.addf %add3A_135, %slice3A_136 : vector<8x128xf32>
      %slice3A_138 = vector.extract_strided_slice %select_n3A {offsets = [432, 0], sizes = [8, 128], strides = [1, 1]} : vector<1024x128xf32> to vector<8x128xf32>
      %add3A_139 = arith.addf %add3A_137, %slice3A_138 : vector<8x128xf32>
      %slice3A_140 = vector.extract_strided_slice %select_n3A {offsets = [440, 0], sizes = [8, 128], strides = [1, 1]} : vector<1024x128xf32> to vector<8x128xf32>
      %add3A_141 = arith.addf %add3A_139, %slice3A_140 : vector<8x128xf32>
      %slice3A_142 = vector.extract_strided_slice %select_n3A {offsets = [448, 0], sizes = [8, 128], strides = [1, 1]} : vector<1024x128xf32> to vector<8x128xf32>
      %add3A_143 = arith.addf %add3A_141, %slice3A_142 : vector<8x128xf32>
      %slice3A_144 = vector.extract_strided_slice %select_n3A {offsets = [456, 0], sizes = [8, 128], strides = [1, 1]} : vector<1024x128xf32> to vector<8x128xf32>
      %add3A_145 = arith.addf %add3A_143, %slice3A_144 : vector<8x128xf32>
      %slice3A_146 = vector.extract_strided_slice %select_n3A {offsets = [464, 0], sizes = [8, 128], strides = [1, 1]} : vector<1024x128xf32> to vector<8x128xf32>
      %add3A_147 = arith.addf %add3A_145, %slice3A_146 : vector<8x128xf32>
      %slice3A_148 = vector.extract_strided_slice %select_n3A {offsets = [472, 0], sizes = [8, 128], strides = [1, 1]} : vector<1024x128xf32> to vector<8x128xf32>
      %add3A_149 = arith.addf %add3A_147, %slice3A_148 : vector<8x128xf32>
      %slice3A_150 = vector.extract_strided_slice %select_n3A {offsets = [480, 0], sizes = [8, 128], strides = [1, 1]} : vector<1024x128xf32> to vector<8x128xf32>
      %add3A_151 = arith.addf %add3A_149, %slice3A_150 : vector<8x128xf32>
      %slice3A_152 = vector.extract_strided_slice %select_n3A {offsets = [488, 0], sizes = [8, 128], strides = [1, 1]} : vector<1024x128xf32> to vector<8x128xf32>
      %add3A_153 = arith.addf %add3A_151, %slice3A_152 : vector<8x128xf32>
      %slice3A_154 = vector.extract_strided_slice %select_n3A {offsets = [496, 0], sizes = [8, 128], strides = [1, 1]} : vector<1024x128xf32> to vector<8x128xf32>
      %add3A_155 = arith.addf %add3A_153, %slice3A_154 : vector<8x128xf32>
      %slice3A_156 = vector.extract_strided_slice %select_n3A {offsets = [504, 0], sizes = [8, 128], strides = [1, 1]} : vector<1024x128xf32> to vector<8x128xf32>
      %add3A_157 = arith.addf %add3A_155, %slice3A_156 : vector<8x128xf32>
      %slice3A_158 = vector.extract_strided_slice %select_n3A {offsets = [512, 0], sizes = [8, 128], strides = [1, 1]} : vector<1024x128xf32> to vector<8x128xf32>
      %add3A_159 = arith.addf %add3A_157, %slice3A_158 : vector<8x128xf32>
      %slice3A_160 = vector.extract_strided_slice %select_n3A {offsets = [520, 0], sizes = [8, 128], strides = [1, 1]} : vector<1024x128xf32> to vector<8x128xf32>
      %add3A_161 = arith.addf %add3A_159, %slice3A_160 : vector<8x128xf32>
      %slice3A_162 = vector.extract_strided_slice %select_n3A {offsets = [528, 0], sizes = [8, 128], strides = [1, 1]} : vector<1024x128xf32> to vector<8x128xf32>
      %add3A_163 = arith.addf %add3A_161, %slice3A_162 : vector<8x128xf32>
      %slice3A_164 = vector.extract_strided_slice %select_n3A {offsets = [536, 0], sizes = [8, 128], strides = [1, 1]} : vector<1024x128xf32> to vector<8x128xf32>
      %add3A_165 = arith.addf %add3A_163, %slice3A_164 : vector<8x128xf32>
      %slice3A_166 = vector.extract_strided_slice %select_n3A {offsets = [544, 0], sizes = [8, 128], strides = [1, 1]} : vector<1024x128xf32> to vector<8x128xf32>
      %add3A_167 = arith.addf %add3A_165, %slice3A_166 : vector<8x128xf32>
      %slice3A_168 = vector.extract_strided_slice %select_n3A {offsets = [552, 0], sizes = [8, 128], strides = [1, 1]} : vector<1024x128xf32> to vector<8x128xf32>
      %add3A_169 = arith.addf %add3A_167, %slice3A_168 : vector<8x128xf32>
      %slice3A_170 = vector.extract_strided_slice %select_n3A {offsets = [560, 0], sizes = [8, 128], strides = [1, 1]} : vector<1024x128xf32> to vector<8x128xf32>
      %add3A_171 = arith.addf %add3A_169, %slice3A_170 : vector<8x128xf32>
      %slice3A_172 = vector.extract_strided_slice %select_n3A {offsets = [568, 0], sizes = [8, 128], strides = [1, 1]} : vector<1024x128xf32> to vector<8x128xf32>
      %add3A_173 = arith.addf %add3A_171, %slice3A_172 : vector<8x128xf32>
      %slice3A_174 = vector.extract_strided_slice %select_n3A {offsets = [576, 0], sizes = [8, 128], strides = [1, 1]} : vector<1024x128xf32> to vector<8x128xf32>
      %add3A_175 = arith.addf %add3A_173, %slice3A_174 : vector<8x128xf32>
      %slice3A_176 = vector.extract_strided_slice %select_n3A {offsets = [584, 0], sizes = [8, 128], strides = [1, 1]} : vector<1024x128xf32> to vector<8x128xf32>
      %add3A_177 = arith.addf %add3A_175, %slice3A_176 : vector<8x128xf32>
      %slice3A_178 = vector.extract_strided_slice %select_n3A {offsets = [592, 0], sizes = [8, 128], strides = [1, 1]} : vector<1024x128xf32> to vector<8x128xf32>
      %add3A_179 = arith.addf %add3A_177, %slice3A_178 : vector<8x128xf32>
      %slice3A_180 = vector.extract_strided_slice %select_n3A {offsets = [600, 0], sizes = [8, 128], strides = [1, 1]} : vector<1024x128xf32> to vector<8x128xf32>
      %add3A_181 = arith.addf %add3A_179, %slice3A_180 : vector<8x128xf32>
      %slice3A_182 = vector.extract_strided_slice %select_n3A {offsets = [608, 0], sizes = [8, 128], strides = [1, 1]} : vector<1024x128xf32> to vector<8x128xf32>
      %add3A_183 = arith.addf %add3A_181, %slice3A_182 : vector<8x128xf32>
      %slice3A_184 = vector.extract_strided_slice %select_n3A {offsets = [616, 0], sizes = [8, 128], strides = [1, 1]} : vector<1024x128xf32> to vector<8x128xf32>
      %add3A_185 = arith.addf %add3A_183, %slice3A_184 : vector<8x128xf32>
      %slice3A_186 = vector.extract_strided_slice %select_n3A {offsets = [624, 0], sizes = [8, 128], strides = [1, 1]} : vector<1024x128xf32> to vector<8x128xf32>
      %add3A_187 = arith.addf %add3A_185, %slice3A_186 : vector<8x128xf32>
      %slice3A_188 = vector.extract_strided_slice %select_n3A {offsets = [632, 0], sizes = [8, 128], strides = [1, 1]} : vector<1024x128xf32> to vector<8x128xf32>
      %add3A_189 = arith.addf %add3A_187, %slice3A_188 : vector<8x128xf32>
      %slice3A_190 = vector.extract_strided_slice %select_n3A {offsets = [640, 0], sizes = [8, 128], strides = [1, 1]} : vector<1024x128xf32> to vector<8x128xf32>
      %add3A_191 = arith.addf %add3A_189, %slice3A_190 : vector<8x128xf32>
      %slice3A_192 = vector.extract_strided_slice %select_n3A {offsets = [648, 0], sizes = [8, 128], strides = [1, 1]} : vector<1024x128xf32> to vector<8x128xf32>
      %add3A_193 = arith.addf %add3A_191, %slice3A_192 : vector<8x128xf32>
      %slice3A_194 = vector.extract_strided_slice %select_n3A {offsets = [656, 0], sizes = [8, 128], strides = [1, 1]} : vector<1024x128xf32> to vector<8x128xf32>
      %add3A_195 = arith.addf %add3A_193, %slice3A_194 : vector<8x128xf32>
      %slice3A_196 = vector.extract_strided_slice %select_n3A {offsets = [664, 0], sizes = [8, 128], strides = [1, 1]} : vector<1024x128xf32> to vector<8x128xf32>
      %add3A_197 = arith.addf %add3A_195, %slice3A_196 : vector<8x128xf32>
      %slice3A_198 = vector.extract_strided_slice %select_n3A {offsets = [672, 0], sizes = [8, 128], strides = [1, 1]} : vector<1024x128xf32> to vector<8x128xf32>
      %add3A_199 = arith.addf %add3A_197, %slice3A_198 : vector<8x128xf32>
      %slice3A_200 = vector.extract_strided_slice %select_n3A {offsets = [680, 0], sizes = [8, 128], strides = [1, 1]} : vector<1024x128xf32> to vector<8x128xf32>
      %add3A_201 = arith.addf %add3A_199, %slice3A_200 : vector<8x128xf32>
      %slice3A_202 = vector.extract_strided_slice %select_n3A {offsets = [688, 0], sizes = [8, 128], strides = [1, 1]} : vector<1024x128xf32> to vector<8x128xf32>
      %add3A_203 = arith.addf %add3A_201, %slice3A_202 : vector<8x128xf32>
      %slice3A_204 = vector.extract_strided_slice %select_n3A {offsets = [696, 0], sizes = [8, 128], strides = [1, 1]} : vector<1024x128xf32> to vector<8x128xf32>
      %add3A_205 = arith.addf %add3A_203, %slice3A_204 : vector<8x128xf32>
      %slice3A_206 = vector.extract_strided_slice %select_n3A {offsets = [704, 0], sizes = [8, 128], strides = [1, 1]} : vector<1024x128xf32> to vector<8x128xf32>
      %add3A_207 = arith.addf %add3A_205, %slice3A_206 : vector<8x128xf32>
      %slice3A_208 = vector.extract_strided_slice %select_n3A {offsets = [712, 0], sizes = [8, 128], strides = [1, 1]} : vector<1024x128xf32> to vector<8x128xf32>
      %add3A_209 = arith.addf %add3A_207, %slice3A_208 : vector<8x128xf32>
      %slice3A_210 = vector.extract_strided_slice %select_n3A {offsets = [720, 0], sizes = [8, 128], strides = [1, 1]} : vector<1024x128xf32> to vector<8x128xf32>
      %add3A_211 = arith.addf %add3A_209, %slice3A_210 : vector<8x128xf32>
      %slice3A_212 = vector.extract_strided_slice %select_n3A {offsets = [728, 0], sizes = [8, 128], strides = [1, 1]} : vector<1024x128xf32> to vector<8x128xf32>
      %add3A_213 = arith.addf %add3A_211, %slice3A_212 : vector<8x128xf32>
      %slice3A_214 = vector.extract_strided_slice %select_n3A {offsets = [736, 0], sizes = [8, 128], strides = [1, 1]} : vector<1024x128xf32> to vector<8x128xf32>
      %add3A_215 = arith.addf %add3A_213, %slice3A_214 : vector<8x128xf32>
      %slice3A_216 = vector.extract_strided_slice %select_n3A {offsets = [744, 0], sizes = [8, 128], strides = [1, 1]} : vector<1024x128xf32> to vector<8x128xf32>
      %add3A_217 = arith.addf %add3A_215, %slice3A_216 : vector<8x128xf32>
      %slice3A_218 = vector.extract_strided_slice %select_n3A {offsets = [752, 0], sizes = [8, 128], strides = [1, 1]} : vector<1024x128xf32> to vector<8x128xf32>
      %add3A_219 = arith.addf %add3A_217, %slice3A_218 : vector<8x128xf32>
      %slice3A_220 = vector.extract_strided_slice %select_n3A {offsets = [760, 0], sizes = [8, 128], strides = [1, 1]} : vector<1024x128xf32> to vector<8x128xf32>
      %add3A_221 = arith.addf %add3A_219, %slice3A_220 : vector<8x128xf32>
      %slice3A_222 = vector.extract_strided_slice %select_n3A {offsets = [768, 0], sizes = [8, 128], strides = [1, 1]} : vector<1024x128xf32> to vector<8x128xf32>
      %add3A_223 = arith.addf %add3A_221, %slice3A_222 : vector<8x128xf32>
      %slice3A_224 = vector.extract_strided_slice %select_n3A {offsets = [776, 0], sizes = [8, 128], strides = [1, 1]} : vector<1024x128xf32> to vector<8x128xf32>
      %add3A_225 = arith.addf %add3A_223, %slice3A_224 : vector<8x128xf32>
      %slice3A_226 = vector.extract_strided_slice %select_n3A {offsets = [784, 0], sizes = [8, 128], strides = [1, 1]} : vector<1024x128xf32> to vector<8x128xf32>
      %add3A_227 = arith.addf %add3A_225, %slice3A_226 : vector<8x128xf32>
      %slice3A_228 = vector.extract_strided_slice %select_n3A {offsets = [792, 0], sizes = [8, 128], strides = [1, 1]} : vector<1024x128xf32> to vector<8x128xf32>
      %add3A_229 = arith.addf %add3A_227, %slice3A_228 : vector<8x128xf32>
      %slice3A_230 = vector.extract_strided_slice %select_n3A {offsets = [800, 0], sizes = [8, 128], strides = [1, 1]} : vector<1024x128xf32> to vector<8x128xf32>
      %add3A_231 = arith.addf %add3A_229, %slice3A_230 : vector<8x128xf32>
      %slice3A_232 = vector.extract_strided_slice %select_n3A {offsets = [808, 0], sizes = [8, 128], strides = [1, 1]} : vector<1024x128xf32> to vector<8x128xf32>
      %add3A_233 = arith.addf %add3A_231, %slice3A_232 : vector<8x128xf32>
      %slice3A_234 = vector.extract_strided_slice %select_n3A {offsets = [816, 0], sizes = [8, 128], strides = [1, 1]} : vector<1024x128xf32> to vector<8x128xf32>
      %add3A_235 = arith.addf %add3A_233, %slice3A_234 : vector<8x128xf32>
      %slice3A_236 = vector.extract_strided_slice %select_n3A {offsets = [824, 0], sizes = [8, 128], strides = [1, 1]} : vector<1024x128xf32> to vector<8x128xf32>
      %add3A_237 = arith.addf %add3A_235, %slice3A_236 : vector<8x128xf32>
      %slice3A_238 = vector.extract_strided_slice %select_n3A {offsets = [832, 0], sizes = [8, 128], strides = [1, 1]} : vector<1024x128xf32> to vector<8x128xf32>
      %add3A_239 = arith.addf %add3A_237, %slice3A_238 : vector<8x128xf32>
      %slice3A_240 = vector.extract_strided_slice %select_n3A {offsets = [840, 0], sizes = [8, 128], strides = [1, 1]} : vector<1024x128xf32> to vector<8x128xf32>
      %add3A_241 = arith.addf %add3A_239, %slice3A_240 : vector<8x128xf32>
      %slice3A_242 = vector.extract_strided_slice %select_n3A {offsets = [848, 0], sizes = [8, 128], strides = [1, 1]} : vector<1024x128xf32> to vector<8x128xf32>
      %add3A_243 = arith.addf %add3A_241, %slice3A_242 : vector<8x128xf32>
      %slice3A_244 = vector.extract_strided_slice %select_n3A {offsets = [856, 0], sizes = [8, 128], strides = [1, 1]} : vector<1024x128xf32> to vector<8x128xf32>
      %add3A_245 = arith.addf %add3A_243, %slice3A_244 : vector<8x128xf32>
      %slice3A_246 = vector.extract_strided_slice %select_n3A {offsets = [864, 0], sizes = [8, 128], strides = [1, 1]} : vector<1024x128xf32> to vector<8x128xf32>
      %add3A_247 = arith.addf %add3A_245, %slice3A_246 : vector<8x128xf32>
      %slice3A_248 = vector.extract_strided_slice %select_n3A {offsets = [872, 0], sizes = [8, 128], strides = [1, 1]} : vector<1024x128xf32> to vector<8x128xf32>
      %add3A_249 = arith.addf %add3A_247, %slice3A_248 : vector<8x128xf32>
      %slice3A_250 = vector.extract_strided_slice %select_n3A {offsets = [880, 0], sizes = [8, 128], strides = [1, 1]} : vector<1024x128xf32> to vector<8x128xf32>
      %add3A_251 = arith.addf %add3A_249, %slice3A_250 : vector<8x128xf32>
      %slice3A_252 = vector.extract_strided_slice %select_n3A {offsets = [888, 0], sizes = [8, 128], strides = [1, 1]} : vector<1024x128xf32> to vector<8x128xf32>
      %add3A_253 = arith.addf %add3A_251, %slice3A_252 : vector<8x128xf32>
      %slice3A_254 = vector.extract_strided_slice %select_n3A {offsets = [896, 0], sizes = [8, 128], strides = [1, 1]} : vector<1024x128xf32> to vector<8x128xf32>
      %add3A_255 = arith.addf %add3A_253, %slice3A_254 : vector<8x128xf32>
      %slice3A_256 = vector.extract_strided_slice %select_n3A {offsets = [904, 0], sizes = [8, 128], strides = [1, 1]} : vector<1024x128xf32> to vector<8x128xf32>
      %add3A_257 = arith.addf %add3A_255, %slice3A_256 : vector<8x128xf32>
      %slice3A_258 = vector.extract_strided_slice %select_n3A {offsets = [912, 0], sizes = [8, 128], strides = [1, 1]} : vector<1024x128xf32> to vector<8x128xf32>
      %add3A_259 = arith.addf %add3A_257, %slice3A_258 : vector<8x128xf32>
      %slice3A_260 = vector.extract_strided_slice %select_n3A {offsets = [920, 0], sizes = [8, 128], strides = [1, 1]} : vector<1024x128xf32> to vector<8x128xf32>
      %add3A_261 = arith.addf %add3A_259, %slice3A_260 : vector<8x128xf32>
      %slice3A_262 = vector.extract_strided_slice %select_n3A {offsets = [928, 0], sizes = [8, 128], strides = [1, 1]} : vector<1024x128xf32> to vector<8x128xf32>
      %add3A_263 = arith.addf %add3A_261, %slice3A_262 : vector<8x128xf32>
      %slice3A_264 = vector.extract_strided_slice %select_n3A {offsets = [936, 0], sizes = [8, 128], strides = [1, 1]} : vector<1024x128xf32> to vector<8x128xf32>
      %add3A_265 = arith.addf %add3A_263, %slice3A_264 : vector<8x128xf32>
      %slice3A_266 = vector.extract_strided_slice %select_n3A {offsets = [944, 0], sizes = [8, 128], strides = [1, 1]} : vector<1024x128xf32> to vector<8x128xf32>
      %add3A_267 = arith.addf %add3A_265, %slice3A_266 : vector<8x128xf32>
      %slice3A_268 = vector.extract_strided_slice %select_n3A {offsets = [952, 0], sizes = [8, 128], strides = [1, 1]} : vector<1024x128xf32> to vector<8x128xf32>
      %add3A_269 = arith.addf %add3A_267, %slice3A_268 : vector<8x128xf32>
      %slice3A_270 = vector.extract_strided_slice %select_n3A {offsets = [960, 0], sizes = [8, 128], strides = [1, 1]} : vector<1024x128xf32> to vector<8x128xf32>
      %add3A_271 = arith.addf %add3A_269, %slice3A_270 : vector<8x128xf32>
      %slice3A_272 = vector.extract_strided_slice %select_n3A {offsets = [968, 0], sizes = [8, 128], strides = [1, 1]} : vector<1024x128xf32> to vector<8x128xf32>
      %add3A_273 = arith.addf %add3A_271, %slice3A_272 : vector<8x128xf32>
      %slice3A_274 = vector.extract_strided_slice %select_n3A {offsets = [976, 0], sizes = [8, 128], strides = [1, 1]} : vector<1024x128xf32> to vector<8x128xf32>
      %add3A_275 = arith.addf %add3A_273, %slice3A_274 : vector<8x128xf32>
      %slice3A_276 = vector.extract_strided_slice %select_n3A {offsets = [984, 0], sizes = [8, 128], strides = [1, 1]} : vector<1024x128xf32> to vector<8x128xf32>
      %add3A_277 = arith.addf %add3A_275, %slice3A_276 : vector<8x128xf32>
      %slice3A_278 = vector.extract_strided_slice %select_n3A {offsets = [992, 0], sizes = [8, 128], strides = [1, 1]} : vector<1024x128xf32> to vector<8x128xf32>
      %add3A_279 = arith.addf %add3A_277, %slice3A_278 : vector<8x128xf32>
      %slice3A_280 = vector.extract_strided_slice %select_n3A {offsets = [1000, 0], sizes = [8, 128], strides = [1, 1]} : vector<1024x128xf32> to vector<8x128xf32>
      %add3A_281 = arith.addf %add3A_279, %slice3A_280 : vector<8x128xf32>
      %slice3A_282 = vector.extract_strided_slice %select_n3A {offsets = [1008, 0], sizes = [8, 128], strides = [1, 1]} : vector<1024x128xf32> to vector<8x128xf32>
      %add3A_283 = arith.addf %add3A_281, %slice3A_282 : vector<8x128xf32>
      %slice3A_284 = vector.extract_strided_slice %select_n3A {offsets = [1016, 0], sizes = [8, 128], strides = [1, 1]} : vector<1024x128xf32> to vector<8x128xf32>
      %add3A_285 = arith.addf %add3A_283, %slice3A_284 : vector<8x128xf32>
      %add3A_286 = arith.addf %get3A_26, %add3A_285 : vector<8x128xf32>
      %swap3A = arith.constant 0 : index
      %swap3A_287 = arith.constant 0 : index
      %swap3A_288 = vector.load %arg6[%swap3A, %swap3A_287] : memref<8x128xf32, #tpu.memory_space<vmem>>, vector<8x128xf32>
      tpu.vector_store %arg6[%swap3A, %swap3A_287], %add3A_286 {strides = array<i32>} : memref<8x128xf32, #tpu.memory_space<vmem>>, vector<8x128xf32>,
      %get3A_289 = arith.constant 0 : index
      %get3A_290 = arith.constant 0 : index
      %get3A_291 = vector.load %arg6[%get3A_289, %get3A_290] : memref<8x128xf32, #tpu.memory_space<vmem>>, vector<8x128xf32>
      %reduce_sum3A = vector.shape_cast %get3A_291 : vector<8x128xf32> to vector<1x8x128xf32>
      %reduce_sum3A_292 = arith.constant dense<0.000000e+00> : vector<1xf32>
      %reduce_sum3A_293 = vector.multi_reduction <add>, %reduce_sum3A, %reduce_sum3A_292 [1, 2] : vector<1x8x128xf32> to vector<1xf32>
      %reduce_sum3A_294 = vector.shape_cast %reduce_sum3A_293 : vector<1xf32> to vector<1x1x1xf32>
      %reduce_sum3A_295 = vector.extract %reduce_sum3A_294[0, 0, 0] : f32 from vector<1x1x1xf32>
      %swap3A_296 = arith.constant 0 : index
      %swap3A_297 = arith.constant 0 : index
      %swap3A_298 = memref.load %arg5[%swap3A_296, %swap3A_297] : memref<1x1xf32, #tpu.memory_space<smem>>
      memref.store %reduce_sum3A_295, %arg5[%swap3A_296, %swap3A_297] : memref<1x1xf32, #tpu.memory_space<smem>>
    } else {
    }
    return
  }
  func.func @transform_0(%arg0: i32) -> i32 {
    %c0_i32 = arith.constant 0 : i32
    return %arg0 : i32
  }
  func.func @transform_1(%arg0: i32) -> i32 {
    %c0_i32 = arith.constant 0 : i32
    return %arg0 : i32
  }
  func.func @transform_2(%arg0: i32) -> i32 {
    %c0_i32 = arith.constant 0 : i32
    return %arg0 : i32
  }
  func.func @transform_3(%arg0: i32) -> i32 {
    %c0_i32 = arith.constant 0 : i32
    return %arg0 : i32
  }
  func.func @transform_4(%arg0: i32) -> (i32, i32) {
    %c0_i32 = arith.constant 0 : i32
    %c0_i32_0 = arith.constant 0 : i32
    %c0_i32_1 = arith.constant 0 : i32
    return %c0_i32, %c0_i32_0 : i32, i32
  }
}

module attributes {stable_mosaic.version = 14 : i64} {
  func.func @_rowsum_body(%arg0: i32, %arg1: memref<64x20480xf32, #tpu.memory_space<vmem>>, %arg2: memref<64x20480xf32, #tpu.memory_space<vmem>>, %arg3: memref<20480xf32, #tpu.memory_space<vmem>>, %arg4: memref<20480xf32, #tpu.memory_space<vmem>>) attributes {dimension_semantics = [#tpu.dimension_semantics<arbitrary>], iteration_bounds = array<i64: 49>, scalar_prefetch = 0 : i64, scratch_operands = 0 : i64, tpu.core_type = #tpu.core_type<tc>, window_params = [{transform_indices = @transform_0, window_bounds = array<i64: 64, 20480>}, {transform_indices = @transform_1, window_bounds = array<i64: 64, 20480>}, {transform_indices = @transform_2, window_bounds = array<i64: 20480>}, {transform_indices = @transform_3, window_bounds = array<i64: 20480>}]} {
    %get3A = arith.constant 0 : index
    %get3A_0 = arith.constant 0 : index
    %get3A_1 = vector.load %arg1[%get3A, %get3A_0] : memref<64x20480xf32, #tpu.memory_space<vmem>>, vector<64x20480xf32>
    %reduce_sum3A = arith.constant dense<0.000000e+00> : vector<20480xf32>
    %reduce_sum3A_2 = vector.multi_reduction <add>, %get3A_1, %reduce_sum3A [0] : vector<64x20480xf32> to vector<20480xf32>
    %swap3A = arith.constant 0 : index
    %swap3A_3 = vector.load %arg3[%swap3A] : memref<20480xf32, #tpu.memory_space<vmem>>, vector<20480xf32>
    tpu.vector_store %arg3[%swap3A], %reduce_sum3A_2 {strides = array<i32>} : memref<20480xf32, #tpu.memory_space<vmem>>, vector<20480xf32>,
    %get3A_4 = arith.constant 0 : index
    %get3A_5 = arith.constant 0 : index
    %get3A_6 = vector.load %arg2[%get3A_4, %get3A_5] : memref<64x20480xf32, #tpu.memory_space<vmem>>, vector<64x20480xf32>
    %reduce_sum3A_7 = arith.constant dense<0.000000e+00> : vector<20480xf32>
    %reduce_sum3A_8 = vector.multi_reduction <add>, %get3A_6, %reduce_sum3A_7 [0] : vector<64x20480xf32> to vector<20480xf32>
    %swap3A_9 = arith.constant 0 : index
    %swap3A_10 = vector.load %arg4[%swap3A_9] : memref<20480xf32, #tpu.memory_space<vmem>>, vector<20480xf32>
    tpu.vector_store %arg4[%swap3A_9], %reduce_sum3A_8 {strides = array<i32>} : memref<20480xf32, #tpu.memory_space<vmem>>, vector<20480xf32>,
    return
  }
  func.func @transform_0(%arg0: i32) -> (i32, i32) {
    %c0_i32 = arith.constant 0 : i32
    %c0_i32_0 = arith.constant 0 : i32
    return %c0_i32, %arg0 : i32, i32
  }
  func.func @transform_1(%arg0: i32) -> (i32, i32) {
    %c0_i32 = arith.constant 0 : i32
    %c0_i32_0 = arith.constant 0 : i32
    return %c0_i32, %arg0 : i32, i32
  }
  func.func @transform_2(%arg0: i32) -> i32 {
    %c0_i32 = arith.constant 0 : i32
    return %arg0 : i32
  }
  func.func @transform_3(%arg0: i32) -> i32 {
    %c0_i32 = arith.constant 0 : i32
    return %arg0 : i32
  }
}

</mosaic_0001>

<sc_bundles>
// kernel: kernel.5.cloned.1.call-start
scs
__scs_entry_jumppad:
0x0: {  	(pc) =	sbr.rel $0x88, $3  }
0x1: {  	(tag) =	ssettag $0x0;
	lr =	simm.s32 $0x1  }
0x2: {  	[smem:$0x3F9D] =	sst lr;
	_ =	strace $0xD0000000  }
0x3: {  	_ = 	snop  }
0x4: {  	_ = 	snop  }
0x5: {  	_ = 	snop  }
0x6: {  	_ = 	snop  }
0x7: {  	_ = 	snop  }
__scs_overlays_trampoline_lowered:
0x8: {  	[smem:$0x3FAC] =	sst s0  }
0x9: {  	[smem:$0x3FAD] =	sst s1  }
0xa: {  	[smem:$0x3FAE] =	sst s2  }
0xb: {  	[smem:$0x3FAF] =	sst s3  }
0xc: {  	[smem:$0x3FB0] =	sst s4  }
0xd: {  	[smem:$0x3FB1] =	sst s5  }
0xe: {  	[smem:$0x3FB2] =	sst s6  }
0xf: {  	[smem:$0x3FB3] =	sst s7  }
0x10: {  	[smem:$0x3FB4] =	sst s8  }
0x11: {  	[smem:$0x3FB5] =	sst s9;
	s0 =	simm.s32 @!p0 $0x0  }
0x12: {  	s1 =	sld [smem:$0x3F9B];
	s0 =	simm.s32 @p0 $0x1  }
0x13: {  	[smem:$0x3FB6] =	sst s0;
	s0 =	simm.s32 @!p1 $0x0  }
0x14: {  	s2 =	sld [smem:$0x3F9A];
	s0 =	simm.s32 @p1 $0x1  }
0x15: {  	[smem:$0x3FB7] =	sst s0;
	s0 =	simm.s32 @!p2 $0x0  }
0x16: {  	s3 =	sld [smem:$0x3FDB];
	s0 =	simm.s32 @p2 $0x1  }
0x17: {  	s4 =	simm.s32 $0x1BF5;
	[smem:$0x3FB9] =	sst s0  }
0x18: {  	s0 =	sld [smem:$0x3F9C];
	_ =	swait.ge [sflag:s4], $0x0  }
0x19: {  	s7 =	sld [smem:$0x3F9D]  }
0x1a: {  	s8 =	sadd.s32 $0xFFFFE003, lr  }
0x1b: {  	s9 =	sadd.s32 $0xFFFFFEF7, lr;
	s5 =	simm.s32 $0xFFFFFFFF;
	p2 =	slt.u32 s8, $0xFFFFF086  }
0x1c: {  	p1 =	slt.u32 s9, $0xF7A;
	s5 =	simm.s32 @!p2 $0x0  }
0x1d: {  	s5 =	simm.s32 @p1 $0x1;
	p0 =	seq.s32 s7, s2  }
0x1e: {  	s7 =	smul.u32 @!p0 $0xF7A, s2;
	p2 =	seq.s32 @!p0 s5, $0x0  }
0x1f: {  	s9 =	smul.u32 $0xF7A, s1;
	s8 =	simm.s32 @!p0 $0x1BF5;
	p2 =	por !p2, p0  }
0x20: {  	[sflag:s8] =	ssyncset.s32 @!p0 $0xFFFFF086;
	s6 =	sadd.s32 @!p0 s3, s7;
	s7 =	simm.s32 @!p0 $0x108  }
0x21: {  	s3 =	sadd.s32 s3, s9;
	s6 =	sadd.s32 @!p0 $0x88, s6;
	s7 =	simm.s32 @p2 $0x1082  }
0x22: {  	[simem:s7], [sflag:s8] =	dma.local @!p0 [hbm:s6], $0xF7A  }
0x23: {  	s9 =	sor.u32 $0xD0000000, s2;
	s6 =	simm.s32 $0x108;
	_ =	swait.ge @!p0 [sflag:s8], $0x0  }
0x24: {  	s3 =	sadd.s32 $0x88, s3;
	s6 =	simm.s32 @!p1 $0x1082;
	[sflag:s4] =	ssyncset.s32 $0xFFFFF086  }
0x25: {  	[simem:s6], [sflag:s4] =	dma.local [hbm:s3], $0xF7A  }
0x26: {  	[smem:$0x3F9D] =	sst s1;
	(tag) =	ssettag s2;
	_ =	strace s9  }
0x27: {  	s1 =	sld [smem:$0x3FAD]  }
0x28: {  	s2 =	sld [smem:$0x3FAE]  }
0x29: {  	s4 =	sld [smem:$0x3FB0]  }
0x2a: {  	p0 =	seq.s32 s5, $0x0;
	s5 =	sld [smem:$0x3FB1]  }
0x2b: {  	s6 =	sld [smem:$0x3FB2]  }
0x2c: {  	s7 =	sld [smem:$0x3FB3]  }
0x2d: {  	s3 =	simm.s32 $0x108;
	s8 =	sld [smem:$0x3FB4]  }
0x2e: {  	s3 =	simm.s32 @!p0 $0x1082;
	s9 =	sld [smem:$0x3FB5]  }
0x2f: {  	lr =	sadd.s32 s0, s3;
	s0 =	sld [smem:$0x3FAC]  }
0x30: {  	s3 =	sld [smem:$0x3FAF]  }
0x31: {  	[smem:$0x3FB8] =	sst s10  }
0x32: {  	s10 =	sld [smem:$0x3FB6];
	_ =	sdelay $0x3  }
0x33: {  	p0 =	seq.s32 s10, $0x1;
	s10 =	sld [smem:$0x3FB8];
	_ =	sdelay $0x3  }
0x34: {  	[smem:$0x3FB8] =	sst s10  }
0x35: {  	s10 =	sld [smem:$0x3FB7];
	_ =	sdelay $0x3  }
0x36: {  	p1 =	seq.s32 s10, $0x1;
	s10 =	sld [smem:$0x3FB8];
	_ =	sdelay $0x3  }
0x37: {  	[smem:$0x3FB8] =	sst s10  }
0x38: {  	s10 =	sld [smem:$0x3FB9]  }
0x39: {  	_ = 	snop;
	(pc) =	sbr.ind lr, $3  }
0x3a: {  	_ = 	snop  }
0x3b: {  	_ = 	snop  }
0x3c: {  	p2 =	seq.s32 s10, $0x1;
	s10 =	sld [smem:$0x3FB8]  }
0x3d: {  	_ =	shalt  }
0x3e: {  	_ =	shalt  }
0x3f: {  	_ =	shalt  }
0x40: {  	_ =	shalt  }
0x41: {  	_ =	shalt  }
0x42: {  	_ =	shalt  }
0x43: {  	_ =	shalt  }
0x44: {  	_ =	shalt  }
0x45: {  	_ =	shalt  }
0x46: {  	_ =	shalt  }
0x47: {  	_ =	shalt  }
0x48: {  	_ =	shalt  }
0x49: {  	_ =	shalt  }
0x4a: {  	_ =	shalt  }
0x4b: {  	_ =	shalt  }
0x4c: {  	_ =	shalt  }
0x4d: {  	_ =	shalt  }
0x4e: {  	_ =	shalt  }
0x4f: {  	_ =	shalt  }
0x50: {  	_ =	shalt  }
0x51: {  	_ =	shalt  }
0x52: {  	_ =	shalt  }
0x53: {  	_ =	shalt  }
0x54: {  	_ =	shalt  }
0x55: {  	_ =	shalt  }
0x56: {  	_ =	shalt  }
0x57: {  	_ =	shalt  }
0x58: {  	_ =	shalt  }
0x59: {  	_ =	shalt  }
0x5a: {  	_ =	shalt  }
0x5b: {  	_ =	shalt  }
0x5c: {  	_ =	shalt  }
0x5d: {  	_ =	shalt  }
0x5e: {  	_ =	shalt  }
0x5f: {  	_ =	shalt  }
0x60: {  	_ =	shalt  }
0x61: {  	_ =	shalt  }
0x62: {  	_ =	shalt  }
0x63: {  	_ =	shalt  }
0x64: {  	_ =	shalt  }
0x65: {  	_ =	shalt  }
0x66: {  	_ =	shalt  }
0x67: {  	_ =	shalt  }
0x68: {  	_ =	shalt  }
0x69: {  	_ =	shalt  }
0x6a: {  	_ =	shalt  }
0x6b: {  	_ =	shalt  }
0x6c: {  	_ =	shalt  }
0x6d: {  	_ =	shalt  }
0x6e: {  	_ =	shalt  }
0x6f: {  	_ =	shalt  }
0x70: {  	_ =	shalt  }
0x71: {  	_ =	shalt  }
0x72: {  	_ =	shalt  }
0x73: {  	_ =	shalt  }
0x74: {  	_ =	shalt  }
0x75: {  	_ =	shalt  }
0x76: {  	_ =	shalt  }
0x77: {  	_ =	shalt  }
0x78: {  	_ =	shalt  }
0x79: {  	_ =	shalt  }
0x7a: {  	_ =	shalt  }
0x7b: {  	_ =	shalt  }
0x7c: {  	_ =	shalt  }
0x7d: {  	_ =	shalt  }
0x7e: {  	_ =	shalt  }
0x7f: {  	_ =	shalt  }
0x80: {  	_ =	shalt  }
0x81: {  	_ =	shalt  }
0x82: {  	_ =	shalt  }
0x83: {  	_ =	shalt  }
0x84: {  	_ =	shalt  }
0x85: {  	_ =	shalt  }
0x86: {  	_ =	shalt  }
0x87: {  	_ =	shalt  }
.Lfunc_end0:
.L_simem_size_0:
called_computation_lowered:
.L_overlay_start_0:
0x88: {  	s2 =	sld [smem:$0x3FD9]  }
0x89: {  	s3 =	sld [smem:$0x3FFE];
	_ =	sdelay $0x1  }
0x8a: {  	s1 =	srdreg.scid  }
0x8b: {  	s0 =	sand.u32 $0x1, s1  }
0x8c: {  	s14 =	sshll.u32 s0, $0xA;
	s2 =	sadd.s32 s3, s2  }
0x8d: {  	s2 =	sadd.s32 s2, s14  }
0x8e: {  	[smem:$0x3FC4] =	sst s2  }
0x8f: {  	_ = 	snop  }
0x90: {  	s2 =	sld [smem:$0x3FD0];
	_ =	sdelay $0x1  }
0x91: {  	s15 =	sld [smem:$0x3FC9]  }
0x92: {  	s5 =	simm.s32 $0xA;
	s6 =	simm.s32 $0x10;
	s4 =	sld [smem:$0x3FC8]  }
0x93: {  	[smem:s6], [sflag:s5] =	dma.local [hbm:s2], $0x1  }
0x94: {  	_ =	swait.eq [sflag:s5], $0x1  }
0x95: {  	[sflag:s5] =	ssyncset.done $0x0  }
0x96: {  	s16 =	sld [smem:$0x11];
	[sflag:s5] =	ssyncadd.s32 $0xFFFFFFFF  }
0x97: {  	s17 =	sld [smem:$0x12];
	(tm) =	ssettm $0x1  }
0x98: {  	s18 =	sld [smem:$0x3FFB];
	_ =	sdelay $0x3  }
0x99: {  	_ =	strace s18  }
0x9a: {  	s6 =	sld [smem:$0x3FFC];
	_ =	sdelay $0x3  }
0x9b: {  	_ =	strace s6  }
0x9c: {  	s6 =	sld [smem:$0x3FFD];
	_ =	sdelay $0x3  }
0x9d: {  	_ =	strace s6  }
0x9e: {  	_ =	strace $0x8FFFFFFF  }
0x9f: {  	s19 =	sld [smem:$0x3FDB];
	_ =	sdelay $0x1  }
0xa0: {  	s7 =	simm.s32 $_scs_section_size  }
0xa1: {  	s8 =	simm.s32 $_size__tile_overlayer_lowered;
	s9 =	simm.s32 $_tile_overlayer_lowered  }
0xa2: {  	s22 =	simm.s32 $0x1BFF;
	s21 =	sshll.u32 s9, $0x1;
	s6 =	sadd.s32 s7, s19  }
0xa3: {  	s10 =	simm.s32 $0x0;
	s20 =	sshll.u32 s8, $0x1;
	s8 =	sadd.s32 s21, s6  }
0xa4: {  	[timem:s10], [sflag:s22] =	dma.local [hbm:s8], s20  }
0xa5: {  	_ =	swait.ge [sflag:s22], s20  }
0xa6: {  	s7 =	ssub.s32 $0x0, s20;
	[sflag:s22] =	ssyncset.done $0x0  }
0xa7: {  	[sflag:s22] =	ssyncadd.s32 s7;
	_ =	sdelay $0x1  }
0xa8: {  	s23 =	simm.s32 $0x1B8B  }
0xa9: {  	_ =	swait.ge [sflag:s23], $0x1  }
0xaa: {  	[sflag:s23] =	ssyncset.done $0x0  }
0xab: {  	s25 =	simm.s32 $0x1B8E;
	s24 =	sld [smem:$0x3FFE];
	[sflag:s23] =	ssyncadd.s32 $0xFFFFFFFF  }
0xac: {  	s26 =	simm.s32 $execute0_lowered;
	[smem:$0x3FD2] =	sst s25  }
0xad: {  	s8 =	sshll.u32 s26, $0x1;
	_ =	strace $0x80000046;
	[dreg:$0x1] =	wrdreg $0xFFFFFFFF  }
0xae: {  	s28 =	simm.s32 $_size_execute0_lowered;
	s6 =	sadd.s32 s6, s8;
	[dreg:$0x0] =	wrdreg $0x0  }
0xaf: {  	s8 =	sshll.u32 s28, $0x1;
	[dreg:$0x2] =	wrdreg s6  }
0xb0: {  	[dreg:$0x3] =	wrdreg s8  }
0xb1: {  	[dreg:$0x4] =	wrdreg $0xC0  }
0xb2: {  	_ =	task [dreg:s10], $0x5FFFF  }
0xb3: {  	[dreg:$0x1] =	wrdreg $0xFFFFFFFF  }
0xb4: {  	[dreg:$0x0] =	wrdreg $0x60  }
0xb5: {  	[dreg:$0x2] =	wrdreg s15  }
0xb6: {  	[dreg:$0x3] =	wrdreg s4  }
0xb7: {  	[dreg:$0x4] =	wrdreg s24  }
0xb8: {  	[dreg:$0x5] =	wrdreg s16  }
0xb9: {  	[dreg:$0x6] =	wrdreg s17  }
0xba: {  	[dreg:$0x7] =	wrdreg $0x50800  }
0xbb: {  	[dreg:$0x8] =	wrdreg $0x9  }
0xbc: {  	_ =	task.clear_ibuf [dreg:s10], $0x9FFFF;
	_ =	strace $0x90000046  }
0xbd: {  	s29 =	simm.s32 $0x9;
	_ =	strace $0x80000048  }
0xbe: {  	_ =	swait.ge [sflag:s29], $0x1  }
0xbf: {  	[sflag:s29] =	ssyncadd.s32 $0xFFFFFFFF  }
0xc0: {  	_ =	strace $0x90000048  }
0xc1: {  	_ =	sfence  }
0xc2: {  	s30 =	sld [smem:$0x0];
	_ =	sdelay $0x2  }
0xc3: {  	s31 =	sshll.u32 s1, $0xD;
	s1 =	sshrl.u32 s1, $0x2  }
0xc4: {  	s3 =	sand.u32 $0x4000, s31;
	s1 =	sadd.s32 s1, s30  }
0xc5: {  	s0 =	sor.u32 s3, s0;
	s1 =	sshll.u32 s1, $0x11  }
0xc6: {  	s0 =	sor.u32 s1, s0  }
0xc7: {  	s0 =	sadd.s32 $0x8F2B, s0  }
0xc8: {  	[sflag:s0] =	ssyncadd.remote.s32 $0x1  }
0xc9: {  	_ =	sfence.sel $0xFFFF  }
0xca: {  	[dreg:$0x0] =	wrdreg $0xFFFFFFFF;
	(pc) =	sbr.abs _section_cstart, $3  }
0xcb: {  	[dreg:$0x1] =	wrdreg $0xFFFFFFFF  }
0xcc: {  	_ =	task.clear_ibuf [dreg:s10], $0x2FFFF;
	_ =	strace $0x9FFFFFFF  }
0xcd: {  	(tm) =	ssettm $0x7FFFFFFF  }
tec
execute0_lowered:
.L_overlay_start_1:
0x0: {  	(tag) =	ssettag $0x1  }
0x1: {  	s0 =	rddreg [dreg:$0x0]  }
0x2: {  	s1 =	rddreg [dreg:$0x1]  }
0x3: {  	s3 =	rddreg [dreg:$0x2]  }
0x4: {  	s4 =	rddreg [dreg:$0x3]  }
0x5: {  	s5 =	rddreg [dreg:$0x4]  }
0x6: {  	s2 =	rddreg [dreg:$0x5];
	s11 =	stileid.u32;
	s12 =	simm.s32 $0x0  }
0x7: {  	s7 =	srdreg.scid;
	s19 =	simm.s32 $0x80;
	s6 =	smul.u32 $0xF428, s11  }
0x8: {  	[smem:$0x7FF] =	sst s12;
	s7 =	sand.u32 $0x1, s7;
	s10 =	sadd.s32 $0xE00, s3  }
0x9: {  	s13 =	sshll.u32 s11, $0x6;
	s21 =	smul.u32 $0xA00, s11;
	p4 =	sne.s32 s11, $0xF  }
0xa: {  	p1 =	seq.s32 s11, $0xF;
	_ =	strace $0x80000047;
	[dreg:$0x8] =	wrdreg s10  }
0xb: {  	s25 =	sadd.s32 $0x1F7CB, s3;
	s29 =	sadd.s32 $0x3E1CB, s3;
	[dreg:$0x9] =	wrdreg s13  }
0xc: {  	s9 =	ssub.s32 $0x2, s7;
	s13 =	sor.u32 $0x1C01, s13;
	[dreg:$0x10] =	wrdreg s25  }
0xd: {  	p2 =	seq.s32 s7, $0x0;
	p0 =	seq.s32 s7, $0x1;
	[dreg:$0x13] =	wrdreg s29  }
0xe: {  	s8 =	sshrl.u32 s6, $0x3;
	s20 =	sshrl.u32 s9, $0x1;
	s6 =	sadd.s32 s6, s2  }
0xf: {  	[dreg:$0xb] =	wrdreg s13;
	s0 =	sadd.s32 s0, s21;
	s22 =	sadd.s32 s1, s21  }
0x10: {  	s23 =	sadd.s32 s4, s21;
	s24 =	sadd.s32 s5, s21;
	[dreg:$0xc] =	wrdreg s0  }
0x11: {  	v0 =	vimm.s32 $0xECA86420;
	p3 =	por !p2, !p4;
	p5 =	por !p2, !p1;
	[dreg:$0xd] =	wrdreg s22  }
0x12: {  	vm0 =	vcmask $0xB08;
	vm1 =	vcmask $0x1310;
	vm2 =	vcmask $0x1B18;
	p4 =	por !p4, !p0;
	s21 =	simm.s32 $0x3;
	[dreg:$0xe] =	wrdreg s23  }
0x13: {  	vm3 =	vcmask $0x300;
	vm4 =	vcmask $0x2320;
	vm5 =	vcmask $0x2B28;
	s8 =	sadd.s32 s8, s3;
	s9 =	ssub.s32 s9, s20;
	[dreg:$0xf] =	wrdreg s24  }
.Ltmp0:
0x14: {  	vm6 =	vcmask $0x3330;
	vm7 =	vcmask $0x3B38;
	v2 =	vlaneseq.u32;
	s31 =	sshrl.u32 s6, $0x3;
	[dreg:$0xa] =	wrdreg s6;
	(pc) =	sbr.rel .LBB2_1-.Ltmp0, $4  }
0x15: {  	vm8 =	vmmov $0xff;
	vm9 =	vcmask $0x704;
	vm10 =	vcmask $0xF0C;
	p2 =	por !p3, !p3;
	s26 =	sadd.s32 $0x2E00, s8;
	[dreg:$0x15] =	wrdreg s31  }
0x16: {  	vm11 =	vcmask $0x1714;
	vm12 =	vcmask $0x1F1C;
	v1 =	vunpack.c.l.s4.s8 v0;
	p3 =	por !p5, !p5;
	s28 =	sadd.s32 $0x21800, s8;
	[dreg:$0x11] =	wrdreg s26  }
0x17: {  	vm13 =	vcmask $0x2724;
	vm14 =	vcmask $0x2F2C;
	vm15 =	vcmask $0x3734;
	p4 =	por !p4, !p4;
	s30 =	smax.u32 s9, $0x1;
	[dreg:$0x12] =	wrdreg s28  }
0x18: {  	v0 =	vimm.f32 $1.000000000e+00;
	v2 =	vmul.u32 $0x2, v2;
	v1 =	vunpack.c.0.s8.s32 v1;
	p5 =	sne.s32 s7, $0x0;
	s20 =	simm.s32 $0x5000;
	[dreg:$0x14] =	wrdreg s30  }
.LBB2_9:
0x19: {  	s0 =	rddreg [dreg:$0x10]  }
0x1a: {  	s1 =	rddreg [dreg:$0x15];
	s4 =	simm.s32 $0x1FC4;
	s31 =	simm.s32 $0x4  }
0x1b: {  	[hbm:s0], [sflag:s4] =	dma.local [spmem:s1], $0x1E7D  }
0x1c: {  	_ =	swait.ge [sflag:s31], $0x1E7D  }
0x1d: {  	[sflag:s31] =	ssyncset.done $0x0  }
0x1e: {  	p6 =	por $0x1, $0x1;
	[sflag:s31] =	ssyncadd.s32 $0xFFFFE183  }
.LBB2_10:
0x1f: {  	p6 =	por !p6, !p0  }
0x20: {  	p6 =	por !p6, !p6  }
0x21: {  	s0 =	sshll.u32 @p6 s3, $0x6  }
0x22: {  	s4 =	rddreg [dreg:$0x13];
	s1 =	sshrl.u32 @p6 s6, $0x3;
	s0 =	sor.u32 @p6 $0x1C04, s0  }
0x23: {  	[hbm:s4], [sflag:s0] =	dma.local @p6 [spmem:s1], $0x1E7D  }
0x24: {  	s0 =	simm.s32 @p6 $0x4  }
0x25: {  	_ =	swait.ge @p6 [sflag:s0], $0x1E7D  }
0x26: {  	[sflag:s0] =	ssyncset.done @p6 $0x0  }
0x27: {  	s30 =	simm.s32 $0x2;
	[sflag:s0] =	ssyncadd.s32 @p6 $0xFFFFE183  }
0x28: {  	_ =	swait.ge [sflag:s30], $0x5000  }
0x29: {  	s12 =	sadd.s32 $0x1, s12;
	s31 =	rddreg [dreg:$0x14]  }
0x2a: {  	p6 =	sne.s32 s12, s31  }
.Ltmp1:
0x2b: {  	_ = 	snop;
	(pc) =	sbr.rel @!p6 .LBB2_11-.Ltmp1, $3  }
0x2c: {  	_ =	sdelay $0x1  }
0x2d: {  	[sflag:s30] =	ssyncset.done $0x0  }
0x2e: {  	[sflag:s30] =	ssyncadd.s32 $0xFFFFB000  }
.LBB2_1:
0x2f: {  	[tilespmem:$0x5000] =	vst v0  }
0x30: {  	[tilespmem:$0x5010] =	vst v0  }
0x31: {  	[tilespmem:$0x5020] =	vst v0  }
0x32: {  	[tilespmem:$0x5030] =	vst v0  }
0x33: {  	[dreg:$0x7] =	wrdreg s12;
	[tilespmem:$0x5040] =	vst v0  }
0x34: {  	[tilespmem:$0x5050] =	vst v0;
	s0 =	rddreg [dreg:$0x8]  }
0x35: {  	[tilespmem:$0x5060] =	vst v0;
	s1 =	rddreg [dreg:$0xb]  }
0x36: {  	[tilespmem:$0x5070] =	vst v0;
	s3 =	rddreg [dreg:$0x15]  }
0x37: {  	[spmem:s3], [sflag:s1] =	dma.local [hbm:s0], $0x1E85  }
0x38: {  	s0 =	simm.s32 @!p5 $0x0;
	s1 =	rddreg [dreg:$0xc]  }
0x39: {  	[tilespmem:s0], [sflag:$0x4] =	stream.linear.gather @!p5 [hbm4b:s1+s0], $0x5000, $0x38;
	[tilespmem:$0x144A8] =	vst v63  }
0x3a: {  	s0 =	simm.s32 @!p5 $0x4  }
0x3b: {  	_ =	swait.ge @!p5 [sflag:s0], $0x5000  }
0x3c: {  	[sflag:s0] =	ssyncset.done @!p5 $0x0  }
0x3d: {  	s1 =	rddreg [dreg:$0xd];
	[sflag:s0] =	ssyncadd.s32 @!p5 $0xFFFFB000;
	s0 =	simm.s32 @p0 $0x0  }
0x3e: {  	[tilespmem:s0], [sflag:$0x4] =	stream.linear.gather @p0 [hbm4b:s1+s0], $0x5000, $0x38;
	[tilespmem:$0x144A8] =	vst v63  }
0x3f: {  	s0 =	simm.s32 @p0 $0x4  }
0x40: {  	_ =	swait.ge @p0 [sflag:s0], $0x5000  }
0x41: {  	[sflag:s0] =	ssyncset.done @p0 $0x0  }
0x42: {  	[sflag:s0] =	ssyncadd.s32 @p0 $0xFFFFB000;
	s0 =	simm.s32 $0x0  }
.LBB2_2:
0x43: {  	s13 =	sshra.s32 s0, $0x2  }
0x44: {  	v4 =	vld [tilespmem:s13+$0x0];
	_ =	sdelay $0x4  }
0x45: {  	(v2sf) =	vpush v4, $0xD;
	_ =	sdelay $0x1  }
0x46: {  	(v2sf) =	vpush v4, $0xC;
	_ =	sdelay $0x1  }
0x47: {  	(v2sf) =	vpush v4, $0xE;
	_ =	sdelay $0x1  }
0x48: {  	(v2sf) =	vpush v4, $0xF;
	_ =	sdelay $0x1  }
0x49: {  	(v2sf) =	vpush v4, $0x9  }
0x4a: {  	(v2sf) =	vpush v4, $0x8  }
0x4b: {  	(v2sf) =	vpush v4, $0xA;
	_ =	sdelay $0x2  }
0x4c: {  	(v2sf) =	vpush v4, $0xB;
	_ =	sdelay $0x1  }
0x4d: {  	s4 =	spop (v2sf)  }
0x4e: {  	[dreg:$0x16] =	wrdreg s0;
	(v2sf) =	vpush v4, $0x0;
	s3 =	smulhi.u32 $0x431BDE83, s4;
	s0 =	sshra.s32 s4, $0x1F  }
0x4f: {  	s5 =	spop (v2sf);
	s16 =	smul.u32 $0x431BDE83, s0  }
0x50: {  	(v2sf) =	vpush v4, $0x1;
	s15 =	smulhi.u32 $0x431BDE83, s5;
	s0 =	sshra.s32 s5, $0x1F  }
0x51: {  	s6 =	spop (v2sf);
	s18 =	smul.u32 $0x431BDE83, s0  }
0x52: {  	(v2sf) =	vpush v4, $0x2;
	s17 =	smulhi.u32 $0x431BDE83, s6;
	s0 =	sshra.s32 s6, $0x1F  }
0x53: {  	s7 =	spop (v2sf);
	(v2sf) =	vpush v4, $0x3;
	s23 =	smul.u32 $0x431BDE83, s0  }
0x54: {  	s22 =	smulhi.u32 $0x431BDE83, s7;
	s0 =	sshra.s32 s7, $0x1F  }
0x55: {  	s8 =	spop (v2sf);
	(v2sf) =	vpush v4, $0x4;
	s25 =	smul.u32 $0x431BDE83, s0  }
0x56: {  	s24 =	smulhi.u32 $0x431BDE83, s8;
	s0 =	sshra.s32 s8, $0x1F;
	s9 =	spop (v2sf)  }
0x57: {  	(v2sf) =	vpush v4, $0x5;
	s28 =	smul.u32 $0x431BDE83, s0;
	s0 =	sshra.s32 s9, $0x1F;
	s10 =	spop (v2sf)  }
0x58: {  	v3 =	vld [tilespmem:s13+$0x10];
	s30 =	smul.u32 $0x431BDE83, s0;
	s0 =	sshra.s32 s10, $0x1F  }
0x59: {  	(v2sf) =	vpush v4, $0x6;
	s0 =	smul.u32 $0x431BDE83, s0  }
0x5a: {  	s26 =	smulhi.u32 $0x431BDE83, s9;
	s11 =	spop (v2sf)  }
0x5b: {  	s29 =	smulhi.u32 $0x431BDE83, s10;
	(v2sf) =	vpush v4, $0x7;
	[smem:$0x716] =	sst s0;
	s0 =	sshra.s32 s11, $0x1F  }
0x5c: {  	s0 =	smul.u32 $0x431BDE83, s0  }
0x5d: {  	s31 =	smulhi.u32 $0x431BDE83, s11;
	s12 =	spop (v2sf);
	(v2sf) =	vpush v3, $0xD  }
0x5e: {  	[smem:$0x717] =	sst s0;
	s1 =	smulhi.u32 $0x431BDE83, s12;
	s0 =	sshra.s32 s12, $0x1F  }
0x5f: {  	s14 =	spop (v2sf);
	s7 =	smul.u32 $0x431BDE83, s0  }
0x60: {  	[smem:$0x715] =	sst s3;
	(v2sf) =	vpush v3, $0xC;
	s3 =	smulhi.u32 $0x431BDE83, s14;
	s0 =	sshra.s32 s14, $0x1F  }
0x61: {  	s4 =	spop (v2sf);
	s9 =	smul.u32 $0x431BDE83, s0  }
0x62: {  	s5 =	smulhi.u32 $0x431BDE83, s4;
	s0 =	sshra.s32 s4, $0x1F;
	s6 =	spop (v2sf)  }
0x63: {  	(v2sf) =	vpush v3, $0xE;
	[smem:$0x719] =	sst s3;
	s4 =	smul.u32 $0x431BDE83, s0  }
0x64: {  	s8 =	smulhi.u32 $0x431BDE83, s6;
	s0 =	sshra.s32 s6, $0x1F;
	s10 =	spop (v2sf)  }
0x65: {  	[smem:$0x71A] =	sst s5;
	s6 =	smul.u32 $0x431BDE83, s0  }
0x66: {  	(v2sf) =	vpush v3, $0xF;
	s11 =	smulhi.u32 $0x431BDE83, s10;
	s0 =	sshra.s32 s10, $0x1F;
	s12 =	spop (v2sf)  }
0x67: {  	[smem:$0x71B] =	sst s8;
	s10 =	smul.u32 $0x431BDE83, s0  }
0x68: {  	s14 =	smulhi.u32 $0x431BDE83, s12;
	s0 =	sshra.s32 s12, $0x1F;
	s3 =	spop (v2sf)  }
0x69: {  	(v2sf) =	vpush v3, $0x9;
	[smem:$0x71C] =	sst s11;
	s5 =	smul.u32 $0x431BDE83, s0  }
0x6a: {  	s8 =	smulhi.u32 $0x431BDE83, s3;
	s0 =	sshra.s32 s3, $0x1F;
	s11 =	spop (v2sf)  }
0x6b: {  	[smem:$0x71D] =	sst s14;
	s3 =	smul.u32 $0x431BDE83, s0  }
0x6c: {  	(v2sf) =	vpush v3, $0x8;
	s12 =	smulhi.u32 $0x431BDE83, s11;
	s0 =	sshra.s32 s11, $0x1F;
	s14 =	spop (v2sf)  }
0x6d: {  	[smem:$0x71E] =	sst s8;
	s8 =	smul.u32 $0x431BDE83, s0;
	s0 =	sshra.s32 s14, $0x1F  }
0x6e: {  	(v2sf) =	vpush v3, $0xA;
	[smem:$0x71F] =	sst s12;
	s0 =	smul.u32 $0x431BDE83, s0  }
0x6f: {  	s11 =	smulhi.u32 $0x431BDE83, s14;
	s12 =	spop (v2sf)  }
0x70: {  	(v2sf) =	vpush v3, $0xB;
	s14 =	smulhi.u32 $0x431BDE83, s12;
	[smem:$0x721] =	sst s0;
	s0 =	sshra.s32 s12, $0x1F  }
0x71: {  	s0 =	smul.u32 $0x431BDE83, s0  }
0x72: {  	(v2sf) =	vpush v3, $0x0;
	[smem:$0x720] =	sst s11;
	s11 =	spop (v2sf)  }
0x73: {  	[smem:$0x723] =	sst s0;
	s0 =	sshra.s32 s11, $0x1F  }
0x74: {  	[smem:$0x722] =	sst s14;
	s0 =	smul.u32 $0x431BDE83, s0  }
0x75: {  	(v2sf) =	vpush v3, $0x1;
	s12 =	smulhi.u32 $0x431BDE83, s11;
	s14 =	spop (v2sf)  }
0x76: {  	[smem:$0x725] =	sst s0;
	s0 =	sshra.s32 s14, $0x1F  }
0x77: {  	(v2sf) =	vpush v3, $0x2;
	[smem:$0x724] =	sst s12;
	s0 =	smul.u32 $0x431BDE83, s0  }
0x78: {  	s12 =	spop (v2sf);
	s11 =	smulhi.u32 $0x431BDE83, s14  }
0x79: {  	s14 =	smulhi.u32 $0x431BDE83, s12;
	[smem:$0x727] =	sst s0;
	s0 =	sshra.s32 s12, $0x1F  }
0x7a: {  	(v2sf) =	vpush v3, $0x3;
	[smem:$0x726] =	sst s11;
	s0 =	smul.u32 $0x431BDE83, s0  }
0x7b: {  	s11 =	spop (v2sf);
	[smem:$0x728] =	sst s14  }
0x7c: {  	s12 =	smulhi.u32 $0x431BDE83, s11;
	[smem:$0x729] =	sst s0;
	s0 =	sshra.s32 s11, $0x1F  }
0x7d: {  	s14 =	spop (v2sf);
	s0 =	smul.u32 $0x431BDE83, s0  }
0x7e: {  	(v2sf) =	vpush v3, $0x4;
	[smem:$0x72A] =	sst s12;
	s11 =	smulhi.u32 $0x431BDE83, s14  }
0x7f: {  	s12 =	spop (v2sf);
	[smem:$0x72B] =	sst s0;
	s0 =	sshra.s32 s14, $0x1F  }
0x80: {  	[smem:$0x72C] =	sst s11;
	s0 =	smul.u32 $0x431BDE83, s0  }
0x81: {  	s11 =	spop (v2sf);
	s14 =	smulhi.u32 $0x431BDE83, s12  }
0x82: {  	(v2sf) =	vpush v3, $0x5;
	[smem:$0x72D] =	sst s0;
	s0 =	sshra.s32 s12, $0x1F;
	s12 =	smulhi.u32 $0x431BDE83, s11  }
0x83: {  	[smem:$0x72E] =	sst s14;
	s0 =	smul.u32 $0x431BDE83, s0  }
0x84: {  	s14 =	spop (v2sf);
	[smem:$0x730] =	sst s12  }
0x85: {  	s12 =	smulhi.u32 $0x431BDE83, s14;
	[smem:$0x72F] =	sst s0;
	s0 =	sshra.s32 s11, $0x1F  }
0x86: {  	(v2sf) =	vpush v3, $0x6;
	s11 =	smul.u32 $0x431BDE83, s0;
	s0 =	sshra.s32 s14, $0x1F;
	s14 =	spop (v2sf)  }
0x87: {  	[smem:$0x731] =	sst s12;
	s12 =	smulhi.u32 $0x431BDE83, s14  }
0x88: {  	[smem:$0x718] =	sst s1;
	s1 =	smul.u32 $0x431BDE83, s0  }
0x89: {  	v5 =	vld [tilespmem:s13+$0x20];
	[smem:$0x732] =	sst s12;
	s12 =	spop (v2sf)  }
0x8a: {  	(v2sf) =	vpush v3, $0x7;
	s0 =	sshra.s32 s14, $0x1F;
	s14 =	smulhi.u32 $0x431BDE83, s12;
	s12 =	sshra.s32 s12, $0x1F  }
0x8b: {  	s12 =	smul.u32 $0x431BDE83, s12;
	_ =	sdelay $0x1  }
0x8c: {  	[smem:$0x734] =	sst s12;
	s12 =	spop (v2sf)  }
0x8d: {  	(v2sf) =	vpush v5, $0xD;
	[smem:$0x733] =	sst s14;
	s14 =	smulhi.u32 $0x431BDE83, s12;
	s12 =	sshra.s32 s12, $0x1F  }
0x8e: {  	s12 =	smul.u32 $0x431BDE83, s12;
	_ =	sdelay $0x1  }
0x8f: {  	[smem:$0x736] =	sst s12;
	s12 =	spop (v2sf)  }
0x90: {  	(v2sf) =	vpush v5, $0xC;
	[smem:$0x735] =	sst s14;
	s14 =	smulhi.u32 $0x431BDE83, s12;
	s12 =	sshra.s32 s12, $0x1F  }
0x91: {  	s12 =	smul.u32 $0x431BDE83, s12;
	_ =	sdelay $0x1  }
0x92: {  	[smem:$0x738] =	sst s12;
	s12 =	spop (v2sf)  }
0x93: {  	(v2sf) =	vpush v5, $0xE;
	[smem:$0x737] =	sst s14;
	s14 =	smulhi.u32 $0x431BDE83, s12;
	s12 =	sshra.s32 s12, $0x1F  }
0x94: {  	s12 =	smul.u32 $0x431BDE83, s12;
	_ =	sdelay $0x1  }
0x95: {  	[smem:$0x73A] =	sst s12;
	s12 =	spop (v2sf)  }
0x96: {  	(v2sf) =	vpush v5, $0xF;
	[smem:$0x739] =	sst s14;
	s14 =	smulhi.u32 $0x431BDE83, s12;
	s12 =	sshra.s32 s12, $0x1F  }
0x97: {  	s12 =	smul.u32 $0x431BDE83, s12;
	_ =	sdelay $0x1  }
0x98: {  	[smem:$0x73C] =	sst s12;
	s12 =	spop (v2sf)  }
0x99: {  	(v2sf) =	vpush v5, $0x9;
	[smem:$0x73B] =	sst s14;
	s14 =	smulhi.u32 $0x431BDE83, s12;
	s12 =	sshra.s32 s12, $0x1F  }
0x9a: {  	s12 =	smul.u32 $0x431BDE83, s12;
	_ =	sdelay $0x1  }
0x9b: {  	[smem:$0x73E] =	sst s12;
	s12 =	spop (v2sf)  }
0x9c: {  	(v2sf) =	vpush v5, $0x8;
	[smem:$0x73D] =	sst s14;
	s14 =	smulhi.u32 $0x431BDE83, s12;
	s12 =	sshra.s32 s12, $0x1F  }
0x9d: {  	s12 =	smul.u32 $0x431BDE83, s12;
	_ =	sdelay $0x1  }
0x9e: {  	[smem:$0x740] =	sst s12;
	s12 =	spop (v2sf)  }
0x9f: {  	(v2sf) =	vpush v5, $0xA;
	[smem:$0x73F] =	sst s14;
	s14 =	smulhi.u32 $0x431BDE83, s12;
	s12 =	sshra.s32 s12, $0x1F  }
0xa0: {  	s12 =	smul.u32 $0x431BDE83, s12;
	_ =	sdelay $0x1  }
0xa1: {  	[smem:$0x742] =	sst s12;
	s12 =	spop (v2sf)  }
0xa2: {  	(v2sf) =	vpush v5, $0xB;
	[smem:$0x741] =	sst s14;
	s14 =	smulhi.u32 $0x431BDE83, s12;
	s12 =	sshra.s32 s12, $0x1F  }
0xa3: {  	s12 =	smul.u32 $0x431BDE83, s12;
	_ =	sdelay $0x1  }
0xa4: {  	[smem:$0x744] =	sst s12;
	s12 =	spop (v2sf)  }
0xa5: {  	(v2sf) =	vpush v5, $0x0;
	[smem:$0x743] =	sst s14;
	s14 =	smulhi.u32 $0x431BDE83, s12;
	s12 =	sshra.s32 s12, $0x1F  }
0xa6: {  	s12 =	smul.u32 $0x431BDE83, s12;
	_ =	sdelay $0x1  }
0xa7: {  	[smem:$0x746] =	sst s12;
	s12 =	spop (v2sf)  }
0xa8: {  	(v2sf) =	vpush v5, $0x1;
	[smem:$0x745] =	sst s14;
	s14 =	smulhi.u32 $0x431BDE83, s12;
	s12 =	sshra.s32 s12, $0x1F  }
0xa9: {  	s12 =	smul.u32 $0x431BDE83, s12;
	_ =	sdelay $0x1  }
0xaa: {  	[smem:$0x748] =	sst s12;
	s12 =	spop (v2sf)  }
0xab: {  	(v2sf) =	vpush v5, $0x2;
	[smem:$0x747] =	sst s14;
	s14 =	smulhi.u32 $0x431BDE83, s12;
	s12 =	sshra.s32 s12, $0x1F  }
0xac: {  	s12 =	smul.u32 $0x431BDE83, s12;
	_ =	sdelay $0x1  }
0xad: {  	[smem:$0x74A] =	sst s12;
	s12 =	spop (v2sf)  }
0xae: {  	(v2sf) =	vpush v5, $0x3;
	[smem:$0x749] =	sst s14;
	s14 =	smulhi.u32 $0x431BDE83, s12;
	s12 =	sshra.s32 s12, $0x1F  }
0xaf: {  	s12 =	smul.u32 $0x431BDE83, s12;
	_ =	sdelay $0x1  }
0xb0: {  	[smem:$0x74C] =	sst s12;
	s12 =	spop (v2sf)  }
0xb1: {  	(v2sf) =	vpush v5, $0x4;
	[smem:$0x74B] =	sst s14;
	s14 =	smulhi.u32 $0x431BDE83, s12;
	s12 =	sshra.s32 s12, $0x1F  }
0xb2: {  	s12 =	smul.u32 $0x431BDE83, s12;
	_ =	sdelay $0x1  }
0xb3: {  	[smem:$0x74E] =	sst s12;
	s12 =	spop (v2sf)  }
0xb4: {  	(v2sf) =	vpush v5, $0x5;
	[smem:$0x74D] =	sst s14;
	s14 =	smulhi.u32 $0x431BDE83, s12;
	s12 =	sshra.s32 s12, $0x1F  }
0xb5: {  	s12 =	smul.u32 $0x431BDE83, s12;
	_ =	sdelay $0x1  }
0xb6: {  	[smem:$0x750] =	sst s12;
	s12 =	spop (v2sf)  }
0xb7: {  	(v2sf) =	vpush v5, $0x6;
	[smem:$0x74F] =	sst s14;
	s14 =	smulhi.u32 $0x431BDE83, s12;
	s12 =	sshra.s32 s12, $0x1F  }
0xb8: {  	s12 =	smul.u32 $0x431BDE83, s12;
	_ =	sdelay $0x1  }
0xb9: {  	v7 =	vld [tilespmem:s13+$0x30];
	[smem:$0x752] =	sst s12;
	s12 =	spop (v2sf)  }
0xba: {  	(v2sf) =	vpush v5, $0x7;
	[smem:$0x751] =	sst s14;
	s14 =	smulhi.u32 $0x431BDE83, s12;
	s12 =	sshra.s32 s12, $0x1F  }
0xbb: {  	s12 =	smul.u32 $0x431BDE83, s12;
	_ =	sdelay $0x1  }
0xbc: {  	[smem:$0x754] =	sst s12;
	s12 =	spop (v2sf)  }
0xbd: {  	(v2sf) =	vpush v7, $0xD;
	[smem:$0x753] =	sst s14;
	s14 =	smulhi.u32 $0x431BDE83, s12;
	s12 =	sshra.s32 s12, $0x1F  }
0xbe: {  	s12 =	smul.u32 $0x431BDE83, s12;
	_ =	sdelay $0x1  }
0xbf: {  	[smem:$0x756] =	sst s12;
	s12 =	spop (v2sf)  }
0xc0: {  	(v2sf) =	vpush v7, $0xC;
	[smem:$0x755] =	sst s14;
	s14 =	smulhi.u32 $0x431BDE83, s12;
	s12 =	sshra.s32 s12, $0x1F  }
0xc1: {  	s12 =	smul.u32 $0x431BDE83, s12;
	_ =	sdelay $0x1  }
0xc2: {  	[smem:$0x758] =	sst s12;
	s12 =	spop (v2sf)  }
0xc3: {  	(v2sf) =	vpush v7, $0xE;
	[smem:$0x757] =	sst s14;
	s14 =	smulhi.u32 $0x431BDE83, s12;
	s12 =	sshra.s32 s12, $0x1F  }
0xc4: {  	s12 =	smul.u32 $0x431BDE83, s12;
	_ =	sdelay $0x1  }
0xc5: {  	[smem:$0x75A] =	sst s12;
	s12 =	spop (v2sf)  }
0xc6: {  	(v2sf) =	vpush v7, $0xF;
	[smem:$0x759] =	sst s14;
	s14 =	smulhi.u32 $0x431BDE83, s12;
	s12 =	sshra.s32 s12, $0x1F  }
0xc7: {  	s12 =	smul.u32 $0x431BDE83, s12;
	_ =	sdelay $0x1  }
0xc8: {  	[smem:$0x75C] =	sst s12;
	s12 =	spop (v2sf)  }
0xc9: {  	(v2sf) =	vpush v7, $0x9;
	[smem:$0x75B] =	sst s14;
	s14 =	smulhi.u32 $0x431BDE83, s12;
	s12 =	sshra.s32 s12, $0x1F  }
0xca: {  	s12 =	smul.u32 $0x431BDE83, s12;
	_ =	sdelay $0x1  }
0xcb: {  	[smem:$0x75E] =	sst s12;
	s12 =	spop (v2sf)  }
0xcc: {  	(v2sf) =	vpush v7, $0x8;
	[smem:$0x75D] =	sst s14;
	s14 =	smulhi.u32 $0x431BDE83, s12;
	s12 =	sshra.s32 s12, $0x1F  }
0xcd: {  	s12 =	smul.u32 $0x431BDE83, s12;
	_ =	sdelay $0x1  }
0xce: {  	[smem:$0x760] =	sst s12;
	s12 =	spop (v2sf)  }
0xcf: {  	(v2sf) =	vpush v7, $0xA;
	[smem:$0x75F] =	sst s14;
	s14 =	smulhi.u32 $0x431BDE83, s12;
	s12 =	sshra.s32 s12, $0x1F  }
0xd0: {  	s12 =	smul.u32 $0x431BDE83, s12;
	_ =	sdelay $0x1  }
0xd1: {  	[smem:$0x762] =	sst s12;
	s12 =	spop (v2sf)  }
0xd2: {  	(v2sf) =	vpush v7, $0xB;
	[smem:$0x761] =	sst s14;
	s14 =	smulhi.u32 $0x431BDE83, s12;
	s12 =	sshra.s32 s12, $0x1F  }
0xd3: {  	s12 =	smul.u32 $0x431BDE83, s12;
	_ =	sdelay $0x1  }
0xd4: {  	[smem:$0x764] =	sst s12;
	s12 =	spop (v2sf)  }
0xd5: {  	(v2sf) =	vpush v7, $0x0;
	[smem:$0x763] =	sst s14;
	s14 =	smulhi.u32 $0x431BDE83, s12;
	s12 =	sshra.s32 s12, $0x1F  }
0xd6: {  	s12 =	smul.u32 $0x431BDE83, s12;
	_ =	sdelay $0x1  }
0xd7: {  	[smem:$0x766] =	sst s12;
	s12 =	spop (v2sf)  }
0xd8: {  	[smem:$0x765] =	sst s14;
	s14 =	smulhi.u32 $0x431BDE83, s12;
	s12 =	sshra.s32 s12, $0x1F  }
0xd9: {  	s12 =	smul.u32 $0x431BDE83, s12;
	_ =	sdelay $0x1  }
0xda: {  	(v2sf) =	vpush v7, $0x1;
	[smem:$0x768] =	sst s12;
	s12 =	spop (v2sf)  }
0xdb: {  	[smem:$0x767] =	sst s14;
	s14 =	smulhi.u32 $0x431BDE83, s12;
	s12 =	sshra.s32 s12, $0x1F  }
0xdc: {  	s15 =	sadd.s32 s18, s15;
	s12 =	smul.u32 $0x431BDE83, s12  }
0xdd: {  	[smem:$0x79C] =	sst s15;
	(v2sf) =	vpush v7, $0x2  }
0xde: {  	s18 =	sadd.s32 s23, s17;
	[smem:$0x76A] =	sst s12;
	s12 =	spop (v2sf)  }
0xdf: {  	(v2sf) =	vpush v7, $0x3;
	[smem:$0x769] =	sst s14;
	s14 =	smulhi.u32 $0x431BDE83, s12;
	s12 =	sshra.s32 s12, $0x1F  }
0xe0: {  	[smem:$0x79E] =	sst s18;
	s23 =	sadd.s32 s25, s22;
	s12 =	smul.u32 $0x431BDE83, s12  }
0xe1: {  	[smem:$0x79F] =	sst s23;
	(v2sf) =	vpush v7, $0x4  }
0xe2: {  	[smem:$0x76C] =	sst s12;
	s12 =	spop (v2sf)  }
0xe3: {  	s25 =	sadd.s32 s28, s24;
	[smem:$0x76B] =	sst s14;
	s14 =	smulhi.u32 $0x431BDE83, s12  }
0xe4: {  	[smem:$0x7A3] =	sst s25  }
0xe5: {  	(v2sf) =	vpush v7, $0x5;
	[smem:$0x76D] =	sst s14  }
0xe6: {  	s24 =	sadd.s32 s30, s26;
	s14 =	sld [smem:$0x715]  }
0xe7: {  	[smem:$0x7A1] =	sst s24  }
0xe8: {  	s25 =	sld [smem:$0x716];
	s12 =	sshra.s32 s12, $0x1F  }
0xe9: {  	(v2sf) =	vpush v7, $0x6;
	s14 =	sadd.s32 s16, s14;
	s16 =	smul.u32 $0x431BDE83, s12;
	s12 =	spop (v2sf)  }
0xea: {  	[smem:$0x79B] =	sst s14;
	s15 =	smulhi.u32 $0x431BDE83, s12  }
0xeb: {  	v6 =	vld [tilespmem:s13+$0x40];
	s12 =	sshra.s32 s12, $0x1F;
	s14 =	sadd.s32 s25, s29;
	s29 =	sld [smem:$0x718]  }
0xec: {  	(v2sf) =	vpush v7, $0x7;
	s18 =	smul.u32 $0x431BDE83, s12;
	s12 =	spop (v2sf)  }
0xed: {  	[smem:$0x7A5] =	sst s14;
	s17 =	smulhi.u32 $0x431BDE83, s12;
	s12 =	sshra.s32 s12, $0x1F  }
0xee: {  	s28 =	spop (v2sf);
	s23 =	smul.u32 $0x431BDE83, s12  }
0xef: {  	s22 =	smulhi.u32 $0x431BDE83, s28;
	s12 =	sshra.s32 s28, $0x1F;
	s28 =	sld [smem:$0x717]  }
0xf0: {  	(v2sf) =	vpush v6, $0xD;
	s26 =	spop (v2sf);
	s7 =	sadd.s32 s7, s29;
	s29 =	sld [smem:$0x71B]  }
0xf1: {  	s25 =	smul.u32 $0x431BDE83, s12;
	[smem:$0x79A] =	sst s7  }
0xf2: {  	s24 =	smulhi.u32 $0x431BDE83, s26;
	s12 =	sshra.s32 s26, $0x1F;
	s26 =	sld [smem:$0x71A]  }
0xf3: {  	s14 =	sadd.s32 s28, s31;
	s31 =	sld [smem:$0x719]  }
0xf4: {  	s30 =	spop (v2sf);
	s6 =	sadd.s32 s6, s29;
	[smem:$0x7A7] =	sst s14  }
0xf5: {  	s14 =	smul.u32 $0x431BDE83, s12;
	[smem:$0x7A2] =	sst s6  }
0xf6: {  	s7 =	sshra.s32 s30, $0x1F;
	s12 =	smulhi.u32 $0x431BDE83, s30;
	s30 =	sld [smem:$0x71C]  }
0xf7: {  	s4 =	sadd.s32 s4, s26;
	s26 =	sld [smem:$0x71D]  }
0xf8: {  	(v2sf) =	vpush v6, $0xC;
	s28 =	spop (v2sf);
	[smem:$0x7A0] =	sst s4;
	s9 =	sadd.s32 s9, s31  }
0xf9: {  	(v2sf) =	vpush v6, $0xE;
	[smem:$0x79D] =	sst s9;
	s9 =	smul.u32 $0x431BDE83, s7  }
0xfa: {  	(v2sf) =	vpush v6, $0xF;
	s4 =	sshra.s32 s28, $0x1F;
	s7 =	smulhi.u32 $0x431BDE83, s28;
	s28 =	sld [smem:$0x71E]  }
0xfb: {  	(v2sf) =	vpush v6, $0x9;
	s31 =	spop (v2sf);
	s6 =	sadd.s32 s10, s30;
	s30 =	sld [smem:$0x71F]  }
0xfc: {  	(v2sf) =	vpush v6, $0x8;
	s10 =	smul.u32 $0x431BDE83, s4;
	s5 =	sadd.s32 s5, s26;
	[smem:$0x7A4] =	sst s6  }
0xfd: {  	(v2sf) =	vpush v6, $0xA;
	s4 =	sshra.s32 s31, $0x1F;
	[smem:$0x7A6] =	sst s5;
	s3 =	sadd.s32 s3, s28  }
0xfe: {  	(v2sf) =	vpush v6, $0xB;
	s28 =	smul.u32 $0x431BDE83, s4;
	s4 =	sadd.s32 s8, s30;
	[smem:$0x7A8] =	sst s3  }
0xff: {  	s29 =	spop (v2sf);
	(v2sf) =	vpush v6, $0x0;
	[smem:$0x799] =	sst s4  }
0x100: {  	s4 =	sld [smem:$0x720]  }
0x101: {  	s15 =	sadd.s32 s18, s15;
	[dreg:$0x17] =	wrdreg s13  }
0x102: {  	s18 =	sadd.s32 s23, s17;
	[smem:$0x7D0] =	sst s15  }
0x103: {  	[smem:$0x7D1] =	sst s18  }
0x104: {  	s6 =	smulhi.u32 $0x431BDE83, s31;
	s31 =	sld [smem:$0x721]  }
0x105: {  	s8 =	smulhi.u32 $0x431BDE83, s29;
	s3 =	sshra.s32 s29, $0x1F;
	s29 =	sld [smem:$0x722]  }
0x106: {  	s3 =	smul.u32 $0x431BDE83, s3;
	s30 =	sld [smem:$0x723]  }
0x107: {  	s26 =	spop (v2sf);
	s5 =	sld [smem:$0x724]  }
0x108: {  	[smem:$0x76E] =	sst s3;
	s3 =	sshra.s32 s26, $0x1F  }
0x109: {  	s3 =	smul.u32 $0x431BDE83, s3;
	s15 =	sld [smem:$0x76E]  }
0x10a: {  	s4 =	sadd.s32 s31, s4;
	s31 =	smulhi.u32 $0x431BDE83, s26;
	s26 =	sld [smem:$0x725]  }
0x10b: {  	[smem:$0x7A9] =	sst s4  }
0x10c: {  	[smem:$0x770] =	sst s3  }
0x10d: {  	s4 =	sadd.s32 s30, s29;
	s30 =	sld [smem:$0x726]  }
0x10e: {  	[smem:$0x7AB] =	sst s4  }
0x10f: {  	[smem:$0x76F] =	sst s31  }
0x110: {  	s29 =	spop (v2sf);
	s31 =	sld [smem:$0x727]  }
0x111: {  	s3 =	sshra.s32 s29, $0x1F;
	s18 =	sld [smem:$0x770]  }
0x112: {  	s4 =	sadd.s32 s26, s5;
	s26 =	smulhi.u32 $0x431BDE83, s29;
	s29 =	sld [smem:$0x728]  }
0x113: {  	s5 =	sld [smem:$0x72A]  }
0x114: {  	s17 =	sld [smem:$0x76F]  }
0x115: {  	[smem:$0x7AD] =	sst s4  }
0x116: {  	s3 =	smul.u32 $0x431BDE83, s3;
	[smem:$0x771] =	sst s26  }
0x117: {  	s4 =	sadd.s32 s31, s30;
	s30 =	sld [smem:$0x729]  }
0x118: {  	[smem:$0x772] =	sst s3  }
0x119: {  	s31 =	spop (v2sf);
	s26 =	sld [smem:$0x72B]  }
0x11a: {  	[smem:$0x7AF] =	sst s4;
	s3 =	sshra.s32 s31, $0x1F  }
0x11b: {  	s3 =	smul.u32 $0x431BDE83, s3;
	s4 =	sadd.s32 s30, s29;
	s30 =	sld [smem:$0x72C]  }
0x11c: {  	s29 =	smulhi.u32 $0x431BDE83, s31;
	s31 =	sld [smem:$0x72D]  }
0x11d: {  	[smem:$0x7B2] =	sst s4  }
0x11e: {  	s4 =	sadd.s32 s26, s5;
	[smem:$0x774] =	sst s3  }
0x11f: {  	[smem:$0x7B0] =	sst s4  }
0x120: {  	[smem:$0x773] =	sst s29  }
0x121: {  	s29 =	sld [smem:$0x72E]  }
0x122: {  	s4 =	sadd.s32 s31, s30;
	s30 =	sld [smem:$0x72F]  }
0x123: {  	s26 =	spop (v2sf);
	s31 =	sld [smem:$0x730]  }
0x124: {  	s5 =	smulhi.u32 $0x431BDE83, s26;
	s3 =	sshra.s32 s26, $0x1F;
	[smem:$0x7B4] =	sst s4  }
0x125: {  	s26 =	spop (v2sf);
	s4 =	sadd.s32 s30, s29;
	s29 =	sld [smem:$0x731]  }
0x126: {  	s30 =	sshra.s32 s26, $0x1F;
	[smem:$0x7B6] =	sst s4  }
0x127: {  	s4 =	sadd.s32 s11, s31;
	s11 =	smul.u32 $0x431BDE83, s3;
	s31 =	sld [smem:$0x732]  }
0x128: {  	s3 =	smul.u32 $0x431BDE83, s30;
	s30 =	sld [smem:$0x734]  }
0x129: {  	[smem:$0x7AC] =	sst s4  }
0x12a: {  	[smem:$0x775] =	sst s3  }
0x12b: {  	s1 =	sadd.s32 s1, s29;
	s29 =	sld [smem:$0x733]  }
0x12c: {  	s0 =	smul.u32 $0x431BDE83, s0;
	s3 =	sld [smem:$0x735]  }
0x12d: {  	s4 =	smulhi.u32 $0x431BDE83, s26;
	s5 =	sadd.s32 s11, s5;
	[smem:$0x7AE] =	sst s1  }
0x12e: {  	s26 =	spop (v2sf);
	s0 =	sadd.s32 s0, s31;
	[smem:$0x7E3] =	sst s5  }
0x12f: {  	s31 =	smulhi.u32 $0x431BDE83, s26;
	[smem:$0x7B1] =	sst s0  }
0x130: {  	s0 =	sshra.s32 s26, $0x1F;
	s26 =	sld [smem:$0x736]  }
0x131: {  	[smem:$0x776] =	sst s31  }
0x132: {  	s1 =	sadd.s32 s30, s29;
	s30 =	sld [smem:$0x737]  }
0x133: {  	s0 =	smul.u32 $0x431BDE83, s0;
	s31 =	sld [smem:$0x738]  }
0x134: {  	[smem:$0x7B3] =	sst s1  }
0x135: {  	s29 =	spop (v2sf);
	s1 =	sadd.s32 s26, s3;
	[smem:$0x777] =	sst s0  }
0x136: {  	s26 =	smulhi.u32 $0x431BDE83, s29;
	s0 =	sshra.s32 s29, $0x1F;
	s29 =	sld [smem:$0x739]  }
0x137: {  	s3 =	sld [smem:$0x73B]  }
0x138: {  	(v2sf) =	vpush v6, $0x1;
	[smem:$0x7B5] =	sst s1  }
0x139: {  	s1 =	sadd.s32 s31, s30;
	s30 =	sld [smem:$0x73A]  }
0x13a: {  	[smem:$0x7B7] =	sst s1  }
0x13b: {  	s0 =	smul.u32 $0x431BDE83, s0;
	[smem:$0x778] =	sst s26  }
0x13c: {  	s26 =	sld [smem:$0x73C]  }
0x13d: {  	[smem:$0x779] =	sst s0  }
0x13e: {  	s11 =	sld [smem:$0x778]  }
0x13f: {  	(v2sf) =	vpush v6, $0x2;
	s31 =	spop (v2sf);
	s1 =	sadd.s32 s30, s29;
	s30 =	sld [smem:$0x73D]  }
0x140: {  	s0 =	sshra.s32 s31, $0x1F;
	s29 =	smulhi.u32 $0x431BDE83, s31;
	s31 =	sld [smem:$0x73E]  }
0x141: {  	[smem:$0x7B8] =	sst s1  }
0x142: {  	s1 =	sadd.s32 s26, s3;
	s3 =	sld [smem:$0x741]  }
0x143: {  	s0 =	smul.u32 $0x431BDE83, s0;
	[smem:$0x7AA] =	sst s1  }
0x144: {  	[smem:$0x77A] =	sst s29  }
0x145: {  	[smem:$0x77B] =	sst s0  }
0x146: {  	s29 =	sld [smem:$0x73F]  }
0x147: {  	(v2sf) =	vpush v6, $0x3;
	s26 =	spop (v2sf);
	s1 =	sadd.s32 s31, s30;
	s30 =	sld [smem:$0x740]  }
0x148: {  	s0 =	sshra.s32 s26, $0x1F;
	s31 =	smulhi.u32 $0x431BDE83, s26;
	s26 =	sld [smem:$0x742]  }
0x149: {  	s0 =	smul.u32 $0x431BDE83, s0;
	[smem:$0x7BA] =	sst s1  }
0x14a: {  	[smem:$0x77C] =	sst s31  }
0x14b: {  	[smem:$0x77D] =	sst s0  }
0x14c: {  	s31 =	sld [smem:$0x744]  }
0x14d: {  	s1 =	sadd.s32 s30, s29;
	s30 =	sld [smem:$0x743]  }
0x14e: {  	s29 =	spop (v2sf);
	[smem:$0x7BC] =	sst s1;
	s1 =	sadd.s32 s26, s3  }
0x14f: {  	s26 =	smulhi.u32 $0x431BDE83, s29;
	s0 =	sshra.s32 s29, $0x1F;
	s29 =	sld [smem:$0x745]  }
0x150: {  	s3 =	sld [smem:$0x747]  }
0x151: {  	(v2sf) =	vpush v6, $0x4;
	[smem:$0x7BD] =	sst s1  }
0x152: {  	[smem:$0x77E] =	sst s26  }
0x153: {  	s1 =	sadd.s32 s31, s30;
	s30 =	sld [smem:$0x746]  }
0x154: {  	s0 =	smul.u32 $0x431BDE83, s0;
	s26 =	sld [smem:$0x748]  }
0x155: {  	[smem:$0x7BF] =	sst s1  }
0x156: {  	s31 =	spop (v2sf);
	[smem:$0x77F] =	sst s0  }
0x157: {  	s0 =	sshra.s32 s31, $0x1F;
	s5 =	sld [smem:$0x77F]  }
0x158: {  	(v2sf) =	vpush v6, $0x5;
	s0 =	smul.u32 $0x431BDE83, s0;
	s1 =	sadd.s32 s30, s29;
	s30 =	sld [smem:$0x749]  }
0x159: {  	s29 =	smulhi.u32 $0x431BDE83, s31;
	s31 =	sld [smem:$0x74A]  }
0x15a: {  	[smem:$0x7C2] =	sst s1  }
0x15b: {  	[smem:$0x781] =	sst s0  }
0x15c: {  	s1 =	sadd.s32 s26, s3;
	s3 =	sld [smem:$0x74D]  }
0x15d: {  	[smem:$0x7C1] =	sst s1  }
0x15e: {  	[smem:$0x780] =	sst s29  }
0x15f: {  	(v2sf) =	vpush v6, $0x6;
	s29 =	sld [smem:$0x74B]  }
0x160: {  	s26 =	spop (v2sf);
	s1 =	sadd.s32 s31, s30;
	s30 =	sld [smem:$0x74C]  }
0x161: {  	s0 =	sshra.s32 s26, $0x1F;
	s31 =	smulhi.u32 $0x431BDE83, s26;
	s26 =	sld [smem:$0x74E]  }
0x162: {  	s0 =	smul.u32 $0x431BDE83, s0;
	[smem:$0x7C4] =	sst s1  }
0x163: {  	[smem:$0x782] =	sst s31  }
0x164: {  	[smem:$0x783] =	sst s0  }
0x165: {  	s31 =	sld [smem:$0x750]  }
0x166: {  	s1 =	sadd.s32 s30, s29;
	s30 =	sld [smem:$0x74F]  }
0x167: {  	s29 =	spop (v2sf);
	[smem:$0x7C6] =	sst s1;
	s1 =	sadd.s32 s26, s3  }
0x168: {  	s26 =	smulhi.u32 $0x431BDE83, s29;
	s0 =	sshra.s32 s29, $0x1F;
	s29 =	sld [smem:$0x751]  }
0x169: {  	(v2sf) =	vpush v6, $0x7;
	s3 =	sld [smem:$0x753]  }
0x16a: {  	[smem:$0x7BB] =	sst s1  }
0x16b: {  	v8 =	vld [tilespmem:s13+$0x50];
	[smem:$0x784] =	sst s26  }
0x16c: {  	s1 =	sadd.s32 s31, s30;
	s30 =	sld [smem:$0x752]  }
0x16d: {  	s0 =	smul.u32 $0x431BDE83, s0;
	s26 =	sld [smem:$0x754]  }
0x16e: {  	s31 =	spop (v2sf);
	[smem:$0x7BE] =	sst s1  }
0x16f: {  	[smem:$0x785] =	sst s0;
	s0 =	sshra.s32 s31, $0x1F  }
0x170: {  	(v2sf) =	vpush v8, $0xD;
	s0 =	smul.u32 $0x431BDE83, s0;
	s1 =	sadd.s32 s30, s29;
	s30 =	sld [smem:$0x755]  }
0x171: {  	s29 =	smulhi.u32 $0x431BDE83, s31;
	s31 =	sld [smem:$0x756]  }
0x172: {  	[smem:$0x7C0] =	sst s1  }
0x173: {  	[smem:$0x787] =	sst s0  }
0x174: {  	s1 =	sadd.s32 s26, s3;
	s3 =	sld [smem:$0x759]  }
0x175: {  	[smem:$0x7C3] =	sst s1  }
0x176: {  	[smem:$0x786] =	sst s29  }
0x177: {  	(v2sf) =	vpush v8, $0xC;
	s29 =	sld [smem:$0x757]  }
0x178: {  	s26 =	spop (v2sf);
	s1 =	sadd.s32 s31, s30;
	s30 =	sld [smem:$0x758]  }
0x179: {  	s0 =	sshra.s32 s26, $0x1F;
	s31 =	smulhi.u32 $0x431BDE83, s26;
	s26 =	sld [smem:$0x75A]  }
0x17a: {  	s0 =	smul.u32 $0x431BDE83, s0;
	[smem:$0x7C5] =	sst s1  }
0x17b: {  	[smem:$0x788] =	sst s31  }
0x17c: {  	[smem:$0x789] =	sst s0  }
0x17d: {  	s31 =	sld [smem:$0x75C]  }
0x17e: {  	s1 =	sadd.s32 s30, s29;
	s30 =	sld [smem:$0x75B]  }
0x17f: {  	s29 =	spop (v2sf);
	[smem:$0x7C7] =	sst s1;
	s1 =	sadd.s32 s26, s3  }
0x180: {  	s26 =	smulhi.u32 $0x431BDE83, s29;
	s0 =	sshra.s32 s29, $0x1F;
	s29 =	sld [smem:$0x75D]  }
0x181: {  	(v2sf) =	vpush v8, $0xE;
	s3 =	sld [smem:$0x75F]  }
0x182: {  	[smem:$0x7C8] =	sst s1  }
0x183: {  	[smem:$0x78A] =	sst s26  }
0x184: {  	s1 =	sadd.s32 s31, s30;
	s30 =	sld [smem:$0x75E]  }
0x185: {  	s0 =	smul.u32 $0x431BDE83, s0;
	s26 =	sld [smem:$0x760]  }
0x186: {  	s31 =	spop (v2sf);
	[smem:$0x7B9] =	sst s1  }
0x187: {  	[smem:$0x78B] =	sst s0;
	s0 =	sshra.s32 s31, $0x1F  }
0x188: {  	(v2sf) =	vpush v8, $0xF;
	s0 =	smul.u32 $0x431BDE83, s0;
	s1 =	sadd.s32 s30, s29;
	s30 =	sld [smem:$0x761]  }
0x189: {  	s29 =	smulhi.u32 $0x431BDE83, s31;
	s31 =	sld [smem:$0x762]  }
0x18a: {  	[smem:$0x7C9] =	sst s1  }
0x18b: {  	[smem:$0x78D] =	sst s0  }
0x18c: {  	s1 =	sadd.s32 s26, s3;
	s3 =	sld [smem:$0x765]  }
0x18d: {  	[smem:$0x7CA] =	sst s1  }
0x18e: {  	(v2sf) =	vpush v8, $0x9;
	[smem:$0x78C] =	sst s29  }
0x18f: {  	s29 =	sld [smem:$0x763]  }
0x190: {  	s26 =	spop (v2sf);
	s1 =	sadd.s32 s31, s30;
	s30 =	sld [smem:$0x764]  }
0x191: {  	s0 =	sshra.s32 s26, $0x1F;
	s31 =	smulhi.u32 $0x431BDE83, s26;
	s26 =	sld [smem:$0x766]  }
0x192: {  	s0 =	smul.u32 $0x431BDE83, s0;
	[smem:$0x7CB] =	sst s1  }
0x193: {  	[smem:$0x78E] =	sst s31  }
0x194: {  	[smem:$0x78F] =	sst s0  }
0x195: {  	s31 =	sld [smem:$0x768]  }
0x196: {  	(v2sf) =	vpush v8, $0x8;
	s1 =	sadd.s32 s30, s29;
	s30 =	sld [smem:$0x767]  }
0x197: {  	s29 =	spop (v2sf);
	[smem:$0x7CE] =	sst s1;
	s1 =	sadd.s32 s26, s3  }
0x198: {  	s26 =	smulhi.u32 $0x431BDE83, s29;
	s0 =	sshra.s32 s29, $0x1F;
	s29 =	sld [smem:$0x769]  }
0x199: {  	[smem:$0x7CF] =	sst s1  }
0x19a: {  	[smem:$0x790] =	sst s26  }
0x19b: {  	(v2sf) =	vpush v8, $0xA;
	s1 =	sadd.s32 s31, s30;
	s30 =	sld [smem:$0x76A]  }
0x19c: {  	s0 =	smul.u32 $0x431BDE83, s0;
	s26 =	sld [smem:$0x76B]  }
0x19d: {  	s31 =	spop (v2sf);
	[smem:$0x7D2] =	sst s1  }
0x19e: {  	[smem:$0x791] =	sst s0;
	s0 =	sshra.s32 s31, $0x1F  }
0x19f: {  	s0 =	smul.u32 $0x431BDE83, s0;
	s1 =	sadd.s32 s30, s29;
	s29 =	sld [smem:$0x76C]  }
0x1a0: {  	s30 =	smulhi.u32 $0x431BDE83, s31;
	s31 =	sld [smem:$0x76D]  }
0x1a1: {  	[smem:$0x7D5] =	sst s1  }
0x1a2: {  	[smem:$0x793] =	sst s0  }
0x1a3: {  	[smem:$0x792] =	sst s30;
	s30 =	sadd.s32 s14, s24  }
0x1a4: {  	s14 =	sadd.s32 s28, s6;
	[smem:$0x7D4] =	sst s30  }
0x1a5: {  	(v2sf) =	vpush v8, $0xB;
	s3 =	spop (v2sf);
	[smem:$0x7CC] =	sst s14  }
0x1a6: {  	s1 =	sadd.s32 s29, s26;
	s26 =	sadd.s32 s25, s22;
	s22 =	sld [smem:$0x771]  }
0x1a7: {  	s0 =	sshra.s32 s3, $0x1F;
	s30 =	sld [smem:$0x773]  }
0x1a8: {  	s0 =	smul.u32 $0x431BDE83, s0;
	s14 =	sld [smem:$0x77B]  }
0x1a9: {  	[smem:$0x7D8] =	sst s1  }
0x1aa: {  	(v2sf) =	vpush v8, $0x0;
	s23 =	spop (v2sf);
	[smem:$0x795] =	sst s0  }
0x1ab: {  	s29 =	smulhi.u32 $0x431BDE83, s23;
	s1 =	sadd.s32 s16, s31;
	[smem:$0x7D3] =	sst s26  }
0x1ac: {  	(v2sf) =	vpush v8, $0x1;
	s16 =	smulhi.u32 $0x431BDE83, s3;
	s0 =	sshra.s32 s23, $0x1F;
	s23 =	sld [smem:$0x772]  }
0x1ad: {  	s3 =	sadd.s32 s9, s12;
	s12 =	sadd.s32 s10, s7;
	s7 =	sld [smem:$0x775]  }
0x1ae: {  	[smem:$0x7CD] =	sst s1  }
0x1af: {  	(v2sf) =	vpush v8, $0x2;
	[smem:$0x796] =	sst s29  }
0x1b0: {  	[smem:$0x7D6] =	sst s3  }
0x1b1: {  	[smem:$0x7D7] =	sst s12  }
0x1b2: {  	(v2sf) =	vpush v8, $0x3;
	s1 =	sadd.s32 s15, s8;
	s8 =	sld [smem:$0x776]  }
0x1b3: {  	s12 =	sld [smem:$0x779]  }
0x1b4: {  	s31 =	spop (v2sf);
	s3 =	sld [smem:$0x786]  }
0x1b5: {  	s0 =	smul.u32 $0x431BDE83, s0;
	[smem:$0x794] =	sst s16  }
0x1b6: {  	s9 =	smulhi.u32 $0x431BDE83, s31;
	[smem:$0x7DC] =	sst s1  }
0x1b7: {  	(v2sf) =	vpush v8, $0x4;
	[smem:$0x797] =	sst s0  }
0x1b8: {  	s1 =	sadd.s32 s18, s17;
	[smem:$0x798] =	sst s9  }
0x1b9: {  	v9 =	vld [tilespmem:s13+$0x60];
	s13 =	spop (v2sf);
	[smem:$0x7D9] =	sst s1  }
0x1ba: {  	(v2sf) =	vpush v8, $0x5;
	s28 =	smulhi.u32 $0x431BDE83, s13;
	s0 =	sshra.s32 s31, $0x1F;
	s31 =	sld [smem:$0x774]  }
0x1bb: {  	s16 =	spop (v2sf);
	s1 =	sadd.s32 s23, s22;
	s9 =	sld [smem:$0x777]  }
0x1bc: {  	(v2sf) =	vpush v8, $0x6;
	s25 =	smulhi.u32 $0x431BDE83, s16;
	[smem:$0x7DD] =	sst s1  }
0x1bd: {  	s26 =	smul.u32 $0x431BDE83, s0;
	s0 =	sshra.s32 s13, $0x1F;
	s13 =	sld [smem:$0x77A]  }
0x1be: {  	s29 =	spop (v2sf);
	s1 =	sadd.s32 s31, s30;
	s30 =	sld [smem:$0x77C]  }
0x1bf: {  	s23 =	smulhi.u32 $0x431BDE83, s29;
	s31 =	sld [smem:$0x77D]  }
0x1c0: {  	s24 =	smul.u32 $0x431BDE83, s0;
	s0 =	sshra.s32 s16, $0x1F;
	[smem:$0x7DF] =	sst s1  }
0x1c1: {  	s6 =	spop (v2sf);
	s1 =	sadd.s32 s7, s4;
	s4 =	sld [smem:$0x77E]  }
0x1c2: {  	s22 =	smul.u32 $0x431BDE83, s0;
	s0 =	sshra.s32 s29, $0x1F;
	s7 =	sld [smem:$0x780]  }
0x1c3: {  	s17 =	smul.u32 $0x431BDE83, s0;
	[smem:$0x7E1] =	sst s1  }
0x1c4: {  	s0 =	sshra.s32 s6, $0x1F;
	s1 =	sadd.s32 s9, s8;
	s8 =	sld [smem:$0x781]  }
0x1c5: {  	s15 =	smul.u32 $0x431BDE83, s0;
	s9 =	sld [smem:$0x782]  }
0x1c6: {  	s10 =	spop (v2sf);
	[smem:$0x7E5] =	sst s1;
	s1 =	sadd.s32 s12, s11  }
0x1c7: {  	s16 =	smulhi.u32 $0x431BDE83, s10;
	s0 =	sshra.s32 s10, $0x1F;
	s10 =	sld [smem:$0x783]  }
0x1c8: {  	(v2sf) =	vpush v8, $0x7;
	s18 =	smulhi.u32 $0x431BDE83, s6;
	s17 =	sadd.s32 s17, s23;
	[smem:$0x7E7] =	sst s1  }
0x1c9: {  	s29 =	spop (v2sf);
	s1 =	sadd.s32 s14, s13;
	[smem:$0x7F0] =	sst s17  }
0x1ca: {  	s13 =	smul.u32 $0x431BDE83, s0;
	s0 =	sshra.s32 s29, $0x1F;
	[smem:$0x7DA] =	sst s1  }
0x1cb: {  	(v2sf) =	vpush v9, $0xD;
	s6 =	spop (v2sf);
	s1 =	sadd.s32 s31, s30;
	s30 =	sld [smem:$0x784]  }
0x1cc: {  	s15 =	sadd.s32 s15, s18;
	s11 =	smul.u32 $0x431BDE83, s0;
	s31 =	sld [smem:$0x785]  }
0x1cd: {  	s12 =	smulhi.u32 $0x431BDE83, s6;
	s0 =	sshra.s32 s6, $0x1F;
	s6 =	sld [smem:$0x788]  }
0x1ce: {  	[smem:$0x7F1] =	sst s15  }
0x1cf: {  	[smem:$0x7DB] =	sst s1  }
0x1d0: {  	s1 =	sadd.s32 s5, s4;
	s4 =	sld [smem:$0x787]  }
0x1d1: {  	[smem:$0x7E0] =	sst s1  }
0x1d2: {  	(v2sf) =	vpush v9, $0xC;
	s13 =	sadd.s32 s13, s16;
	s1 =	sadd.s32 s8, s7;
	s7 =	sld [smem:$0x789]  }
0x1d3: {  	[smem:$0x7F2] =	sst s13  }
0x1d4: {  	[smem:$0x7E2] =	sst s1;
	s1 =	sadd.s32 s10, s9  }
0x1d5: {  	s14 =	smulhi.u32 $0x431BDE83, s29;
	[smem:$0x7E4] =	sst s1  }
0x1d6: {  	(v2sf) =	vpush v9, $0xE;
	s10 =	smul.u32 $0x431BDE83, s0;
	s1 =	sadd.s32 s31, s30;
	s30 =	sld [smem:$0x78B]  }
0x1d7: {  	s29 =	spop (v2sf);
	[smem:$0x7E6] =	sst s1  }
0x1d8: {  	s9 =	smulhi.u32 $0x431BDE83, s29;
	s0 =	sshra.s32 s29, $0x1F;
	s29 =	sld [smem:$0x78A]  }
0x1d9: {  	s1 =	sadd.s32 s4, s3;
	s4 =	sld [smem:$0x78C]  }
0x1da: {  	s5 =	spop (v2sf);
	s3 =	sld [smem:$0x790]  }
0x1db: {  	[smem:$0x7E8] =	sst s1;
	s8 =	smul.u32 $0x431BDE83, s0;
	s1 =	sadd.s32 s7, s6  }
0x1dc: {  	s7 =	smulhi.u32 $0x431BDE83, s5;
	s0 =	sshra.s32 s5, $0x1F;
	s5 =	sld [smem:$0x78D]  }
0x1dd: {  	[smem:$0x7DE] =	sst s1  }
0x1de: {  	s1 =	sadd.s32 s30, s29;
	s29 =	sld [smem:$0x78E]  }
0x1df: {  	(v2sf) =	vpush v9, $0xF;
	s30 =	sld [smem:$0x78F]  }
0x1e0: {  	[smem:$0x7E9] =	sst s1;
	s1 =	sadd.s32 s5, s4  }
0x1e1: {  	s31 =	spop (v2sf);
	[smem:$0x7EA] =	sst s1  }
0x1e2: {  	(v2sf) =	vpush v9, $0x9;
	s6 =	smul.u32 $0x431BDE83, s0;
	s1 =	sadd.s32 s30, s29;
	s29 =	sld [smem:$0x791]  }
0x1e3: {  	s0 =	sshra.s32 s31, $0x1F;
	s5 =	smulhi.u32 $0x431BDE83, s31;
	s30 =	sld [smem:$0x792]  }
0x1e4: {  	(v2sf) =	vpush v9, $0x8;
	s4 =	smul.u32 $0x431BDE83, s0;
	[smem:$0x7EB] =	sst s1  }
0x1e5: {  	s31 =	spop (v2sf);
	s1 =	sadd.s32 s29, s3;
	s29 =	sld [smem:$0x793]  }
0x1e6: {  	(v2sf) =	vpush v9, $0xA;
	s0 =	sshra.s32 s31, $0x1F;
	s3 =	smulhi.u32 $0x431BDE83, s31;
	s31 =	sld [smem:$0x794]  }
0x1e7: {  	[smem:$0x7EC] =	sst s1  }
0x1e8: {  	s11 =	sadd.s32 s11, s14;
	(v2sf) =	vpush v9, $0xB;
	s1 =	sadd.s32 s29, s30;
	s30 =	sld [smem:$0x795]  }
0x1e9: {  	[smem:$0x7F3] =	sst s11  }
0x1ea: {  	(v2sf) =	vpush v9, $0x0;
	s29 =	sld [smem:$0x796]  }
0x1eb: {  	s10 =	sadd.s32 s10, s12;
	s31 =	sadd.s32 s30, s31;
	s30 =	sld [smem:$0x797]  }
0x1ec: {  	(v2sf) =	vpush v9, $0x1;
	[smem:$0x7F4] =	sst s10  }
0x1ed: {  	s6 =	sadd.s32 s6, s7;
	[smem:$0x7ED] =	sst s1;
	s1 =	smul.u32 $0x431BDE83, s0  }
0x1ee: {  	s0 =	spop (v2sf);
	s29 =	sadd.s32 s30, s29;
	s30 =	sld [smem:$0x798]  }
0x1ef: {  	(v2sf) =	vpush v9, $0x2;
	[smem:$0x7EE] =	sst s31;
	s31 =	smulhi.u32 $0x431BDE83, s0;
	s0 =	sshra.s32 s0, $0x1F  }
0x1f0: {  	[dreg:$0x1e] =	wrdreg s6;
	s0 =	smul.u32 $0x431BDE83, s0  }
0x1f1: {  	[smem:$0x7EF] =	sst s29;
	s29 =	spop (v2sf);
	s26 =	sadd.s32 s26, s30  }
0x1f2: {  	(v2sf) =	vpush v9, $0x3;
	[dreg:$0x1f] =	wrdreg s26;
	s26 =	smulhi.u32 $0x431BDE83, s29;
	s29 =	sshra.s32 s29, $0x1F  }
0x1f3: {  	s30 =	sadd.s32 s24, s28;
	s28 =	spop (v2sf);
	s24 =	smul.u32 $0x431BDE83, s29  }
0x1f4: {  	s29 =	sadd.s32 s22, s25;
	s22 =	smulhi.u32 $0x431BDE83, s28;
	s28 =	sshra.s32 s28, $0x1F  }
0x1f5: {  	s4 =	sadd.s32 s4, s5;
	s17 =	smul.u32 $0x431BDE83, s28;
	s28 =	spop (v2sf)  }
0x1f6: {  	[dreg:$0x1d] =	wrdreg s4;
	s15 =	smulhi.u32 $0x431BDE83, s28;
	s25 =	sshra.s32 s28, $0x1F  }
0x1f7: {  	s1 =	sadd.s32 s1, s3;
	s28 =	spop (v2sf);
	s13 =	smul.u32 $0x431BDE83, s25  }
0x1f8: {  	[dreg:$0x19] =	wrdreg s1;
	s11 =	smulhi.u32 $0x431BDE83, s28;
	s16 =	sshra.s32 s28, $0x1F  }
0x1f9: {  	s0 =	sadd.s32 s0, s31;
	s18 =	spop (v2sf);
	s10 =	smul.u32 $0x431BDE83, s16  }
0x1fa: {  	[dreg:$0x18] =	wrdreg s0;
	s28 =	sadd.s32 s8, s9;
	s8 =	smulhi.u32 $0x431BDE83, s18  }
0x1fb: {  	(v2sf) =	vpush v9, $0x4;
	s23 =	sshra.s32 s18, $0x1F;
	s25 =	spop (v2sf);
	s18 =	sadd.s32 s24, s26  }
0x1fc: {  	s24 =	sadd.s32 s17, s22;
	s17 =	sld [smem:$0x79A];
	s6 =	smul.u32 $0x431BDE83, s23  }
0x1fd: {  	s4 =	smulhi.u32 $0x431BDE83, s25;
	[dreg:$0x1a] =	wrdreg s18  }
0x1fe: {  	s9 =	sshra.s32 s25, $0x1F;
	s14 =	spop (v2sf);
	[dreg:$0x1b] =	wrdreg s24  }
0x1ff: {  	s26 =	sadd.s32 s13, s15;
	s15 =	sld [smem:$0x799];
	s12 =	smul.u32 $0x431BDE83, s9  }
0x200: {  	s24 =	sld [smem:$0x79B];
	s16 =	smulhi.u32 $0x431BDE83, s14  }
0x201: {  	s3 =	sshra.s32 s14, $0x1F;
	s23 =	spop (v2sf);
	[smem:$0x7F9] =	sst s26  }
0x202: {  	s10 =	sadd.s32 s10, s11;
	s26 =	sld [smem:$0x79C];
	s3 =	smul.u32 $0x431BDE83, s3  }
0x203: {  	s25 =	smulhi.u32 $0x431BDE83, s23;
	[smem:$0x7FA] =	sst s10;
	s6 =	sadd.s32 s6, s8  }
0x204: {  	s5 =	sshra.s32 s23, $0x1F;
	s18 =	sshrl.u32 s17, $0x1F;
	[smem:$0x7F5] =	sst s6  }
0x205: {  	s5 =	smul.u32 $0x431BDE83, s5;
	s1 =	sadd.s32 s12, s4;
	s6 =	sld [smem:$0x79D]  }
0x206: {  	s14 =	sshra.s32 s15, $0x1F;
	[smem:$0x7F6] =	sst s1;
	s0 =	sadd.s32 s3, s16  }
0x207: {  	s22 =	sshra.s32 s17, $0x12;
	s23 =	sshra.s32 s17, $0x1F;
	v10 =	vmov s14;
	[smem:$0x7F7] =	sst s0  }
0x208: {  	s1 =	sshra.s32 s26, $0x12;
	s13 =	sadd.s32 s5, s25;
	v10 =	vsel vm3, s22, v10;
	s22 =	sld [smem:$0x7A2]  }
0x209: {  	s25 =	sshrl.u32 s24, $0x1F;
	s0 =	sshra.s32 s24, $0x12;
	[smem:$0x7F8] =	sst s13  }
0x20a: {  	s31 =	spop (v2sf);
	s7 =	sshra.s32 s6, $0x12;
	s13 =	sld [smem:$0x7A0]  }
0x20b: {  	v10 =	vsel vm9, s23, v10;
	s8 =	sshrl.u32 s6, $0x1F;
	s10 =	sshra.s32 s6, $0x1F;
	s6 =	sld [smem:$0x7A3]  }
0x20c: {  	v12 =	vmov s18;
	s11 =	smulhi.u32 $0x431BDE83, s31;
	s9 =	sshra.s32 s31, $0x1F;
	v10 =	vsel vm0, s7, v10;
	s7 =	sld [smem:$0x79F]  }
0x20d: {  	v12 =	vnsel vm3, $0x0, v12;
	s31 =	sshrl.u32 s26, $0x1F;
	s12 =	smul.u32 $0x431BDE83, s9;
	s9 =	sld [smem:$0x79E]  }
0x20e: {  	v12 =	vsel vm0, s8, v12;
	s8 =	sld [smem:$0x7A6];
	v11 =	vmov s31;
	s23 =	sshrl.u32 s22, $0x1F;
	s31 =	sshra.s32 s22, $0x12  }
0x20f: {  	v13 =	vsel vm10, s10, v10;
	s10 =	sshra.s32 s22, $0x1F;
	v11 =	vsel vm0, s25, v11;
	s25 =	sld [smem:$0x7A4];
	s16 =	sadd.s32 s12, s11  }
0x210: {  	s14 =	sshrl.u32 s13, $0x1F;
	[dreg:$0x1c] =	wrdreg s16;
	s11 =	sshrl.u32 s9, $0x1F  }
0x211: {  	s17 =	sshra.s32 s13, $0x1F;
	s24 =	sshrl.u32 s6, $0x1F;
	v11 =	vsel vm1, s11, v11;
	s11 =	sld [smem:$0x7A1]  }
0x212: {  	s12 =	sshrl.u32 s7, $0x1F;
	s16 =	sshra.s32 s13, $0x12;
	s13 =	sld [smem:$0x7A5]  }
0x213: {  	v49 =	vsel vm1, s14, v12;
	v50 =	vsel vm1, s16, v13;
	s26 =	sshrl.u32 s25, $0x1F;
	s16 =	sld [smem:$0x7A7];
	v10 =	vsel vm2, s12, v11;
	s12 =	sshrl.u32 s8, $0x1F  }
0x214: {  	v11 =	vsel vm2, s23, v49;
	v12 =	vsel vm11, s17, v50;
	s23 =	sshra.s32 s25, $0x12;
	s25 =	sshra.s32 s25, $0x1F;
	s18 =	sshrl.u32 s11, $0x1F  }
0x215: {  	v11 =	vsel vm4, s26, v11;
	v12 =	vsel vm2, s31, v12;
	s5 =	sshrl.u32 s13, $0x1F;
	s31 =	sshra.s32 s7, $0x12;
	v51 =	vmov s18;
	s18 =	sld [smem:$0x7A8]  }
0x216: {  	v53 =	vmov s1;
	s7 =	sshra.s32 s8, $0x12;
	v11 =	vsel vm5, s12, v11;
	v14 =	vsel vm12, s10, v12;
	s17 =	sshrl.u32 s16, $0x1F;
	s10 =	sshra.s32 s13, $0x12  }
0x217: {  	s13 =	sshra.s32 s16, $0x12;
	s12 =	sld [smem:$0x7AE];
	v52 =	vsel vm4, s23, v14;
	v14 =	vsel vm0, s0, v53;
	v13 =	vsel vm0, s24, v51;
	s24 =	sshra.s32 s9, $0x12  }
0x218: {  	v13 =	vsel vm1, s5, v13;
	s5 =	sshra.s32 s11, $0x12;
	v14 =	vsel vm1, s24, v14;
	s24 =	sld [smem:$0x7AB];
	s22 =	sshrl.u32 s18, $0x1F  }
0x219: {  	v12 =	vsel vm2, s17, v13;
	v13 =	vsel vm13, s25, v52;
	s14 =	sshra.s32 s18, $0x12;
	s16 =	sshra.s32 s18, $0x1F;
	s18 =	sld [smem:$0x7A9]  }
0x21a: {  	s26 =	sshrl.u32 s15, $0x1F;
	s9 =	sshra.s32 s6, $0x12;
	v15 =	vmov s5;
	v11 =	vsel vm6, s22, v11;
	v13 =	vsel vm5, s7, v13;
	s7 =	sld [smem:$0x7B0]  }
0x21b: {  	s11 =	sshra.s32 s8, $0x1F;
	v15 =	vsel vm0, s9, v15;
	v11 =	vsel vm7, s26, v11;
	s26 =	sld [smem:$0x7AC]  }
0x21c: {  	v13 =	vsel vm14, s11, v13;
	v15 =	vsel vm1, s10, v15;
	s25 =	sshrl.u32 s24, $0x1F;
	s10 =	sld [smem:$0x7AD]  }
0x21d: {  	s17 =	sshra.s32 s15, $0x12;
	v13 =	vsel vm6, s14, v13;
	s22 =	sshrl.u32 s18, $0x1F;
	s14 =	sld [smem:$0x7AA];
	v17 =	vmov s25  }
0x21e: {  	s15 =	sshrl.u32 s12, $0x1F;
	s1 =	sshra.s32 s24, $0x12;
	v17 =	vsel vm0, s22, v17;
	s22 =	sld [smem:$0x7B1]  }
0x21f: {  	v15 =	vsel vm2, s13, v15;
	s13 =	sshra.s32 s12, $0x12;
	v13 =	vsel vm15, s16, v13;
	s16 =	sshra.s32 s12, $0x1F;
	s12 =	sld [smem:$0x7B4]  }
0x220: {  	v14 =	vsel vm2, s31, v14;
	s31 =	sshra.s32 s26, $0x12;
	s11 =	sshrl.u32 s10, $0x1F;
	s23 =	sshra.s32 s14, $0x1F  }
0x221: {  	s8 =	sshrl.u32 s26, $0x1F;
	v17 =	vsel vm1, s11, v17;
	s11 =	sld [smem:$0x7AF];
	v16 =	vmov s23;
	s23 =	sshrl.u32 s22, $0x1F  }
0x222: {  	v18 =	vmov s8;
	s24 =	sshra.s32 s22, $0x12;
	s25 =	sshra.s32 s22, $0x1F;
	s22 =	sld [smem:$0x7B6]  }
0x223: {  	s0 =	sshra.s32 s18, $0x12;
	v18 =	vnsel vm3, $0x0, v18;
	v16 =	vsel vm3, s31, v16;
	s31 =	sld [smem:$0x7B3]  }
0x224: {  	s18 =	sshrl.u32 s7, $0x1F;
	s9 =	sshra.s32 s26, $0x1F;
	v54 =	vsel vm0, s15, v18;
	s15 =	sld [smem:$0x7B5]  }
0x225: {  	v13 =	vsel vm7, s17, v13;
	s4 =	sshra.s32 s10, $0x12;
	v16 =	vsel vm9, s9, v16;
	s17 =	sshrl.u32 s11, $0x1F;
	s9 =	sld [smem:$0x7B2]  }
0x226: {  	s11 =	sshra.s32 s11, $0x12;
	v19 =	vsel vm0, s13, v16;
	v16 =	vsel vm2, s17, v17;
	v17 =	vsel vm1, s23, v54;
	s13 =	sshrl.u32 s12, $0x1F;
	s23 =	sshrl.u32 s22, $0x1F  }
0x227: {  	s22 =	sshra.s32 s22, $0x12;
	v55 =	vsel vm10, s16, v19;
	s10 =	sshrl.u32 s31, $0x1F;
	s16 =	sshrl.u32 s15, $0x1F  }
0x228: {  	v56 =	vmov s18;
	s17 =	sshra.s32 s31, $0x12;
	v18 =	vsel vm1, s24, v55;
	s26 =	sshrl.u32 s9, $0x1F;
	s24 =	sld [smem:$0x7B7]  }
0x229: {  	s18 =	sshra.s32 s31, $0x1F;
	v17 =	vsel vm2, s10, v17;
	s9 =	sshra.s32 s9, $0x12;
	v19 =	vsel vm0, s26, v56;
	v18 =	vsel vm11, s25, v18;
	s25 =	sld [smem:$0x7B8]  }
0x22a: {  	v17 =	vsel vm4, s16, v17;
	s16 =	sshra.s32 s7, $0x12;
	s7 =	sld [smem:$0x7BA];
	v19 =	vsel vm1, s13, v19;
	s13 =	sshra.s32 s15, $0x1F  }
0x22b: {  	v18 =	vsel vm2, s17, v18;
	s17 =	sshra.s32 s12, $0x12;
	v22 =	vmov s16;
	s16 =	sld [smem:$0x7BD];
	s31 =	sshrl.u32 s24, $0x1F  }
0x22c: {  	v57 =	vmov s1;
	v18 =	vsel vm12, s18, v18;
	s18 =	sshra.s32 s24, $0x12;
	v17 =	vsel vm5, s31, v17;
	s26 =	sshrl.u32 s25, $0x1F;
	s31 =	sshra.s32 s15, $0x12  }
0x22d: {  	v58 =	vsel vm0, s0, v57;
	s15 =	sshrl.u32 s14, $0x1F;
	v17 =	vsel vm6, s26, v17;
	v21 =	vsel vm4, s31, v18;
	s26 =	sshra.s32 s14, $0x12;
	s14 =	sld [smem:$0x7B9]  }
0x22e: {  	v20 =	vsel vm2, s23, v19;
	s23 =	sshra.s32 s24, $0x1F;
	v60 =	vsel vm0, s9, v22;
	s9 =	sld [smem:$0x7BB];
	s24 =	sshra.s32 s25, $0x12;
	v59 =	vsel vm13, s13, v21  }
0x22f: {  	s25 =	sshra.s32 s25, $0x1F;
	s8 =	sshrl.u32 s7, $0x1F;
	v18 =	vsel vm7, s15, v17;
	v17 =	vsel vm1, s4, v58;
	s13 =	sld [smem:$0x7BC];
	v19 =	vsel vm5, s18, v59  }
0x230: {  	s1 =	sshra.s32 s16, $0x12;
	v21 =	vsel vm2, s11, v17;
	s18 =	sld [smem:$0x7BE];
	v19 =	vsel vm14, s23, v19;
	s31 =	sshra.s32 s14, $0x1F  }
0x231: {  	s10 =	sshra.s32 s9, $0x12;
	s12 =	sshra.s32 s9, $0x1F;
	v17 =	vsel vm1, s17, v60;
	v19 =	vsel vm6, s24, v19;
	v23 =	vmov s31;
	s31 =	sld [smem:$0x7C0]  }
0x232: {  	s11 =	sshrl.u32 s9, $0x1F;
	v22 =	vsel vm2, s22, v17;
	s15 =	sshrl.u32 s13, $0x1F;
	v61 =	vsel vm15, s25, v19;
	v23 =	vsel vm3, s10, v23;
	s25 =	sld [smem:$0x7BF]  }
0x233: {  	s17 =	sshrl.u32 s16, $0x1F;
	v24 =	vmov s11;
	v62 =	vmov s15;
	s22 =	sshra.s32 s18, $0x12;
	s15 =	sld [smem:$0x7C3];
	v23 =	vsel vm9, s12, v23  }
0x234: {  	v25 =	vnsel vm3, $0x0, v24;
	s23 =	sshrl.u32 s18, $0x1F;
	s24 =	sshra.s32 s18, $0x1F;
	v17 =	vsel vm0, s8, v62;
	s8 =	sld [smem:$0x7C4];
	v23 =	vsel vm0, s22, v23  }
0x235: {  	s3 =	sshra.s32 s13, $0x12;
	v36 =	vsel vm0, s23, v25;
	s23 =	sld [smem:$0x7C5];
	s9 =	sshra.s32 s31, $0x12;
	v23 =	vsel vm10, s24, v23  }
0x236: {  	v19 =	vsel vm7, s26, v61;
	v17 =	vsel vm1, s17, v17;
	s10 =	sshrl.u32 s31, $0x1F;
	s26 =	sshrl.u32 s25, $0x1F;
	v23 =	vsel vm1, s9, v23;
	s9 =	sld [smem:$0x7C1]  }
0x237: {  	s11 =	sshra.s32 s31, $0x1F;
	s6 =	sshra.s32 s25, $0x12;
	v63 =	vsel vm2, s26, v17;
	v17 =	vsel vm1, s10, v36;
	s10 =	sld [smem:$0x7C6]  }
0x238: {  	s16 =	sshrl.u32 s15, $0x1F;
	s17 =	sshra.s32 s15, $0x12;
	v23 =	vsel vm11, s11, v23;
	s11 =	sld [smem:$0x7C2]  }
0x239: {  	s18 =	sshra.s32 s15, $0x1F;
	v23 =	vsel vm2, s17, v23;
	s17 =	sld [smem:$0x7C8];
	s12 =	sshrl.u32 s9, $0x1F  }
0x23a: {  	s22 =	sshrl.u32 s8, $0x1F;
	s24 =	sshrl.u32 s23, $0x1F;
	v37 =	vmov s12;
	s12 =	sld [smem:$0x7C7]  }
0x23b: {  	s31 =	sshra.s32 s23, $0x12;
	v17 =	vsel vm2, s16, v17;
	s16 =	sshra.s32 s23, $0x1F;
	s13 =	sshrl.u32 s11, $0x1F  }
0x23c: {  	v38 =	vmov s3;
	v23 =	vsel vm12, s18, v23;
	s25 =	sshrl.u32 s10, $0x1F;
	v25 =	vsel vm0, s13, v37;
	s18 =	sshrl.u32 s17, $0x1F;
	s3 =	sshra.s32 s17, $0x12  }
0x23d: {  	s13 =	sld [smem:$0x7CA];
	v25 =	vsel vm1, s22, v25;
	s22 =	sshra.s32 s9, $0x12;
	s26 =	sshrl.u32 s12, $0x1F  }
0x23e: {  	v17 =	vsel vm4, s24, v17;
	v23 =	vsel vm4, s31, v23;
	s24 =	sshra.s32 s12, $0x12;
	s31 =	sshra.s32 s12, $0x1F;
	s12 =	sld [smem:$0x7CC]  }
0x23f: {  	v26 =	vsel vm2, s25, v25;
	s25 =	sshra.s32 s8, $0x12;
	s8 =	sshra.s32 s17, $0x1F;
	s17 =	sld [smem:$0x7CD]  }
0x240: {  	s15 =	sshra.s32 s11, $0x12;
	v41 =	vmov s22;
	v17 =	vsel vm5, s26, v17;
	s26 =	sshra.s32 s10, $0x12;
	s10 =	sld [smem:$0x7C9]  }
0x241: {  	v27 =	vsel vm13, s16, v23;
	v28 =	vsel vm0, s15, v41;
	s15 =	sld [smem:$0x7CB]  }
0x242: {  	s23 =	sshrl.u32 s14, $0x1F;
	v40 =	vsel vm5, s24, v27;
	s24 =	sld [smem:$0x7CF]  }
0x243: {  	s9 =	sshra.s32 s14, $0x12;
	s14 =	sshrl.u32 s13, $0x1F;
	v42 =	vsel vm1, s25, v28;
	s25 =	sld [smem:$0x7D0]  }
0x244: {  	s0 =	sshra.s32 s7, $0x12;
	s4 =	sshra.s32 s13, $0x12;
	v29 =	vmov s14;
	s14 =	sld [smem:$0x7D1]  }
0x245: {  	v17 =	vsel vm6, s18, v17;
	s16 =	sshra.s32 s12, $0x1F;
	s18 =	sshrl.u32 s17, $0x1F;
	s22 =	sshra.s32 s17, $0x12  }
0x246: {  	(v2sf) =	vpush v9, $0x5;
	v25 =	vsel vm14, s31, v40;
	v23 =	vsel vm7, s23, v17;
	s23 =	sld [smem:$0x7CE];
	s7 =	sshra.s32 s17, $0x1F;
	s11 =	sshrl.u32 s10, $0x1F  }
0x247: {  	v39 =	vsel vm0, s0, v38;
	v25 =	vsel vm6, s3, v25;
	s0 =	sshra.s32 s10, $0x12;
	s5 =	sshrl.u32 s15, $0x1F;
	v43 =	vmov s16;
	s16 =	sld [smem:$0x7D2]  }
0x248: {  	v17 =	vsel vm1, s1, v39;
	v25 =	vsel vm15, s8, v25;
	s1 =	sshra.s32 s15, $0x12;
	v30 =	vmov s18;
	s8 =	sshra.s32 s24, $0x12;
	s18 =	sld [smem:$0x7D3]  }
0x249: {  	(v2sf) =	vpush v9, $0x6;
	v28 =	vsel vm2, s26, v42;
	v27 =	vsel vm2, s6, v17;
	s26 =	sshrl.u32 s25, $0x1F;
	s31 =	sshra.s32 s25, $0x12;
	s13 =	sshra.s32 s25, $0x1F  }
0x24a: {  	v25 =	vsel vm7, s9, v25;
	v17 =	vsel vm3, s22, v43;
	v30 =	vnsel vm3, $0x0, v30;
	s15 =	sshrl.u32 s14, $0x1F;
	s9 =	sld [smem:$0x7DF];
	s6 =	sshrl.u32 s23, $0x1F  }
0x24b: {  	v29 =	vsel vm0, s11, v29;
	s3 =	sshra.s32 s23, $0x12;
	v17 =	vsel vm9, s7, v17;
	s7 =	sshrl.u32 s24, $0x1F;
	v30 =	vsel vm0, s26, v30;
	s26 =	sld [smem:$0x7D5]  }
0x24c: {  	v29 =	vsel vm1, s5, v29;
	s23 =	sshra.s32 s14, $0x12;
	v17 =	vsel vm0, s31, v17;
	v31 =	vsel vm1, s15, v30;
	s22 =	sshrl.u32 s18, $0x1F;
	s15 =	sld [smem:$0x7D6]  }
0x24d: {  	s17 =	sshrl.u32 s16, $0x1F;
	v30 =	vsel vm2, s6, v29;
	s6 =	sshra.s32 s16, $0x12;
	v17 =	vsel vm10, s13, v17;
	v44 =	vsel vm2, s22, v31;
	s13 =	sld [smem:$0x7D4]  }
0x24e: {  	s24 =	sshra.s32 s14, $0x1F;
	v45 =	vmov s17;
	s17 =	sshra.s32 s18, $0x12;
	s22 =	sld [smem:$0x7D7];
	v32 =	vmov s6;
	v17 =	vsel vm1, s23, v17  }
0x24f: {  	s18 =	sshra.s32 s18, $0x1F;
	v31 =	vsel vm0, s7, v45;
	s7 =	sshra.s32 s26, $0x12;
	v32 =	vsel vm0, s8, v32;
	v17 =	vsel vm11, s24, v17;
	s24 =	sld [smem:$0x7D8]  }
0x250: {  	s31 =	sshrl.u32 s26, $0x1F;
	s16 =	sshrl.u32 s15, $0x1F;
	v32 =	vsel vm1, s7, v32;
	s7 =	sld [smem:$0x7DA]  }
0x251: {  	v31 =	vsel vm1, s31, v31;
	s25 =	sshrl.u32 s13, $0x1F;
	v17 =	vsel vm2, s17, v17;
	s23 =	sshrl.u32 s22, $0x1F;
	s31 =	sshra.s32 s13, $0x12  }
0x252: {  	s17 =	sshra.s32 s15, $0x12;
	v29 =	vsel vm4, s25, v44;
	v17 =	vsel vm12, s18, v17;
	s18 =	sshra.s32 s15, $0x1F;
	s15 =	sld [smem:$0x7DB]  }
0x253: {  	v29 =	vsel vm5, s16, v29;
	s16 =	sshra.s32 s13, $0x1F;
	s11 =	sshrl.u32 s7, $0x1F;
	s13 =	sld [smem:$0x7DD]  }
0x254: {  	s26 =	sshrl.u32 s12, $0x1F;
	s25 =	sshrl.u32 s24, $0x1F;
	v29 =	vsel vm6, s23, v29;
	v33 =	vmov s11;
	s11 =	sld [smem:$0x7DC]  }
0x255: {  	v46 =	vmov s4;
	s5 =	sshra.s32 s24, $0x12;
	s24 =	sshra.s32 s22, $0x1F;
	v29 =	vsel vm7, s26, v29;
	s26 =	sld [smem:$0x7D9]  }
0x256: {  	v17 =	vsel vm4, s31, v17;
	s14 =	sshra.s32 s7, $0x1F;
	v34 =	vsel vm2, s25, v31;
	s23 =	sshra.s32 s22, $0x12;
	v31 =	vsel vm0, s0, v46;
	s0 =	sld [smem:$0x7E0]  }
0x257: {  	v17 =	vsel vm13, s16, v17;
	s25 =	sshra.s32 s12, $0x12;
	s12 =	sshra.s32 s7, $0x12;
	s7 =	sld [smem:$0x7E4]  }
0x258: {  	v36 =	vsel vm2, s5, v32;
	v17 =	vsel vm5, s17, v17;
	s31 =	sshrl.u32 s26, $0x1F;
	s22 =	sshra.s32 s26, $0x12;
	s26 =	sld [smem:$0x7DE]  }
0x259: {  	v31 =	vsel vm1, s1, v31;
	s16 =	sshrl.u32 s15, $0x1F;
	s5 =	sshra.s32 s15, $0x12;
	s17 =	spop (v2sf);
	v49 =	vnsel vm3, $0x0, v33;
	v17 =	vsel vm14, s18, v17  }
0x25a: {  	v35 =	vsel vm2, s3, v31;
	s6 =	sshra.s32 s17, $0x1F;
	v33 =	vsel vm0, s16, v49;
	s10 =	spop (v2sf);
	v17 =	vsel vm6, s23, v17;
	s3 =	sshrl.u32 s0, $0x1F  }
0x25b: {  	v17 =	vsel vm15, s24, v17;
	v50 =	vsel vm1, s3, v33;
	s3 =	sld [smem:$0x7E2];
	v47 =	vmov s31;
	s31 =	smulhi.u32 $0x431BDE83, s17;
	s24 =	sshra.s32 s26, $0x1F  }
0x25c: {  	s4 =	sshra.s32 s10, $0x1F;
	s17 =	smulhi.u32 $0x431BDE83, s10;
	s10 =	sld [smem:$0x7E6];
	v37 =	vmov s24  }
0x25d: {  	s18 =	sshrl.u32 s11, $0x1F;
	s23 =	sshrl.u32 s13, $0x1F;
	v51 =	vsel vm3, s12, v37;
	s12 =	sld [smem:$0x7E1]  }
0x25e: {  	s16 =	sshrl.u32 s7, $0x1F;
	s4 =	smul.u32 $0x431BDE83, s4;
	v48 =	vsel vm0, s18, v47;
	v33 =	vsel vm9, s14, v51;
	s14 =	sld [smem:$0x7E3]  }
0x25f: {  	v32 =	vsel vm7, s25, v17;
	s25 =	sshrl.u32 s9, $0x1F;
	v17 =	vsel vm1, s23, v48;
	s8 =	sshrl.u32 s3, $0x1F;
	s23 =	rddreg [dreg:$0x17]  }
0x260: {  	s18 =	smul.u32 $0x431BDE83, s6;
	v31 =	vsel vm2, s25, v17;
	v17 =	vsel vm2, s8, v50;
	s8 =	sld [smem:$0x7E7];
	s6 =	sshrl.u32 s12, $0x1F  }
0x261: {  	s1 =	sshra.s32 s15, $0x1F;
	v38 =	vsel vm4, s16, v17;
	s16 =	sld [smem:$0x7E8];
	v52 =	vmov s6;
	s15 =	sshrl.u32 s14, $0x1F  }
0x262: {  	s11 =	sshra.s32 s11, $0x12;
	s17 =	sadd.s32 s4, s17;
	v37 =	vsel vm0, s15, v52;
	s15 =	sld [smem:$0x7E5]  }
0x263: {  	v53 =	vmov s22;
	s22 =	sshra.s32 s13, $0x12;
	s25 =	sshrl.u32 s10, $0x1F;
	[smem:$0x7FC] =	sst s17  }
0x264: {  	v17 =	vld [tilespmem:s23+$0x70];
	v38 =	vsel vm5, s25, v38;
	s25 =	sshra.s32 s0, $0x1F;
	v33 =	vsel vm0, s5, v33;
	s23 =	sshrl.u32 s16, $0x1F;
	s13 =	sshra.s32 s16, $0x12  }
0x265: {  	v33 =	vsel vm10, s1, v33;
	s6 =	sshrl.u32 s8, $0x1F;
	s24 =	sshrl.u32 s15, $0x1F;
	s1 =	sshra.s32 s15, $0x12  }
0x266: {  	s15 =	sshra.s32 s26, $0x12;
	v37 =	vsel vm1, s24, v37;
	s24 =	sshra.s32 s0, $0x12;
	s0 =	sshrl.u32 s26, $0x1F  }
0x267: {  	s26 =	sld [smem:$0x7EC];
	v37 =	vsel vm2, s6, v37;
	s6 =	sadd.s32 s18, s31;
	s18 =	smov.u32 s3  }
0x268: {  	v38 =	vsel vm6, s23, v38;
	v39 =	vsel vm1, s24, v33;
	s3 =	sshra.s32 s3, $0x12;
	s24 =	sshra.s32 s9, $0x12;
	s31 =	sshra.s32 s7, $0x12  }
0x269: {  	v33 =	vsel vm7, s0, v38;
	s0 =	sshra.s32 s12, $0x12;
	s7 =	sshra.s32 s7, $0x1F;
	[smem:$0x7FB] =	sst s6  }
0x26a: {  	v38 =	vsel vm0, s11, v53;
	v39 =	vsel vm11, s25, v39;
	s25 =	sshra.s32 s14, $0x12;
	s14 =	sshra.s32 s16, $0x1F;
	s16 =	sld [smem:$0x7E9]  }
0x26b: {  	(v2sf) =	vpush v9, $0x7;
	s9 =	sshra.s32 s8, $0x12;
	s23 =	sshra.s32 s18, $0x1F;
	v38 =	vsel vm1, s22, v38;
	s22 =	sld [smem:$0x7EA];
	v39 =	vsel vm2, s3, v39  }
0x26c: {  	(v2sf) =	vpush v17, $0xD;
	s11 =	sshra.s32 s10, $0x12;
	s12 =	sshra.s32 s10, $0x1F;
	v40 =	vmov s0;
	s0 =	sld [smem:$0x7F3];
	v39 =	vsel vm12, s23, v39  }
0x26d: {  	s8 =	sshra.s32 s28, $0x12;
	v38 =	vsel vm2, s24, v38;
	v40 =	vsel vm0, s25, v40;
	s24 =	sld [smem:$0x7EB];
	s4 =	sshra.s32 s26, $0x12;
	v39 =	vsel vm4, s31, v39  }
0x26e: {  	v40 =	vsel vm1, s1, v40;
	s1 =	sshra.s32 s28, $0x1F;
	s18 =	sshrl.u32 s16, $0x1F;
	s3 =	sshra.s32 s16, $0x12;
	v39 =	vsel vm13, s7, v39  }
0x26f: {  	(v2sf) =	vpush v17, $0xC;
	s23 =	sshrl.u32 s22, $0x1F;
	s6 =	sshra.s32 s22, $0x12;
	s16 =	sld [smem:$0x7EE];
	v39 =	vsel vm5, s11, v39  }
0x270: {  	(v2sf) =	vpush v17, $0xE;
	s31 =	sshrl.u32 s26, $0x1F;
	s22 =	sshrl.u32 s29, $0x1F;
	s26 =	sld [smem:$0x7F0];
	v39 =	vsel vm14, s12, v39  }
0x271: {  	s25 =	sshrl.u32 s24, $0x1F;
	s5 =	sshra.s32 s24, $0x12;
	v41 =	vmov s23;
	v54 =	vmov s6;
	s6 =	sld [smem:$0x7F7];
	v39 =	vsel vm6, s13, v39  }
0x272: {  	v42 =	vmov s1;
	s23 =	sshra.s32 s29, $0x12;
	v41 =	vsel vm0, s18, v41;
	s12 =	sld [smem:$0x7ED];
	v39 =	vsel vm15, s14, v39;
	s14 =	sshra.s32 s30, $0x12  }
0x273: {  	s24 =	sshra.s32 s29, $0x1F;
	v41 =	vsel vm1, s25, v41;
	s25 =	sld [smem:$0x7EF];
	v39 =	vsel vm7, s15, v39;
	v42 =	vsel vm3, s14, v42;
	s15 =	sshra.s32 s30, $0x1F  }
0x274: {  	(v2sf) =	vpush v17, $0xF;
	s18 =	sshrl.u32 s16, $0x1F;
	s13 =	sshrl.u32 s30, $0x1F;
	v41 =	vsel vm2, s31, v41;
	s31 =	sld [smem:$0x7F1];
	v42 =	vsel vm9, s15, v42  }
0x275: {  	v44 =	vmov s18;
	s18 =	sshra.s32 s26, $0x1F;
	v43 =	vmov s13;
	s13 =	sshra.s32 s16, $0x12;
	s16 =	sshra.s32 s26, $0x12;
	v42 =	vsel vm0, s23, v42  }
0x276: {  	v40 =	vsel vm2, s9, v40;
	s9 =	sshrl.u32 s12, $0x1F;
	s7 =	sshra.s32 s12, $0x12;
	v43 =	vnsel vm3, $0x0, v43;
	v42 =	vsel vm10, s24, v42;
	s24 =	sld [smem:$0x7F2]  }
0x277: {  	(v2sf) =	vpush v17, $0x9;
	s11 =	sshrl.u32 s25, $0x1F;
	s30 =	sshrl.u32 s26, $0x1F;
	v43 =	vsel vm0, s22, v43;
	s22 =	rddreg [dreg:$0x1f];
	v44 =	vsel vm0, s9, v44  }
0x278: {  	(v2sf) =	vpush v17, $0x8;
	s14 =	sshra.s32 s25, $0x12;
	s15 =	sshrl.u32 s31, $0x1F;
	v43 =	vsel vm1, s30, v43;
	v44 =	vsel vm1, s11, v44;
	s11 =	sld [smem:$0x7F4]  }
0x279: {  	s26 =	sshrl.u32 s0, $0x1F;
	s23 =	sshrl.u32 s22, $0x1F;
	v43 =	vsel vm2, s15, v43;
	s25 =	sshrl.u32 s24, $0x1F  }
0x27a: {  	(v2sf) =	vpush v17, $0xA;
	s30 =	sshra.s32 s31, $0x12;
	s31 =	sshra.s32 s31, $0x1F;
	s15 =	sshra.s32 s22, $0x12;
	v42 =	vsel vm1, s16, v42;
	v43 =	vsel vm4, s25, v43  }
0x27b: {  	(v2sf) =	vpush v17, $0xB;
	s22 =	sshrl.u32 s28, $0x1F;
	s16 =	spop (v2sf);
	v42 =	vsel vm11, s18, v42;
	s18 =	sshrl.u32 s11, $0x1F;
	v43 =	vsel vm5, s26, v43  }
0x27c: {  	(v2sf) =	vpush v17, $0x0;
	s12 =	spop (v2sf);
	s1 =	sshra.s32 s16, $0x1F;
	v42 =	vsel vm2, s30, v42;
	v43 =	vsel vm6, s18, v43;
	s18 =	sld [smem:$0x7F5]  }
0x27d: {  	v44 =	vsel vm2, s23, v44;
	s23 =	sshra.s32 s24, $0x12;
	s24 =	sshra.s32 s24, $0x1F;
	v45 =	vsel vm12, s31, v42;
	v42 =	vsel vm7, s22, v43;
	s22 =	sld [smem:$0x7F6]  }
0x27e: {  	v46 =	vmov s13;
	s30 =	sshra.s32 s11, $0x12;
	v43 =	vsel vm0, s3, v54;
	s3 =	smul.u32 $0x431BDE83, s1;
	s1 =	rddreg [dreg:$0x1d]  }
0x27f: {  	v46 =	vsel vm0, s7, v46;
	(v2sf) =	vpush v17, $0x1;
	s31 =	sshra.s32 s11, $0x1F;
	v45 =	vsel vm4, s23, v45;
	s11 =	sshrl.u32 s1, $0x1F;
	s7 =	sshrl.u32 s18, $0x1F  }
0x280: {  	s25 =	sshra.s32 s0, $0x12;
	s23 =	spop (v2sf);
	v45 =	vsel vm13, s24, v45;
	v48 =	vmov s11;
	s11 =	sld [smem:$0x7F8];
	v47 =	vmov s7  }
0x281: {  	s26 =	sshra.s32 s0, $0x1F;
	v45 =	vsel vm5, s25, v45;
	v43 =	vsel vm1, s5, v43;
	s5 =	rddreg [dreg:$0x1a];
	s10 =	sshrl.u32 s22, $0x1F;
	v47 =	vnsel vm3, $0x0, v47  }
0x282: {  	s13 =	sshrl.u32 s6, $0x1F;
	s0 =	smulhi.u32 $0x431BDE83, s16;
	v45 =	vsel vm14, s26, v45;
	v43 =	vsel vm2, s4, v43;
	s4 =	rddreg [dreg:$0x1e];
	v47 =	vsel vm0, s10, v47  }
0x283: {  	s24 =	spop (v2sf);
	v45 =	vsel vm6, s30, v45;
	s7 =	sld [smem:$0x7F9];
	s16 =	sshrl.u32 s11, $0x1F;
	v47 =	vsel vm1, s13, v47  }
0x284: {  	s25 =	spop (v2sf);
	v45 =	vsel vm15, s31, v45;
	s9 =	sshrl.u32 s4, $0x1F;
	v47 =	vsel vm2, s16, v47;
	s16 =	rddreg [dreg:$0x19]  }
0x285: {  	v45 =	vsel vm7, s8, v45;
	s8 =	sadd.s32 s3, s0;
	s3 =	rddreg [dreg:$0x1b];
	v48 =	vsel vm0, s9, v48;
	s29 =	sshrl.u32 s16, $0x1F  }
0x286: {  	s17 =	sshrl.u32 s17, $0x1F;
	v46 =	vsel vm1, s14, v46;
	s26 =	spop (v2sf);
	v48 =	vsel vm1, s29, v48;
	s29 =	sld [smem:$0x7FB]  }
0x287: {  	v46 =	vsel vm2, s15, v46;
	(v2sf) =	vpush v17, $0x2;
	s28 =	spop (v2sf);
	s9 =	rddreg [dreg:$0x1c];
	s15 =	sshrl.u32 s3, $0x1F  }
0x288: {  	s0 =	sshrl.u32 s5, $0x1F;
	s10 =	sshrl.u32 s9, $0x1F;
	[smem:$0x7FD] =	sst s8;
	v49 =	vmov s15  }
0x289: {  	v12 =	vcombine.low v12, v10;
	s30 =	spop (v2sf);
	v49 =	vsel vm0, s0, v49;
	s0 =	rddreg [dreg:$0x18];
	v47 =	vsel vm4, s10, v47;
	s10 =	sshrl.u32 s29, $0x1F  }
0x28a: {  	v14 =	vcombine.low v15, v14;
	s31 =	spop (v2sf);
	s15 =	sshrl.u32 s7, $0x1F;
	v50 =	vsel vm5, s10, v47;
	s10 =	sld [smem:$0x7FA]  }
0x28b: {  	v12 =	vperm.xlane v12, v1;
	v11 =	vperm.xlane v11, v2;
	s14 =	sshrl.u32 s0, $0x1F;
	s13 =	sshra.s32 s0, $0x12;
	s0 =	sshra.s32 s18, $0x1F  }
0x28c: {  	v14 =	vperm.xlane v14, v1;
	s29 =	spop (v2sf);
	v47 =	vsel vm2, s14, v48;
	s14 =	sshrl.u32 s8, $0x1F;
	v55 =	vsel vm6, s17, v50;
	s17 =	sshra.s32 s8, $0x1F  }
0x28d: {  	v13 =	vperm.xlane v13, v2;
	(v2sf) =	vpush v17, $0x3;
	v49 =	vsel vm1, s15, v49;
	s8 =	sshra.s32 s18, $0x12;
	s18 =	sshra.s32 s23, $0x1F;
	s15 =	sshrl.u32 s10, $0x1F  }
0x28e: {  	(v2sf) =	vpush v17, $0x4;
	v10 =	vsel vm7, s14, v55;
	s14 =	smulhi.u32 $0x431BDE83, s23;
	v48 =	vsel vm2, s15, v49;
	s15 =	sshra.s32 s1, $0x12;
	s1 =	sshra.s32 s4, $0x12  }
0x28f: {  	v11 =	vsel vm8, v11, v12;
	v13 =	vsel vm8, v13, v14;
	v51 =	vmov s17;
	s4 =	sshra.s32 s16, $0x12;
	s16 =	smulhi.u32 $0x431BDE83, s12;
	s12 =	sshra.s32 s12, $0x1F  }
0x290: {  	v11 =	vadd.s32 v11, v13;
	s17 =	sshra.s32 s3, $0x12;
	s3 =	sshra.s32 s22, $0x1F;
	v58 =	vsel vm3, s8, v51;
	s12 =	smul.u32 $0x431BDE83, s12  }
0x291: {  	v18 =	vperm.xlane v18, v2;
	s8 =	spop (v2sf);
	v50 =	vsel vm9, s0, v58;
	s0 =	sshra.s32 s6, $0x1F;
	v56 =	vmov s15;
	s15 =	smul.u32 $0x431BDE83, s18  }
0x292: {  	v61 =	vcombine.low v20, v16;
	v62 =	vcombine.low v22, v21;
	s18 =	smulhi.u32 $0x431BDE83, s24;
	v57 =	vsel vm0, s1, v56;
	s1 =	sshra.s32 s22, $0x12;
	s22 =	sshra.s32 s5, $0x12  }
0x293: {  	v60 =	vmov s17;
	s5 =	sshra.s32 s25, $0x1F;
	v49 =	vsel vm1, s4, v57;
	v59 =	vsel vm0, s1, v50;
	s4 =	sshra.s32 s6, $0x12;
	s1 =	sshra.s32 s7, $0x12  }
0x294: {  	v19 =	vperm.xlane v19, v2;
	v51 =	vsel vm0, s22, v60;
	s6 =	sshra.s32 s10, $0x12;
	s22 =	smulhi.u32 $0x431BDE83, s26;
	s10 =	sshra.s32 s26, $0x1F;
	v15 =	vsel vm10, s3, v59  }
0x295: {  	v63 =	vcombine.low v26, v63;
	(v2sf) =	vpush v17, $0x5;
	s7 =	sshra.s32 s11, $0x1F;
	s3 =	sshra.s32 s24, $0x1F;
	s24 =	smul.u32 $0x431BDE83, s10;
	v15 =	vsel vm1, s4, v15  }
0x296: {  	v14 =	vperm.xlane v62, v1;
	v15 =	vsel vm11, s0, v15;
	s0 =	sadd.s32 s12, s16;
	s16 =	smul.u32 $0x431BDE83, s3;
	s3 =	spop (v2sf);
	(v2sf) =	vpush v17, $0x6  }
0x297: {  	v16 =	vperm.xlane v63, v1;
	v52 =	vcombine.low v28, v27;
	s15 =	sadd.s32 s15, s14;
	s26 =	smov.u32 s9;
	s12 =	smulhi.u32 $0x431BDE83, s25;
	(v2sf) =	vpush v17, $0x7  }
0x298: {  	v62 =	vperm.xlane v32, v2;
	v53 =	vcombine.low v34, v30;
	v54 =	vsel vm1, s1, v51;
	s23 =	sshrl.u32 s15, $0x1F;
	s10 =	sshra.s32 s30, $0x1F;
	s25 =	smul.u32 $0x431BDE83, s5  }
0x299: {  	v21 =	vperm.xlane v52, v1;
	v31 =	vcombine.low v37, v31;
	s15 =	sshra.s32 s15, $0x12;
	v13 =	vsel vm2, s6, v54;
	s6 =	sshra.s32 s28, $0x1F;
	s5 =	smulhi.u32 $0x431BDE83, s28  }
0x29a: {  	v14 =	vsel vm8, v19, v14;
	v37 =	vperm.xlane v33, v2;
	v22 =	vperm.xlane v53, v1;
	s4 =	sshra.s32 s11, $0x12;
	s11 =	sshra.s32 s9, $0x12;
	s9 =	smul.u32 $0x431BDE83, s6  }
0x29b: {  	v32 =	vcombine.low v40, v38;
	v38 =	vperm.xlane v39, v2;
	v12 =	vsel vm2, s13, v49;
	s6 =	smul.u32 $0x431BDE83, s10;
	s28 =	sshra.s32 s31, $0x1F;
	s13 =	sadd.s32 s24, s22  }
0x29c: {  	v46 =	vcombine.low v46, v43;
	v52 =	vperm.xlane v45, v2;
	s22 =	smulhi.u32 $0x431BDE83, s29;
	v15 =	vsel vm2, s4, v15;
	s1 =	spop (v2sf);
	s24 =	sshra.s32 s0, $0x12  }
0x29d: {  	v55 =	vmul.u32 $0xF4240, v11;
	v10 =	vperm.xlane v10, v2;
	v15 =	vsel vm12, s7, v15;
	s4 =	spop (v2sf);
	s17 =	sadd.s32 s16, s18;
	s16 =	smulhi.u32 $0x431BDE83, s30  }
0x29e: {  	v56 =	vperm.xlane v61, v1;
	v61 =	vperm.xlane v29, v2;
	s7 =	sshrl.u32 s0, $0x1F;
	s12 =	sadd.s32 s25, s12;
	v11 =	vsel vm4, s11, v15;
	s11 =	smulhi.u32 $0x431BDE83, s31  }
0x29f: {  	v4 =	vsub.s32 v4, v55;
	v57 =	vcombine.low v36, v35;
	v60 =	vperm.xlane v25, v2;
	s14 =	sadd.s32 s9, s5;
	s9 =	sshra.s32 s29, $0x1F;
	s31 =	smul.u32 $0x431BDE83, s28  }
0x2a0: {  	v35 =	vcombine.low v44, v41;
	v44 =	vperm.xlane v42, v2;
	v58 =	vmov s23;
	s18 =	sshrl.u32 s17, $0x1F;
	s30 =	sshrl.u32 s14, $0x1F;
	s23 =	smul.u32 $0x431BDE83, s9  }
0x2a1: {  	v18 =	vsel vm8, v18, v56;
	v59 =	vperm.xlane v23, v2;
	v49 =	vcombine.low v48, v47;
	s28 =	sshra.s32 s8, $0x1F;
	s16 =	sadd.s32 s6, s16;
	s6 =	smulhi.u32 $0x431BDE83, s8  }
0x2a2: {  	v14 =	vadd.s32 v18, v14;
	v19 =	vsel vm8, v60, v21;
	v63 =	vsel vm0, s7, v58;
	s7 =	sshrl.u32 s13, $0x1F;
	s10 =	sshrl.u32 s12, $0x1F;
	s25 =	smul.u32 $0x431BDE83, s28  }
0x2a3: {  	v18 =	vsel vm8, v61, v22;
	v36 =	vmov s15;
	s17 =	sshra.s32 s17, $0x12;
	s0 =	sshra.s32 s14, $0x12;
	v29 =	vsel vm1, s18, v63;
	s18 =	smulhi.u32 $0x431BDE83, s3  }
0x2a4: {  	v41 =	vperm.xlane v35, v1;
	v16 =	vsel vm8, v59, v16;
	v28 =	vmov s30;
	s11 =	sadd.s32 s31, s11;
	s31 =	sshra.s32 s3, $0x1F;
	s5 =	spop (v2sf)  }
0x2a5: {  	v14 =	vmul.u32 $0xF4240, v14;
	v30 =	vsel vm0, s7, v28;
	v20 =	vsel vm2, s10, v29;
	s3 =	smulhi.u32 $0x431BDE83, s1;
	s10 =	sshra.s32 s1, $0x1F;
	s7 =	spop (v2sf)  }
0x2a6: {  	v12 =	vcombine.low v13, v12;
	v16 =	vadd.s32 v16, v19;
	v19 =	vperm.xlane v32, v1;
	s29 =	sshrl.u32 s16, $0x1F;
	s8 =	smul.u32 $0x431BDE83, s10;
	s28 =	spop (v2sf)  }
0x2a7: {  	v16 =	vmul.u32 $0xF4240, v16;
	v23 =	vsel vm0, s24, v36;
	s14 =	sshra.s32 s26, $0x1F;
	v34 =	vsel vm1, s29, v30;
	s29 =	smulhi.u32 $0x431BDE83, s28;
	s10 =	sshra.s32 s28, $0x1F  }
0x2a8: {  	v3 =	vsub.s32 v3, v14;
	v12 =	vperm.xlane v12, v1;
	s13 =	sshra.s32 s13, $0x12;
	v51 =	vmov s0;
	s0 =	sld [smem:$0x7FC];
	s10 =	smul.u32 $0x431BDE83, s10  }
0x2a9: {  	v15 =	vperm.xlane v57, v1;
	v40 =	vsel vm8, v38, v19;
	v19 =	vperm.xlane v49, v1;
	s22 =	sadd.s32 s23, s22;
	s1 =	sld [smem:$0x7FB];
	s30 =	sshrl.u32 s11, $0x1F  }
0x2aa: {  	v23 =	vsel vm1, s17, v23;
	v5 =	vsub.s32 v5, v16;
	s16 =	sshra.s32 s16, $0x12;
	v21 =	vsel vm2, s30, v34;
	s30 =	sadd.s32 s25, s6;
	s6 =	sadd.s32 s10, s29  }
0x2ab: {  	v11 =	vsel vm13, s14, v11;
	v15 =	vsel vm8, v62, v15;
	v10 =	vsel vm8, v10, v19;
	s9 =	smul.u32 $0x431BDE83, s31;
	s8 =	sadd.s32 s8, s3;
	s3 =	sshra.s32 s6, $0x1F  }
0x2ac: {  	s23 =	sld [smem:$0x7FD];
	v15 =	vadd.s32 v18, v15;
	v18 =	vperm.xlane v31, v1;
	s31 =	sshra.s32 s12, $0x12;
	s15 =	sshra.s32 s22, $0x12;
	v53 =	vmov s3  }
0x2ad: {  	s17 =	sshra.s32 s22, $0x1F;
	s11 =	sshra.s32 s11, $0x12;
	v50 =	vsel vm2, s31, v23;
	v23 =	vsel vm0, s13, v51;
	s9 =	sadd.s32 s9, s18;
	v25 =	vsel vm3, s15, v53  }
0x2ae: {  	v39 =	vsel vm8, v37, v18;
	v18 =	vperm.xlane v46, v1;
	s24 =	sshra.s32 s30, $0x12;
	s31 =	smulhi.u32 $0x431BDE83, s5;
	s5 =	sshra.s32 s5, $0x1F;
	v25 =	vsel vm9, s17, v25  }
0x2af: {  	v15 =	vmul.u32 $0xF4240, v15;
	s18 =	sshrl.u32 s22, $0x1F;
	v23 =	vsel vm1, s16, v23;
	s26 =	sshra.s32 s30, $0x1F;
	s5 =	smul.u32 $0x431BDE83, s5;
	v55 =	vsel vm0, s24, v25  }
0x2b0: {  	v57 =	vcombine.low v21, v20;
	v54 =	vsel vm8, v52, v18;
	s28 =	smulhi.u32 $0x431BDE83, s4;
	s4 =	sshra.s32 s4, $0x1F;
	s29 =	sshra.s32 s9, $0x12;
	v18 =	vsel vm10, s26, v55  }
0x2b1: {  	v7 =	vsub.s32 v7, v15;
	v14 =	vadd.s32 v39, v40;
	s25 =	sshrl.u32 s9, $0x1F;
	s4 =	smul.u32 $0x431BDE83, s4;
	s9 =	sshra.s32 s9, $0x1F;
	v18 =	vsel vm1, s29, v18  }
0x2b2: {  	s22 =	sshrl.u32 s30, $0x1F;
	v15 =	vsel vm8, v44, v41;
	s30 =	sshrl.u32 s8, $0x1F;
	v58 =	vmov s18;
	s3 =	sshra.s32 s8, $0x12;
	v18 =	vsel vm11, s9, v18  }
0x2b3: {  	v56 =	vsel vm2, s11, v23;
	v20 =	vnsel vm3, $0x0, v58;
	s5 =	sadd.s32 s5, s31;
	s4 =	sadd.s32 s4, s28;
	s8 =	sshra.s32 s8, $0x1F;
	v18 =	vsel vm2, s3, v18  }
0x2b4: {  	v19 =	vcombine.low v56, v50;
	v20 =	vsel vm0, s22, v20;
	s11 =	smulhi.u32 $0x431BDE83, s7;
	s7 =	sshra.s32 s7, $0x1F;
	s14 =	sshra.s32 s4, $0x12;
	v18 =	vsel vm12, s8, v18  }
0x2b5: {  	v13 =	vperm.xlane v57, v1;
	v20 =	vsel vm1, s25, v20;
	s7 =	smul.u32 $0x431BDE83, s7;
	s10 =	sshra.s32 s1, $0x12;
	s15 =	sshra.s32 s4, $0x1F;
	v18 =	vsel vm4, s14, v18  }
0x2b6: {  	s13 =	sshra.s32 s0, $0x12;
	v60 =	vperm.xlane v19, v1;
	s1 =	sshra.s32 s1, $0x1F;
	v11 =	vsel vm5, s10, v11;
	s17 =	sshra.s32 s5, $0x12;
	v18 =	vsel vm13, s15, v18  }
0x2b7: {  	v20 =	vsel vm2, s30, v20;
	s22 =	sshra.s32 s5, $0x1F;
	s7 =	sadd.s32 s7, s11;
	s16 =	sshrl.u32 s4, $0x1F;
	v11 =	vsel vm14, s1, v11;
	v18 =	vsel vm5, s17, v18  }
0x2b8: {  	s0 =	sshra.s32 s0, $0x1F;
	s18 =	sshrl.u32 s5, $0x1F;
	s25 =	sshra.s32 s7, $0x12;
	v20 =	vsel vm4, s16, v20;
	v11 =	vsel vm6, s13, v11;
	v18 =	vsel vm14, s22, v18  }
0x2b9: {  	s28 =	sshra.s32 s7, $0x1F;
	v20 =	vsel vm5, s18, v20;
	v11 =	vsel vm15, s0, v11;
	s0 =	sshra.s32 s23, $0x12;
	s24 =	sshrl.u32 s7, $0x1F;
	v18 =	vsel vm6, s25, v18  }
0x2ba: {  	v11 =	vsel vm7, s0, v11;
	v20 =	vsel vm6, s24, v20;
	s26 =	sshrl.u32 s6, $0x1F;
	s29 =	sshra.s32 s6, $0x12;
	v18 =	vsel vm15, s28, v18  }
0x2bb: {  	s31 =	rddreg [dreg:$0x17];
	v11 =	vperm.xlane v11, v2;
	v20 =	vsel vm7, s26, v20;
	v18 =	vsel vm7, s29, v18  }
0x2bc: {  	[tilespmem:s31+$0x10] =	vst v3;
	v3 =	vadd.s32 v15, v54;
	v20 =	vperm.xlane v20, v2;
	v61 =	vperm.xlane v18, v2  }
0x2bd: {  	v62 =	vmul.u32 $0xF4240, v14;
	s30 =	rddreg [dreg:$0x16];
	[tilespmem:s31+$0x0] =	vst v4;
	v3 =	vmul.u32 $0xF4240, v3;
	v59 =	vsel vm8, v11, v12  }
0x2be: {  	[tilespmem:s31+$0x20] =	vst v5;
	p6 =	sne.s32 s30, $0x13E00;
	v4 =	vadd.s32 v10, v59;
	v63 =	vsel vm8, v20, v13;
	v11 =	vsel vm8, v61, v60  }
.Ltmp2:
0x2bf: {  	v6 =	vsub.s32 v6, v62;
	[tilespmem:s31+$0x30] =	vst v7;
	v4 =	vmul.u32 $0xF4240, v4;
	v5 =	vadd.s32 v63, v11;
	(pc) =	sbr.rel @p6 .LBB2_2-.Ltmp2, $4  }
0x2c0: {  	[tilespmem:s31+$0x40] =	vst v6;
	v3 =	vsub.s32 v8, v3;
	v5 =	vmul.u32 $0xF4240, v5  }
0x2c1: {  	[tilespmem:s31+$0x50] =	vst v3;
	v3 =	vsub.s32 v9, v4  }
0x2c2: {  	[tilespmem:s31+$0x60] =	vst v3;
	v3 =	vsub.s32 v17, v5  }
0x2c3: {  	s0 =	sadd.s32 $0x200, s30;
	[tilespmem:s31+$0x70] =	vst v3  }
0x2c4: {  	s0 =	simm.s32 @!p5 $0x0;
	s1 =	rddreg [dreg:$0xe]  }
0x2c5: {  	[hbm4b:s1+s0] =	stream.linear.scatter @!p5 [tilespmem:s0], [sflag:$0x2], $0x5000, $0x38;
	[tilespmem:$0x144A8] =	vst v63  }
0x2c6: {  	s7 =	simm.s32 $0x1;
	s0 =	simm.s32 @p0 $0x0;
	s1 =	rddreg [dreg:$0xf]  }
0x2c7: {  	[hbm4b:s1+s0] =	stream.linear.scatter @p0 [tilespmem:s0], [sflag:$0x2], $0x5000, $0x38;
	[tilespmem:$0x144A8] =	vst v63  }
0x2c8: {  	_ =	swait.ge [sflag:s7], $0x1E85  }
0x2c9: {  	[sflag:s7] =	ssyncset.done $0x0  }
0x2ca: {  	[sflag:s7] =	ssyncadd.s32 $0xFFFFE17B  }
0x2cb: {  	s8 =	simm.s32 $0x0;
	[bflag:$0x0] =	sbarrier.arrive $0xFFFF  }
0x2cc: {  	[spmem:s2] =	stream.indirect.scatter.add.f32 [tilespmem:s20], [sflag:$0x3], $0x1, s8, s19, $0xb8;
	[tilespmem:$0x144A8] =	vst v63  }
0x2cd: {  	s9 =	simm.s32 $0x80  }
0x2ce: {  	[spmem:s2] =	stream.indirect.scatter.add.f32 [tilespmem:s20], [sflag:$0x3], $0x1, s9, s19, $0xb8;
	[tilespmem:$0x144A8] =	vst v63  }
0x2cf: {  	s10 =	simm.s32 $0x100  }
0x2d0: {  	[spmem:s2] =	stream.indirect.scatter.add.f32 [tilespmem:s20], [sflag:$0x3], $0x1, s10, s19, $0xb8;
	[tilespmem:$0x144A8] =	vst v63  }
0x2d1: {  	s11 =	simm.s32 $0x180  }
0x2d2: {  	[spmem:s2] =	stream.indirect.scatter.add.f32 [tilespmem:s20], [sflag:$0x3], $0x1, s11, s19, $0xb8;
	[tilespmem:$0x144A8] =	vst v63  }
0x2d3: {  	s12 =	simm.s32 $0x200  }
0x2d4: {  	[spmem:s2] =	stream.indirect.scatter.add.f32 [tilespmem:s20], [sflag:$0x3], $0x1, s12, s19, $0xb8;
	[tilespmem:$0x144A8] =	vst v63  }
0x2d5: {  	s13 =	simm.s32 $0x280  }
0x2d6: {  	[spmem:s2] =	stream.indirect.scatter.add.f32 [tilespmem:s20], [sflag:$0x3], $0x1, s13, s19, $0xb8;
	[tilespmem:$0x144A8] =	vst v63  }
0x2d7: {  	s14 =	simm.s32 $0x300  }
0x2d8: {  	[spmem:s2] =	stream.indirect.scatter.add.f32 [tilespmem:s20], [sflag:$0x3], $0x1, s14, s19, $0xb8;
	[tilespmem:$0x144A8] =	vst v63  }
0x2d9: {  	s15 =	simm.s32 $0x380  }
0x2da: {  	[spmem:s2] =	stream.indirect.scatter.add.f32 [tilespmem:s20], [sflag:$0x3], $0x1, s15, s19, $0xb8;
	[tilespmem:$0x144A8] =	vst v63  }
0x2db: {  	s16 =	simm.s32 $0x400  }
0x2dc: {  	[spmem:s2] =	stream.indirect.scatter.add.f32 [tilespmem:s20], [sflag:$0x3], $0x1, s16, s19, $0xb8;
	[tilespmem:$0x144A8] =	vst v63  }
0x2dd: {  	s17 =	simm.s32 $0x480  }
0x2de: {  	[spmem:s2] =	stream.indirect.scatter.add.f32 [tilespmem:s20], [sflag:$0x3], $0x1, s17, s19, $0xb8;
	[tilespmem:$0x144A8] =	vst v63  }
0x2df: {  	s18 =	simm.s32 $0x500  }
0x2e0: {  	[spmem:s2] =	stream.indirect.scatter.add.f32 [tilespmem:s20], [sflag:$0x3], $0x1, s18, s19, $0xb8;
	[tilespmem:$0x144A8] =	vst v63  }
0x2e1: {  	s22 =	simm.s32 $0x580  }
0x2e2: {  	[spmem:s2] =	stream.indirect.scatter.add.f32 [tilespmem:s20], [sflag:$0x3], $0x1, s22, s19, $0xb8;
	[tilespmem:$0x144A8] =	vst v63  }
0x2e3: {  	s23 =	simm.s32 $0x600  }
0x2e4: {  	[spmem:s2] =	stream.indirect.scatter.add.f32 [tilespmem:s20], [sflag:$0x3], $0x1, s23, s19, $0xb8;
	[tilespmem:$0x144A8] =	vst v63  }
0x2e5: {  	s24 =	simm.s32 $0x680  }
0x2e6: {  	[spmem:s2] =	stream.indirect.scatter.add.f32 [tilespmem:s20], [sflag:$0x3], $0x1, s24, s19, $0xb8;
	[tilespmem:$0x144A8] =	vst v63  }
0x2e7: {  	s25 =	simm.s32 $0x700  }
0x2e8: {  	[spmem:s2] =	stream.indirect.scatter.add.f32 [tilespmem:s20], [sflag:$0x3], $0x1, s25, s19, $0xb8;
	[tilespmem:$0x144A8] =	vst v63  }
0x2e9: {  	s26 =	simm.s32 $0x780  }
0x2ea: {  	[spmem:s2] =	stream.indirect.scatter.add.f32 [tilespmem:s20], [sflag:$0x3], $0x1, s26, s19, $0xb8;
	[tilespmem:$0x144A8] =	vst v63  }
0x2eb: {  	s28 =	simm.s32 $0x800  }
0x2ec: {  	[spmem:s2] =	stream.indirect.scatter.add.f32 [tilespmem:s20], [sflag:$0x3], $0x1, s28, s19, $0xb8;
	[tilespmem:$0x144A8] =	vst v63  }
0x2ed: {  	s29 =	simm.s32 $0x880  }
0x2ee: {  	[spmem:s2] =	stream.indirect.scatter.add.f32 [tilespmem:s20], [sflag:$0x3], $0x1, s29, s19, $0xb8;
	[tilespmem:$0x144A8] =	vst v63  }
0x2ef: {  	s30 =	simm.s32 $0x900  }
0x2f0: {  	[spmem:s2] =	stream.indirect.scatter.add.f32 [tilespmem:s20], [sflag:$0x3], $0x1, s30, s19, $0xb8;
	[tilespmem:$0x144A8] =	vst v63  }
0x2f1: {  	s31 =	simm.s32 $0x980  }
0x2f2: {  	[spmem:s2] =	stream.indirect.scatter.add.f32 [tilespmem:s20], [sflag:$0x3], $0x1, s31, s19, $0xb8;
	[tilespmem:$0x144A8] =	vst v63  }
0x2f3: {  	_ =	swait.ge [sflag:s21], $0x80  }
0x2f4: {  	[sflag:s21] =	ssyncset.done $0x0  }
0x2f5: {  	[sflag:s21] =	ssyncadd.s32 $0xFFFFFF80  }
0x2f6: {  	_ =	swait.ge [sflag:s21], $0x80  }
0x2f7: {  	[sflag:s21] =	ssyncset.done $0x0  }
0x2f8: {  	[sflag:s21] =	ssyncadd.s32 $0xFFFFFF80  }
0x2f9: {  	_ =	swait.ge [sflag:s21], $0x80  }
0x2fa: {  	[sflag:s21] =	ssyncset.done $0x0  }
0x2fb: {  	[sflag:s21] =	ssyncadd.s32 $0xFFFFFF80  }
0x2fc: {  	_ =	swait.ge [sflag:s21], $0x80  }
0x2fd: {  	[sflag:s21] =	ssyncset.done $0x0  }
0x2fe: {  	[sflag:s21] =	ssyncadd.s32 $0xFFFFFF80  }
0x2ff: {  	_ =	swait.ge [sflag:s21], $0x80  }
0x300: {  	[sflag:s21] =	ssyncset.done $0x0  }
0x301: {  	[sflag:s21] =	ssyncadd.s32 $0xFFFFFF80  }
0x302: {  	_ =	swait.ge [sflag:s21], $0x80  }
0x303: {  	[sflag:s21] =	ssyncset.done $0x0  }
0x304: {  	[sflag:s21] =	ssyncadd.s32 $0xFFFFFF80  }
0x305: {  	_ =	swait.ge [sflag:s21], $0x80  }
0x306: {  	[sflag:s21] =	ssyncset.done $0x0  }
0x307: {  	[sflag:s21] =	ssyncadd.s32 $0xFFFFFF80  }
0x308: {  	_ =	swait.ge [sflag:s21], $0x80  }
0x309: {  	[sflag:s21] =	ssyncset.done $0x0  }
0x30a: {  	[sflag:s21] =	ssyncadd.s32 $0xFFFFFF80  }
0x30b: {  	_ =	swait.ge [sflag:s21], $0x80  }
0x30c: {  	[sflag:s21] =	ssyncset.done $0x0  }
0x30d: {  	[sflag:s21] =	ssyncadd.s32 $0xFFFFFF80  }
0x30e: {  	_ =	swait.ge [sflag:s21], $0x80  }
0x30f: {  	[sflag:s21] =	ssyncset.done $0x0  }
0x310: {  	[sflag:s21] =	ssyncadd.s32 $0xFFFFFF80  }
0x311: {  	_ =	swait.ge [sflag:s21], $0x80  }
0x312: {  	[sflag:s21] =	ssyncset.done $0x0  }
0x313: {  	[sflag:s21] =	ssyncadd.s32 $0xFFFFFF80  }
0x314: {  	_ =	swait.ge [sflag:s21], $0x80  }
0x315: {  	[sflag:s21] =	ssyncset.done $0x0  }
0x316: {  	[sflag:s21] =	ssyncadd.s32 $0xFFFFFF80  }
0x317: {  	_ =	swait.ge [sflag:s21], $0x80  }
0x318: {  	[sflag:s21] =	ssyncset.done $0x0  }
0x319: {  	[sflag:s21] =	ssyncadd.s32 $0xFFFFFF80  }
0x31a: {  	_ =	swait.ge [sflag:s21], $0x80  }
0x31b: {  	[sflag:s21] =	ssyncset.done $0x0  }
0x31c: {  	[sflag:s21] =	ssyncadd.s32 $0xFFFFFF80  }
0x31d: {  	_ =	swait.ge [sflag:s21], $0x80  }
0x31e: {  	[sflag:s21] =	ssyncset.done $0x0  }
0x31f: {  	[sflag:s21] =	ssyncadd.s32 $0xFFFFFF80  }
0x320: {  	_ =	swait.ge [sflag:s21], $0x80  }
0x321: {  	[sflag:s21] =	ssyncset.done $0x0  }
0x322: {  	[sflag:s21] =	ssyncadd.s32 $0xFFFFFF80  }
0x323: {  	_ =	swait.ge [sflag:s21], $0x80  }
0x324: {  	[sflag:s21] =	ssyncset.done $0x0  }
0x325: {  	[sflag:s21] =	ssyncadd.s32 $0xFFFFFF80  }
0x326: {  	_ =	swait.ge [sflag:s21], $0x80  }
0x327: {  	[sflag:s21] =	ssyncset.done $0x0  }
0x328: {  	[sflag:s21] =	ssyncadd.s32 $0xFFFFFF80  }
0x329: {  	_ =	swait.ge [sflag:s21], $0x80  }
0x32a: {  	[sflag:s21] =	ssyncset.done $0x0  }
0x32b: {  	[sflag:s21] =	ssyncadd.s32 $0xFFFFFF80  }
0x32c: {  	_ =	swait.ge [sflag:s21], $0x80  }
0x32d: {  	s4 =	simm.s32 $0x5000;
	s0 =	simm.s32 $0x2800;
	[sflag:s21] =	ssyncset.done $0x0  }
.LBB2_4:
0x32e: {  	s3 =	sshra.s32 s0, $0x2  }
0x32f: {  	[sflag:s21] =	ssyncadd.s32 $0xFFFFFF80;
	s0 =	smov.u32 s4;
	s1 =	sadd.s32 $0x2800, s4  }
0x330: {  	[spmem:s2] =	stream.indirect.scatter.add.f32 [tilespmem:s20], [sflag:$0x3], $0x1, s3, s19, $0xb8;
	[tilespmem:$0x144A8] =	vst v63  }
0x331: {  	p6 =	sne.s32 s4, $0x11800;
	s4 =	sadd.s32 $0x80, s3  }
0x332: {  	[spmem:s2] =	stream.indirect.scatter.add.f32 [tilespmem:s20], [sflag:$0x3], $0x1, s4, s19, $0xb8;
	[tilespmem:$0x144A8] =	vst v63  }
0x333: {  	s4 =	sadd.s32 $0x100, s3  }
0x334: {  	[spmem:s2] =	stream.indirect.scatter.add.f32 [tilespmem:s20], [sflag:$0x3], $0x1, s4, s19, $0xb8;
	[tilespmem:$0x144A8] =	vst v63  }
0x335: {  	s4 =	sadd.s32 $0x180, s3  }
0x336: {  	[spmem:s2] =	stream.indirect.scatter.add.f32 [tilespmem:s20], [sflag:$0x3], $0x1, s4, s19, $0xb8;
	[tilespmem:$0x144A8] =	vst v63  }
0x337: {  	s4 =	sadd.s32 $0x200, s3  }
0x338: {  	[spmem:s2] =	stream.indirect.scatter.add.f32 [tilespmem:s20], [sflag:$0x3], $0x1, s4, s19, $0xb8;
	[tilespmem:$0x144A8] =	vst v63  }
0x339: {  	s4 =	sadd.s32 $0x280, s3  }
0x33a: {  	[spmem:s2] =	stream.indirect.scatter.add.f32 [tilespmem:s20], [sflag:$0x3], $0x1, s4, s19, $0xb8;
	[tilespmem:$0x144A8] =	vst v63  }
0x33b: {  	s4 =	sadd.s32 $0x300, s3  }
0x33c: {  	[spmem:s2] =	stream.indirect.scatter.add.f32 [tilespmem:s20], [sflag:$0x3], $0x1, s4, s19, $0xb8;
	[tilespmem:$0x144A8] =	vst v63  }
0x33d: {  	s4 =	sadd.s32 $0x380, s3  }
0x33e: {  	[spmem:s2] =	stream.indirect.scatter.add.f32 [tilespmem:s20], [sflag:$0x3], $0x1, s4, s19, $0xb8;
	[tilespmem:$0x144A8] =	vst v63  }
0x33f: {  	s4 =	sadd.s32 $0x400, s3  }
0x340: {  	[spmem:s2] =	stream.indirect.scatter.add.f32 [tilespmem:s20], [sflag:$0x3], $0x1, s4, s19, $0xb8;
	[tilespmem:$0x144A8] =	vst v63  }
0x341: {  	s4 =	sadd.s32 $0x480, s3  }
0x342: {  	[spmem:s2] =	stream.indirect.scatter.add.f32 [tilespmem:s20], [sflag:$0x3], $0x1, s4, s19, $0xb8;
	[tilespmem:$0x144A8] =	vst v63  }
0x343: {  	s4 =	sadd.s32 $0x500, s3  }
0x344: {  	[spmem:s2] =	stream.indirect.scatter.add.f32 [tilespmem:s20], [sflag:$0x3], $0x1, s4, s19, $0xb8;
	[tilespmem:$0x144A8] =	vst v63  }
0x345: {  	s4 =	sadd.s32 $0x580, s3  }
0x346: {  	[spmem:s2] =	stream.indirect.scatter.add.f32 [tilespmem:s20], [sflag:$0x3], $0x1, s4, s19, $0xb8;
	[tilespmem:$0x144A8] =	vst v63  }
0x347: {  	s4 =	sadd.s32 $0x600, s3  }
0x348: {  	[spmem:s2] =	stream.indirect.scatter.add.f32 [tilespmem:s20], [sflag:$0x3], $0x1, s4, s19, $0xb8;
	[tilespmem:$0x144A8] =	vst v63  }
0x349: {  	s4 =	sadd.s32 $0x680, s3  }
0x34a: {  	[spmem:s2] =	stream.indirect.scatter.add.f32 [tilespmem:s20], [sflag:$0x3], $0x1, s4, s19, $0xb8;
	[tilespmem:$0x144A8] =	vst v63  }
0x34b: {  	s4 =	sadd.s32 $0x700, s3  }
0x34c: {  	[spmem:s2] =	stream.indirect.scatter.add.f32 [tilespmem:s20], [sflag:$0x3], $0x1, s4, s19, $0xb8;
	[tilespmem:$0x144A8] =	vst v63  }
0x34d: {  	s4 =	sadd.s32 $0x780, s3  }
0x34e: {  	[spmem:s2] =	stream.indirect.scatter.add.f32 [tilespmem:s20], [sflag:$0x3], $0x1, s4, s19, $0xb8;
	[tilespmem:$0x144A8] =	vst v63  }
0x34f: {  	s4 =	sadd.s32 $0x800, s3  }
0x350: {  	[spmem:s2] =	stream.indirect.scatter.add.f32 [tilespmem:s20], [sflag:$0x3], $0x1, s4, s19, $0xb8;
	[tilespmem:$0x144A8] =	vst v63  }
0x351: {  	s4 =	sadd.s32 $0x880, s3  }
0x352: {  	[spmem:s2] =	stream.indirect.scatter.add.f32 [tilespmem:s20], [sflag:$0x3], $0x1, s4, s19, $0xb8;
	[tilespmem:$0x144A8] =	vst v63  }
0x353: {  	s4 =	sadd.s32 $0x900, s3  }
0x354: {  	[spmem:s2] =	stream.indirect.scatter.add.f32 [tilespmem:s20], [sflag:$0x3], $0x1, s4, s19, $0xb8;
	[tilespmem:$0x144A8] =	vst v63  }
0x355: {  	s3 =	sadd.s32 $0x980, s3  }
0x356: {  	[spmem:s2] =	stream.indirect.scatter.add.f32 [tilespmem:s20], [sflag:$0x3], $0x1, s3, s19, $0xb8;
	[tilespmem:$0x144A8] =	vst v63  }
0x357: {  	_ =	swait.ge [sflag:s21], $0x80  }
0x358: {  	[sflag:s21] =	ssyncset.done $0x0  }
0x359: {  	[sflag:s21] =	ssyncadd.s32 $0xFFFFFF80  }
0x35a: {  	_ =	swait.ge [sflag:s21], $0x80  }
0x35b: {  	[sflag:s21] =	ssyncset.done $0x0  }
0x35c: {  	[sflag:s21] =	ssyncadd.s32 $0xFFFFFF80  }
0x35d: {  	_ =	swait.ge [sflag:s21], $0x80  }
0x35e: {  	[sflag:s21] =	ssyncset.done $0x0  }
0x35f: {  	[sflag:s21] =	ssyncadd.s32 $0xFFFFFF80  }
0x360: {  	_ =	swait.ge [sflag:s21], $0x80  }
0x361: {  	[sflag:s21] =	ssyncset.done $0x0  }
0x362: {  	[sflag:s21] =	ssyncadd.s32 $0xFFFFFF80  }
0x363: {  	_ =	swait.ge [sflag:s21], $0x80  }
0x364: {  	[sflag:s21] =	ssyncset.done $0x0  }
0x365: {  	[sflag:s21] =	ssyncadd.s32 $0xFFFFFF80  }
0x366: {  	_ =	swait.ge [sflag:s21], $0x80  }
0x367: {  	[sflag:s21] =	ssyncset.done $0x0  }
0x368: {  	[sflag:s21] =	ssyncadd.s32 $0xFFFFFF80  }
0x369: {  	_ =	swait.ge [sflag:s21], $0x80  }
0x36a: {  	[sflag:s21] =	ssyncset.done $0x0  }
0x36b: {  	[sflag:s21] =	ssyncadd.s32 $0xFFFFFF80  }
0x36c: {  	_ =	swait.ge [sflag:s21], $0x80  }
0x36d: {  	[sflag:s21] =	ssyncset.done $0x0  }
0x36e: {  	[sflag:s21] =	ssyncadd.s32 $0xFFFFFF80  }
0x36f: {  	_ =	swait.ge [sflag:s21], $0x80  }
0x370: {  	[sflag:s21] =	ssyncset.done $0x0  }
0x371: {  	[sflag:s21] =	ssyncadd.s32 $0xFFFFFF80  }
0x372: {  	_ =	swait.ge [sflag:s21], $0x80  }
0x373: {  	[sflag:s21] =	ssyncset.done $0x0  }
0x374: {  	[sflag:s21] =	ssyncadd.s32 $0xFFFFFF80  }
0x375: {  	_ =	swait.ge [sflag:s21], $0x80  }
0x376: {  	[sflag:s21] =	ssyncset.done $0x0  }
0x377: {  	[sflag:s21] =	ssyncadd.s32 $0xFFFFFF80  }
0x378: {  	_ =	swait.ge [sflag:s21], $0x80  }
0x379: {  	[sflag:s21] =	ssyncset.done $0x0  }
0x37a: {  	[sflag:s21] =	ssyncadd.s32 $0xFFFFFF80  }
0x37b: {  	_ =	swait.ge [sflag:s21], $0x80  }
0x37c: {  	[sflag:s21] =	ssyncset.done $0x0  }
0x37d: {  	[sflag:s21] =	ssyncadd.s32 $0xFFFFFF80  }
0x37e: {  	_ =	swait.ge [sflag:s21], $0x80  }
0x37f: {  	[sflag:s21] =	ssyncset.done $0x0  }
0x380: {  	[sflag:s21] =	ssyncadd.s32 $0xFFFFFF80  }
0x381: {  	_ =	swait.ge [sflag:s21], $0x80  }
0x382: {  	[sflag:s21] =	ssyncset.done $0x0  }
0x383: {  	[sflag:s21] =	ssyncadd.s32 $0xFFFFFF80  }
0x384: {  	_ =	swait.ge [sflag:s21], $0x80  }
0x385: {  	[sflag:s21] =	ssyncset.done $0x0  }
0x386: {  	[sflag:s21] =	ssyncadd.s32 $0xFFFFFF80  }
0x387: {  	_ =	swait.ge [sflag:s21], $0x80  }
0x388: {  	[sflag:s21] =	ssyncset.done $0x0  }
0x389: {  	[sflag:s21] =	ssyncadd.s32 $0xFFFFFF80  }
0x38a: {  	_ =	swait.ge [sflag:s21], $0x80  }
0x38b: {  	[sflag:s21] =	ssyncset.done $0x0  }
0x38c: {  	[sflag:s21] =	ssyncadd.s32 $0xFFFFFF80  }
.Ltmp3:
0x38d: {  	_ =	swait.ge [sflag:s21], $0x80;
	(pc) =	sbr.rel @p6 .LBB2_4-.Ltmp3, $4  }
0x38e: {  	[sflag:s21] =	ssyncset.done $0x0  }
0x38f: {  	[sflag:s21] =	ssyncadd.s32 $0xFFFFFF80  }
0x390: {  	_ =	swait.ge [sflag:s21], $0x80  }
0x391: {  	s4 =	smov.u32 s1;
	[sflag:s21] =	ssyncset.done $0x0  }
0x392: {  	s0 =	sshra.s32 s0, $0x2;
	[sflag:s21] =	ssyncadd.s32 $0xFFFFFF80  }
0x393: {  	[spmem:s2] =	stream.indirect.scatter.add.f32 [tilespmem:s20], [sflag:$0x3], $0x1, s0, s19, $0xb8;
	[tilespmem:$0x144A8] =	vst v63  }
0x394: {  	s1 =	sadd.s32 $0x80, s0  }
0x395: {  	[spmem:s2] =	stream.indirect.scatter.add.f32 [tilespmem:s20], [sflag:$0x3], $0x1, s1, s19, $0xb8;
	[tilespmem:$0x144A8] =	vst v63  }
0x396: {  	s11 =	sadd.s32 $0x100, s0  }
0x397: {  	[spmem:s2] =	stream.indirect.scatter.add.f32 [tilespmem:s20], [sflag:$0x3], $0x1, s11, s19, $0xb8;
	[tilespmem:$0x144A8] =	vst v63  }
0x398: {  	s12 =	sadd.s32 $0x180, s0  }
0x399: {  	[spmem:s2] =	stream.indirect.scatter.add.f32 [tilespmem:s20], [sflag:$0x3], $0x1, s12, s19, $0xb8;
	[tilespmem:$0x144A8] =	vst v63  }
0x39a: {  	s13 =	sadd.s32 $0x200, s0  }
0x39b: {  	[spmem:s2] =	stream.indirect.scatter.add.f32 [tilespmem:s20], [sflag:$0x3], $0x1, s13, s19, $0xb8;
	[tilespmem:$0x144A8] =	vst v63  }
0x39c: {  	s14 =	sadd.s32 $0x280, s0  }
0x39d: {  	[spmem:s2] =	stream.indirect.scatter.add.f32 [tilespmem:s20], [sflag:$0x3], $0x1, s14, s19, $0xb8;
	[tilespmem:$0x144A8] =	vst v63  }
0x39e: {  	s15 =	sadd.s32 $0x300, s0  }
0x39f: {  	[spmem:s2] =	stream.indirect.scatter.add.f32 [tilespmem:s20], [sflag:$0x3], $0x1, s15, s19, $0xb8;
	[tilespmem:$0x144A8] =	vst v63  }
0x3a0: {  	s16 =	sadd.s32 $0x380, s0  }
0x3a1: {  	[spmem:s2] =	stream.indirect.scatter.add.f32 [tilespmem:s20], [sflag:$0x3], $0x1, s16, s19, $0xb8;
	[tilespmem:$0x144A8] =	vst v63  }
0x3a2: {  	s17 =	sadd.s32 $0x400, s0  }
0x3a3: {  	[spmem:s2] =	stream.indirect.scatter.add.f32 [tilespmem:s20], [sflag:$0x3], $0x1, s17, s19, $0xb8;
	[tilespmem:$0x144A8] =	vst v63  }
0x3a4: {  	s18 =	sadd.s32 $0x480, s0  }
0x3a5: {  	[spmem:s2] =	stream.indirect.scatter.add.f32 [tilespmem:s20], [sflag:$0x3], $0x1, s18, s19, $0xb8;
	[tilespmem:$0x144A8] =	vst v63  }
0x3a6: {  	s22 =	sadd.s32 $0x500, s0  }
0x3a7: {  	[spmem:s2] =	stream.indirect.scatter.add.f32 [tilespmem:s20], [sflag:$0x3], $0x1, s22, s19, $0xb8;
	[tilespmem:$0x144A8] =	vst v63  }
0x3a8: {  	s23 =	sadd.s32 $0x580, s0  }
0x3a9: {  	[spmem:s2] =	stream.indirect.scatter.add.f32 [tilespmem:s20], [sflag:$0x3], $0x1, s23, s19, $0xb8;
	[tilespmem:$0x144A8] =	vst v63  }
0x3aa: {  	s24 =	sadd.s32 $0x600, s0  }
0x3ab: {  	[spmem:s2] =	stream.indirect.scatter.add.f32 [tilespmem:s20], [sflag:$0x3], $0x1, s24, s19, $0xb8;
	[tilespmem:$0x144A8] =	vst v63  }
0x3ac: {  	s25 =	sadd.s32 $0x680, s0  }
0x3ad: {  	[spmem:s2] =	stream.indirect.scatter.add.f32 [tilespmem:s20], [sflag:$0x3], $0x1, s25, s19, $0xb8;
	[tilespmem:$0x144A8] =	vst v63  }
0x3ae: {  	s26 =	sadd.s32 $0x700, s0  }
0x3af: {  	[spmem:s2] =	stream.indirect.scatter.add.f32 [tilespmem:s20], [sflag:$0x3], $0x1, s26, s19, $0xb8;
	[tilespmem:$0x144A8] =	vst v63  }
0x3b0: {  	s28 =	sadd.s32 $0x780, s0  }
0x3b1: {  	[spmem:s2] =	stream.indirect.scatter.add.f32 [tilespmem:s20], [sflag:$0x3], $0x1, s28, s19, $0xb8;
	[tilespmem:$0x144A8] =	vst v63  }
0x3b2: {  	s29 =	sadd.s32 $0x800, s0  }
0x3b3: {  	[spmem:s2] =	stream.indirect.scatter.add.f32 [tilespmem:s20], [sflag:$0x3], $0x1, s29, s19, $0xb8;
	[tilespmem:$0x144A8] =	vst v63  }
0x3b4: {  	s30 =	sadd.s32 $0x880, s0  }
0x3b5: {  	[spmem:s2] =	stream.indirect.scatter.add.f32 [tilespmem:s20], [sflag:$0x3], $0x1, s30, s19, $0xb8;
	[tilespmem:$0x144A8] =	vst v63  }
0x3b6: {  	s31 =	sadd.s32 $0x900, s0  }
0x3b7: {  	[spmem:s2] =	stream.indirect.scatter.add.f32 [tilespmem:s20], [sflag:$0x3], $0x1, s31, s19, $0xb8;
	[tilespmem:$0x144A8] =	vst v63  }
0x3b8: {  	s0 =	sadd.s32 $0x980, s0  }
0x3b9: {  	[spmem:s2] =	stream.indirect.scatter.add.f32 [tilespmem:s20], [sflag:$0x3], $0x1, s0, s19, $0xb8;
	[tilespmem:$0x144A8] =	vst v63  }
0x3ba: {  	_ =	swait.ge [sflag:s21], $0x80  }
0x3bb: {  	[sflag:s21] =	ssyncset.done $0x0  }
0x3bc: {  	[sflag:s21] =	ssyncadd.s32 $0xFFFFFF80  }
0x3bd: {  	_ =	swait.ge [sflag:s21], $0x80  }
0x3be: {  	[sflag:s21] =	ssyncset.done $0x0  }
0x3bf: {  	[sflag:s21] =	ssyncadd.s32 $0xFFFFFF80  }
0x3c0: {  	_ =	swait.ge [sflag:s21], $0x80  }
0x3c1: {  	[sflag:s21] =	ssyncset.done $0x0  }
0x3c2: {  	[sflag:s21] =	ssyncadd.s32 $0xFFFFFF80  }
0x3c3: {  	_ =	swait.ge [sflag:s21], $0x80  }
0x3c4: {  	[sflag:s21] =	ssyncset.done $0x0  }
0x3c5: {  	[sflag:s21] =	ssyncadd.s32 $0xFFFFFF80  }
0x3c6: {  	_ =	swait.ge [sflag:s21], $0x80  }
0x3c7: {  	[sflag:s21] =	ssyncset.done $0x0  }
0x3c8: {  	[sflag:s21] =	ssyncadd.s32 $0xFFFFFF80  }
0x3c9: {  	_ =	swait.ge [sflag:s21], $0x80  }
0x3ca: {  	[sflag:s21] =	ssyncset.done $0x0  }
0x3cb: {  	[sflag:s21] =	ssyncadd.s32 $0xFFFFFF80  }
0x3cc: {  	_ =	swait.ge [sflag:s21], $0x80  }
0x3cd: {  	[sflag:s21] =	ssyncset.done $0x0  }
0x3ce: {  	[sflag:s21] =	ssyncadd.s32 $0xFFFFFF80  }
0x3cf: {  	_ =	swait.ge [sflag:s21], $0x80  }
0x3d0: {  	[sflag:s21] =	ssyncset.done $0x0  }
0x3d1: {  	[sflag:s21] =	ssyncadd.s32 $0xFFFFFF80  }
0x3d2: {  	_ =	swait.ge [sflag:s21], $0x80  }
0x3d3: {  	[sflag:s21] =	ssyncset.done $0x0  }
0x3d4: {  	[sflag:s21] =	ssyncadd.s32 $0xFFFFFF80  }
0x3d5: {  	_ =	swait.ge [sflag:s21], $0x80  }
0x3d6: {  	[sflag:s21] =	ssyncset.done $0x0  }
0x3d7: {  	[sflag:s21] =	ssyncadd.s32 $0xFFFFFF80  }
0x3d8: {  	_ =	swait.ge [sflag:s21], $0x80  }
0x3d9: {  	[sflag:s21] =	ssyncset.done $0x0  }
0x3da: {  	[sflag:s21] =	ssyncadd.s32 $0xFFFFFF80  }
0x3db: {  	_ =	swait.ge [sflag:s21], $0x80  }
0x3dc: {  	[sflag:s21] =	ssyncset.done $0x0  }
0x3dd: {  	[sflag:s21] =	ssyncadd.s32 $0xFFFFFF80  }
0x3de: {  	_ =	swait.ge [sflag:s21], $0x80  }
0x3df: {  	[sflag:s21] =	ssyncset.done $0x0  }
0x3e0: {  	[sflag:s21] =	ssyncadd.s32 $0xFFFFFF80  }
0x3e1: {  	_ =	swait.ge [sflag:s21], $0x80  }
0x3e2: {  	[sflag:s21] =	ssyncset.done $0x0  }
0x3e3: {  	[sflag:s21] =	ssyncadd.s32 $0xFFFFFF80  }
0x3e4: {  	_ =	swait.ge [sflag:s21], $0x80  }
0x3e5: {  	[sflag:s21] =	ssyncset.done $0x0  }
0x3e6: {  	[sflag:s21] =	ssyncadd.s32 $0xFFFFFF80  }
0x3e7: {  	_ =	swait.ge [sflag:s21], $0x80  }
0x3e8: {  	[sflag:s21] =	ssyncset.done $0x0  }
0x3e9: {  	[sflag:s21] =	ssyncadd.s32 $0xFFFFFF80  }
0x3ea: {  	_ =	swait.ge [sflag:s21], $0x80  }
0x3eb: {  	[sflag:s21] =	ssyncset.done $0x0  }
0x3ec: {  	[sflag:s21] =	ssyncadd.s32 $0xFFFFFF80  }
0x3ed: {  	_ =	swait.ge [sflag:s21], $0x80  }
0x3ee: {  	[sflag:s21] =	ssyncset.done $0x0  }
0x3ef: {  	[sflag:s21] =	ssyncadd.s32 $0xFFFFFF80  }
0x3f0: {  	_ =	swait.ge [sflag:s21], $0x80  }
0x3f1: {  	[sflag:s21] =	ssyncset.done $0x0  }
0x3f2: {  	[sflag:s21] =	ssyncadd.s32 $0xFFFFFF80  }
.Ltmp4:
0x3f3: {  	_ =	swait.ge [sflag:s21], $0x80;
	(pc) =	sbr.rel @!p2 .LBB2_8-.Ltmp4, $4  }
0x3f4: {  	[sflag:s21] =	ssyncset.done $0x0  }
0x3f5: {  	[sflag:s21] =	ssyncadd.s32 $0xFFFFFF80  }
0x3f6: {  	[bflag:$0x0] =	sbarrier.arrive $0xFFFF  }
0x3f7: {  	s3 =	stileid.u32;
	s6 =	rddreg [dreg:$0xa]  }
0x3f8: {  	s0 =	rddreg [dreg:$0x9]  }
0x3f9: {  	s1 =	rddreg [dreg:$0x11]  }
0x3fa: {  	s4 =	rddreg [dreg:$0x15]  }
.Ltmp5:
0x3fb: {  	s31 =	simm.s32 $0x4;
	s0 =	sor.u32 $0x1C04, s0;
	(pc) =	sbr.rel .LBB2_7-.Ltmp5, $4  }
0x3fc: {  	[hbm:s1], [sflag:s0] =	dma.local [spmem:s4], $0x1E85  }
0x3fd: {  	_ =	swait.ge [sflag:s31], $0x1E85  }
0x3fe: {  	[sflag:s31] =	ssyncset.done $0x0  }
0x3ff: {  	p6 =	por $0x0, $0x0;
	s12 =	rddreg [dreg:$0x7];
	[sflag:s31] =	ssyncadd.s32 $0xFFFFE17B  }
.LBB2_8:
.Ltmp6:
0x400: {  	(pc) =	sbr.rel @p3 .LBB2_9-.Ltmp6, $2  }
0x401: {  	_ =	sdelay $0x2  }
0x402: {  	p6 =	por p1, p1;
	s12 =	rddreg [dreg:$0x7]  }
.LBB2_7:
0x403: {  	s0 =	sshll.u32 @p4 s3, $0x6  }
0x404: {  	s1 =	sshrl.u32 @p4 s6, $0x3;
	s4 =	rddreg [dreg:$0x12];
	s0 =	sor.u32 @p4 $0x1C04, s0  }
0x405: {  	[hbm:s4], [sflag:s0] =	dma.local @p4 [spmem:s1], $0x1E85  }
.Ltmp7:
0x406: {  	_ = 	snop;
	(pc) =	sbr.rel .LBB2_10-.Ltmp7, $4  }
0x407: {  	s0 =	simm.s32 @p4 $0x4  }
0x408: {  	_ =	swait.ge @p4 [sflag:s0], $0x1E85  }
0x409: {  	[sflag:s0] =	ssyncset.done @p4 $0x0  }
0x40a: {  	[sflag:s0] =	ssyncadd.s32 @p4 $0xFFFFE17B  }
.LBB2_11:
0x40b: {  	_ =	sfence.sel $0x180000  }
0x40c: {  	[bflag:$0x0] =	sbarrier.arrive $0xFFFF  }
0x40d: {  	_ =	strace $0x90000047  }
0x40e: {  	[bflag:$0x2] =	sbarrier.arrive $0xFFFF  }
0x40f: {  	p0 =	sne.s32 s3, $0x0;
	s0 =	rddreg [dreg:$0x6]  }
0x410: {  	s0 =	sadd.s32 @!p0 $0x100000, s0  }
0x411: {  	[sflag:s0] =	ssyncadd.tile.s32 @!p0 $0x1;
	_ =	shalt  }
.Lfunc_end2:
_tile_overlayer_lowered:
.L_overlay_start_2:
0x412: {  	(tag) =	ssettag $0x2  }
0x413: {  	s0 =	rddreg [dreg:$0x0];
	s2 =	stileid.u32  }
0x414: {  	s1 =	rddreg [dreg:$0x1];
	p0 =	sne.s32 s2, $0x0  }
0x415: {  	s3 =	rddreg [dreg:$0x2];
	[bflag:$0x3] =	sbarrier.arrive $0xFFFF;
	s2 =	simm.s32 @!p0 $0x1C04  }
0x416: {  	[timem:s3], [sflag:s2] =	dma.local @!p0 [hbm:s0], s1  }
0x417: {  	s0 =	simm.s32 @!p0 $0x4  }
0x418: {  	_ =	swait.ge @!p0 [sflag:s0], s1  }
0x419: {  	s1 =	ssub.s32 @!p0 $0x0, s1;
	[sflag:s0] =	ssyncset.done @!p0 $0x0  }
0x41a: {  	[sflag:s0] =	ssyncadd.s32 @!p0 s1  }
0x41b: {  	[bflag:$0x3] =	sbarrier.arrive $0xFFFF  }
0x41c: {  	_ =	shalt  }

</sc_bundles>
